<compile_context>
chip_gen: v7x
topology: tpu7x:2x2x1
jax: 0.10.2.dev20260603
libtpu: 0.0.44.dev20260713+nightly
codegen_flags: <defaults>
</compile_context>

<pallas_src>
import functools

import jax
import jax.numpy as jnp
from jax import lax
from jax.experimental import pallas as pl
from jax.experimental.pallas import tpu as pltpu
from jax.experimental.pallas import tpu_sc as plsc

VOCAB = 457
EMB = 64
BATCH = 16384
SEQ_LEN = 200
NPAIR = SEQ_LEN // 2
N = BATCH * SEQ_LEN
LINES = N // 2
IDX4_ROWS = N // 128

_info = plsc.get_sparse_core_info()
NC = _info.num_cores
NS = _info.num_subcores
NW = NC * NS
SUB = 128
CHUNK_LINES = 256
PER_W_LINES = LINES // NW
N_ITERS = PER_W_LINES // CHUNK_LINES

assert LINES % (NW * CHUNK_LINES) == 0 and N_ITERS % 2 == 0


def _sc_lookup_one(idx4, table):
    mesh = plsc.VectorSubcoreMesh(core_axis_name="c", subcore_axis_name="s")

    @functools.partial(
        pl.kernel,
        mesh=mesh,
        out_type=jax.ShapeDtypeStruct((LINES, 128), jnp.float32),
        scratch_types=[
            pltpu.VMEM_SHARED((VOCAB, EMB), jnp.float32),
            pltpu.VMEM((2, 4, SUB), jnp.int32),
            pltpu.VMEM((2, 4, SUB, EMB), jnp.float32),
            [pltpu.SemaphoreType.DMA, pltpu.SemaphoreType.DMA],
            [pltpu.SemaphoreType.DMA, pltpu.SemaphoreType.DMA],
        ],
        compiler_params=pltpu.CompilerParams(use_tc_tiling_on_sc=False),
    )
    def k(idx_hbm, tab_hbm, out_hbm, tab_v, idx_v, rows_v, gsem, osem):
        wid = lax.axis_index("s") * NC + lax.axis_index("c")
        base_irow = wid * 4 * N_ITERS
        base_line = wid * PER_W_LINES

        @pl.when(lax.axis_index("s") == 0)
        def _():
            pltpu.sync_copy(tab_hbm, tab_v)

        plsc.subcore_barrier()

        def fire_gathers(g, b):
            irow = base_irow + g * 4
            pltpu.sync_copy(idx_hbm.at[pl.ds(irow, 4)], idx_v.at[b])
            for j in range(4):
                pltpu.async_copy(
                    tab_v.at[idx_v.at[b, j]],
                    rows_v.at[b, j],
                    gsem[b],
                )

        def wait_gathers(b):
            for j in range(4):
                pltpu.make_async_copy(
                    tab_v.at[idx_v.at[b, j]],
                    rows_v.at[b, j],
                    gsem[b],
                ).wait()

        def _out_slices(g):
            line = base_line + g * CHUNK_LINES
            return [
                out_hbm.at[pl.ds(line, SUB), pl.ds(0, EMB)],
                out_hbm.at[pl.ds(line + SUB, SUB), pl.ds(0, EMB)],
                out_hbm.at[pl.ds(line, SUB), pl.ds(EMB, EMB)],
                out_hbm.at[pl.ds(line + SUB, SUB), pl.ds(EMB, EMB)],
            ]

        def fire_out(g, b):
            for j, dst in enumerate(_out_slices(g)):
                pltpu.async_copy(rows_v.at[b, j], dst, osem[b])

        def wait_out(g, b):
            for j, dst in enumerate(_out_slices(g)):
                pltpu.make_async_copy(rows_v.at[b, j], dst, osem[b]).wait()

        fire_gathers(0, 0)

        def step(g2, carry):
            for b in range(2):
                g = 2 * g2 + b
                nb2 = 1 - b

                @pl.when(g + 1 < N_ITERS)
                def _():
                    @pl.when(g >= 1)
                    def _():
                        wait_out(g - 1, nb2)
                    fire_gathers(g + 1, nb2)

                wait_gathers(b)
                fire_out(g, b)
            return carry

        lax.fori_loop(0, N_ITERS // 2, step, 0)
        wait_out(N_ITERS - 1, (N_ITERS - 1) % 2)
        wait_out(N_ITERS - 2, (N_ITERS - 2) % 2)

    return k(idx4, table)


def _idx4(a):
    z = jnp.transpose(a.astype(jnp.int32)).reshape(NPAIR, 2, BATCH)
    ev = z[:, 0, :].reshape(IDX4_ROWS // 4, 2, 128)
    od = z[:, 1, :].reshape(IDX4_ROWS // 4, 2, 128)
    return jnp.stack([ev, od], axis=1).reshape(IDX4_ROWS, 128)


_TR_BB = 4096


def _tc_transpose(lt):
    def body(x_ref, y_ref):
        y_ref[...] = x_ref[0].T

    return pl.pallas_call(
        body,
        grid=(NPAIR, BATCH // _TR_BB),
        in_specs=[pl.BlockSpec((1, _TR_BB, 128), lambda g, i: (g, i, 0))],
        out_specs=pl.BlockSpec((128, _TR_BB), lambda g, i: (g, i)),
        out_shape=jax.ShapeDtypeStruct((SEQ_LEN * EMB, BATCH), jnp.float32),
    )(lt.reshape(NPAIR, BATCH, 128))


def _unlines(lines):
    x2 = _tc_transpose(lines)
    return jnp.transpose(x2).reshape(BATCH, SEQ_LEN, EMB)


def kernel(seqs, exps, table_seq, table_exp):
    lines1 = _sc_lookup_one(_idx4(seqs), table_seq)
    lines2 = _sc_lookup_one(_idx4(exps), table_exp)
    return (_unlines(lines1), _unlines(lines2))

# --- scband reference (transcript-rebuilt; emitter-appended) ---
"""Pipeline reference for scband-sequence-and-experiment-inputs-49426483642961 (READ-ONLY COPY).

The authoritative reference and input builder live on the scoring server;
editing this copy changes nothing except your own understanding.
"""

import jax, jax.numpy as jnp
import numpy as np

VOCAB = 457
EMB_DIM = 64
BATCH = 16384
SEQ_LEN = 200


def setup_inputs(seed: int = 0) -> dict:
    key = jax.random.key(seed)
    k1, k2, k3, k4 = jax.random.split(key, 4)
    seqs = jax.random.randint(k1, (BATCH, SEQ_LEN), 0, VOCAB, dtype=jnp.int64 if jax.config.jax_enable_x64 else jnp.int32)
    exps = jax.random.randint(k2, (BATCH, SEQ_LEN), 0, VOCAB, dtype=jnp.int64 if jax.config.jax_enable_x64 else jnp.int32)
    # Glorot-uniform initialized embedding tables (fan_in=VOCAB, fan_out=EMB_DIM)
    limit = float(np.sqrt(6.0 / (VOCAB + EMB_DIM)))
    table_seq = jax.random.uniform(k3, (VOCAB, EMB_DIM), minval=-limit, maxval=limit, dtype=jnp.float32)
    table_exp = jax.random.uniform(k4, (VOCAB, EMB_DIM), minval=-limit, maxval=limit, dtype=jnp.float32)
    return {"seqs": seqs, "exps": exps, "table_seq": table_seq, "table_exp": table_exp}


def reference(seqs, exps, table_seq, table_exp):
    # Keras Embedding lookup == row gather from the table.
    # mask_zero=True only attaches a Keras mask; it does not alter the embedded values.
    seq_embs = jnp.take(table_seq, seqs, axis=0)
    exp_embs = jnp.take(table_exp, exps, axis=0)
    return (seq_embs, exp_embs)

if __name__ == "__main__":
    import jax
    _d = setup_inputs()
    print(jax.jit(kernel)(*tuple(_d.values())))

</pallas_src>

<mosaic_0001>
#map = affine_map<(d0, d1) -> (0, 0)>
module attributes {stable_mosaic.version = 14 : i64} {
  func.func @k(%arg0: i32, %arg1: i32, %arg2: memref<25600x128xi32, #tpu.memory_space<hbm>>, %arg3: memref<457x64xf32, #tpu.memory_space<hbm>>, %arg4: memref<1638400x128xf32, #tpu.memory_space<hbm>>, %arg5: memref<457x64xf32, #tpu.memory_space<vmem_shared>>, %arg6: memref<2x4x128xi32, #tpu.memory_space<vmem>>, %arg7: memref<2x4x128x64xf32, #tpu.memory_space<vmem>>, %arg8: memref<!tpu.dma_semaphore, #tpu.memory_space<semaphore_mem>>, %arg9: memref<!tpu.dma_semaphore, #tpu.memory_space<semaphore_mem>>, %arg10: memref<!tpu.dma_semaphore, #tpu.memory_space<semaphore_mem>>, %arg11: memref<!tpu.dma_semaphore, #tpu.memory_space<semaphore_mem>>) attributes {dimension_semantics = [#tpu.dimension_semantics<core_parallel>, #tpu.dimension_semantics<subcore_parallel>], iteration_bounds = array<i64: 2, 16>, scalar_prefetch = 0 : i64, scratch_operands = 7 : i64, tpu.core_type = #tpu.core_type<sc_vector_subcore>, window_params = [{transform_indices = #map}, {transform_indices = #map}, {transform_indices = #map}]} {
    %mul3A = arith.constant 2 : i32
    %mul3A_0 = arith.muli %arg1, %mul3A : i32
    %add3A = arith.addi %mul3A_0, %arg0 : i32
    %mul3A_1 = arith.constant 4 : i32
    %mul3A_2 = arith.muli %add3A, %mul3A_1 : i32
    %mul3A_3 = arith.constant 200 : i32
    %mul3A_4 = arith.muli %mul3A_2, %mul3A_3 : i32
    %mul3A_5 = arith.constant 51200 : i32
    %mul3A_6 = arith.muli %add3A, %mul3A_5 : i32
    %eq3A = arith.constant 0 : i32
    %eq3A_7 = arith.cmpi eq, %arg1, %eq3A : i32
    %convert_element_type3A = arith.extui %eq3A_7 : i1 to i32
    %cond3A = arith.constant 0 : i32
    %cond3A_8 = arith.cmpi ne, %convert_element_type3A, %cond3A : i32
    scf.if %cond3A_8 {
      "tpu.region"() ({
        %run_scoped3A_194 = tpu.sem_alloc : memref<!tpu.dma_semaphore, #tpu.memory_space<semaphore_mem>>
        tpu.enqueue_dma source(%arg3 : memref<457x64xf32, #tpu.memory_space<hbm>>) target(%arg5 : memref<457x64xf32, #tpu.memory_space<vmem_shared>>) target_semaphore(%run_scoped3A_194 : memref<!tpu.dma_semaphore, #tpu.memory_space<semaphore_mem>>)
        tpu.wait_dma2 semaphore(%run_scoped3A_194 : memref<!tpu.dma_semaphore, #tpu.memory_space<semaphore_mem>>) src(%arg3 : memref<457x64xf32, #tpu.memory_space<hbm>>) dst(%arg5 : memref<457x64xf32, #tpu.memory_space<vmem_shared>>)
        tpu.yield
      }) : () -> ()
    } else {
    }
    %barrier3A = arith.constant 0 : index
    tpu.barrier barrier_id(%barrier3A)
    %add3A_9 = arith.constant 0 : i32
    %add3A_10 = arith.addi %mul3A_4, %add3A_9 : i32
    %run_scoped3A = arith.constant 0 : i32
    "tpu.region"() ({
      %run_scoped3A_194 = tpu.sem_alloc : memref<!tpu.dma_semaphore, #tpu.memory_space<semaphore_mem>>
      %dma_start3A_195 = arith.constant 0 : i32
      %dma_start3A_196 = arith.constant 0 : i32
      %dma_start3A_197 = tpu.memref_slice %arg6[%run_scoped3A, %dma_start3A_195, %dma_start3A_196] : memref<2x4x128xi32, #tpu.memory_space<vmem>> -> memref<1x4x128xi32, #tpu.memory_space<vmem>>
      %dma_start3A_198 = tpu.memref_squeeze %dma_start3A_197 : memref<1x4x128xi32, #tpu.memory_space<vmem>> -> memref<4x128xi32, #tpu.memory_space<vmem>>
      %dma_start3A_199 = arith.constant 0 : i32
      %dma_start3A_200 = tpu.memref_slice %arg2[%add3A_10, %dma_start3A_199] : memref<25600x128xi32, #tpu.memory_space<hbm>> -> memref<4x128xi32, #tpu.memory_space<hbm>>
      %dma_start3A_201 = arith.constant 0 : i32
      %dma_start3A_202 = arith.constant 0 : i32
      %dma_start3A_203 = tpu.memref_slice %arg6[%run_scoped3A, %dma_start3A_201, %dma_start3A_202] : memref<2x4x128xi32, #tpu.memory_space<vmem>> -> memref<1x4x128xi32, #tpu.memory_space<vmem>>
      %dma_start3A_204 = tpu.memref_squeeze %dma_start3A_203 : memref<1x4x128xi32, #tpu.memory_space<vmem>> -> memref<4x128xi32, #tpu.memory_space<vmem>>
      %dma_start3A_205 = arith.constant 0 : i32
      %dma_start3A_206 = tpu.memref_slice %arg2[%add3A_10, %dma_start3A_205] : memref<25600x128xi32, #tpu.memory_space<hbm>> -> memref<4x128xi32, #tpu.memory_space<hbm>>
      tpu.enqueue_dma source(%dma_start3A_206 : memref<4x128xi32, #tpu.memory_space<hbm>>) target(%dma_start3A_204 : memref<4x128xi32, #tpu.memory_space<vmem>>) target_semaphore(%run_scoped3A_194 : memref<!tpu.dma_semaphore, #tpu.memory_space<semaphore_mem>>)
      %dma_wait3A_207 = arith.constant 0 : i32
      %dma_wait3A_208 = arith.constant 0 : i32
      %dma_wait3A_209 = tpu.memref_slice %arg6[%run_scoped3A, %dma_wait3A_207, %dma_wait3A_208] : memref<2x4x128xi32, #tpu.memory_space<vmem>> -> memref<1x4x128xi32, #tpu.memory_space<vmem>>
      %dma_wait3A_210 = tpu.memref_squeeze %dma_wait3A_209 : memref<1x4x128xi32, #tpu.memory_space<vmem>> -> memref<4x128xi32, #tpu.memory_space<vmem>>
      %dma_wait3A_211 = arith.constant 0 : i32
      %dma_wait3A_212 = tpu.memref_slice %arg2[%add3A_10, %dma_wait3A_211] : memref<25600x128xi32, #tpu.memory_space<hbm>> -> memref<4x128xi32, #tpu.memory_space<hbm>>
      %dma_wait3A_213 = arith.constant 0 : i32
      %dma_wait3A_214 = arith.constant 0 : i32
      %dma_wait3A_215 = tpu.memref_slice %arg6[%run_scoped3A, %dma_wait3A_213, %dma_wait3A_214] : memref<2x4x128xi32, #tpu.memory_space<vmem>> -> memref<1x4x128xi32, #tpu.memory_space<vmem>>
      %dma_wait3A_216 = tpu.memref_squeeze %dma_wait3A_215 : memref<1x4x128xi32, #tpu.memory_space<vmem>> -> memref<4x128xi32, #tpu.memory_space<vmem>>
      %dma_wait3A_217 = arith.constant 0 : i32
      %dma_wait3A_218 = tpu.memref_slice %arg2[%add3A_10, %dma_wait3A_217] : memref<25600x128xi32, #tpu.memory_space<hbm>> -> memref<4x128xi32, #tpu.memory_space<hbm>>
      tpu.wait_dma2 semaphore(%run_scoped3A_194 : memref<!tpu.dma_semaphore, #tpu.memory_space<semaphore_mem>>) src(%dma_wait3A_218 : memref<4x128xi32, #tpu.memory_space<hbm>>) dst(%dma_wait3A_216 : memref<4x128xi32, #tpu.memory_space<vmem>>)
      tpu.yield
    }) : () -> ()
    %dma_start3A = arith.constant 0 : i32
    %dma_start3A_11 = arith.constant 0 : i32
    %dma_start3A_12 = arith.constant 0 : i32
    %dma_start3A_13 = arith.constant 0 : i32
    %dma_start3A_14 = arith.constant 0 : i32
    %dma_start3A_15 = arith.constant 0 : i32
    %dma_start3A_16 = tpu.memref_slice %arg7[%dma_start3A_12, %dma_start3A_13, %dma_start3A_14, %dma_start3A_15] : memref<2x4x128x64xf32, #tpu.memory_space<vmem>> -> memref<1x1x128x64xf32, #tpu.memory_space<vmem>>
    %dma_start3A_17 = tpu.memref_squeeze %dma_start3A_16 : memref<1x1x128x64xf32, #tpu.memory_space<vmem>> -> memref<128x64xf32, #tpu.memory_space<vmem>>
    %dma_start3A_18 = arith.constant 0 : i32
    %dma_start3A_19 = tpu.memref_slice %arg6[%dma_start3A, %dma_start3A_11, %dma_start3A_18] : memref<2x4x128xi32, #tpu.memory_space<vmem>> -> memref<1x1x128xi32, #tpu.memory_space<vmem>>
    %dma_start3A_20 = tpu.memref_squeeze %dma_start3A_19 : memref<1x1x128xi32, #tpu.memory_space<vmem>> -> memref<128xi32, #tpu.memory_space<vmem>>
    %dma_start3A_21 = arith.constant 0 : i32
    %dma_start3A_22 = arith.constant 0 : i32
    %dma_start3A_23 = tpu.memref_slice %arg5[%dma_start3A_21, %dma_start3A_22] : memref<457x64xf32, #tpu.memory_space<vmem_shared>> -> memref<457x64xf32, #tpu.memory_space<vmem_shared>>
    tpu.enqueue_indirect_dma source(%dma_start3A_23 : memref<457x64xf32, #tpu.memory_space<vmem_shared>>) target(%dma_start3A_17 : memref<128x64xf32, #tpu.memory_space<vmem>>) offsets(%dma_start3A_20 : memref<128xi32, #tpu.memory_space<vmem>>) semaphore(%arg8 : memref<!tpu.dma_semaphore, #tpu.memory_space<semaphore_mem>>)
    %dma_start3A_24 = arith.constant 0 : i32
    %dma_start3A_25 = arith.constant 1 : i32
    %dma_start3A_26 = arith.constant 0 : i32
    %dma_start3A_27 = arith.constant 1 : i32
    %dma_start3A_28 = arith.constant 0 : i32
    %dma_start3A_29 = arith.constant 0 : i32
    %dma_start3A_30 = tpu.memref_slice %arg7[%dma_start3A_26, %dma_start3A_27, %dma_start3A_28, %dma_start3A_29] : memref<2x4x128x64xf32, #tpu.memory_space<vmem>> -> memref<1x1x128x64xf32, #tpu.memory_space<vmem>>
    %dma_start3A_31 = tpu.memref_squeeze %dma_start3A_30 : memref<1x1x128x64xf32, #tpu.memory_space<vmem>> -> memref<128x64xf32, #tpu.memory_space<vmem>>
    %dma_start3A_32 = arith.constant 0 : i32
    %dma_start3A_33 = tpu.memref_slice %arg6[%dma_start3A_24, %dma_start3A_25, %dma_start3A_32] : memref<2x4x128xi32, #tpu.memory_space<vmem>> -> memref<1x1x128xi32, #tpu.memory_space<vmem>>
    %dma_start3A_34 = tpu.memref_squeeze %dma_start3A_33 : memref<1x1x128xi32, #tpu.memory_space<vmem>> -> memref<128xi32, #tpu.memory_space<vmem>>
    %dma_start3A_35 = arith.constant 0 : i32
    %dma_start3A_36 = arith.constant 0 : i32
    %dma_start3A_37 = tpu.memref_slice %arg5[%dma_start3A_35, %dma_start3A_36] : memref<457x64xf32, #tpu.memory_space<vmem_shared>> -> memref<457x64xf32, #tpu.memory_space<vmem_shared>>
    tpu.enqueue_indirect_dma source(%dma_start3A_37 : memref<457x64xf32, #tpu.memory_space<vmem_shared>>) target(%dma_start3A_31 : memref<128x64xf32, #tpu.memory_space<vmem>>) offsets(%dma_start3A_34 : memref<128xi32, #tpu.memory_space<vmem>>) semaphore(%arg8 : memref<!tpu.dma_semaphore, #tpu.memory_space<semaphore_mem>>)
    %dma_start3A_38 = arith.constant 0 : i32
    %dma_start3A_39 = arith.constant 2 : i32
    %dma_start3A_40 = arith.constant 0 : i32
    %dma_start3A_41 = arith.constant 2 : i32
    %dma_start3A_42 = arith.constant 0 : i32
    %dma_start3A_43 = arith.constant 0 : i32
    %dma_start3A_44 = tpu.memref_slice %arg7[%dma_start3A_40, %dma_start3A_41, %dma_start3A_42, %dma_start3A_43] : memref<2x4x128x64xf32, #tpu.memory_space<vmem>> -> memref<1x1x128x64xf32, #tpu.memory_space<vmem>>
    %dma_start3A_45 = tpu.memref_squeeze %dma_start3A_44 : memref<1x1x128x64xf32, #tpu.memory_space<vmem>> -> memref<128x64xf32, #tpu.memory_space<vmem>>
    %dma_start3A_46 = arith.constant 0 : i32
    %dma_start3A_47 = tpu.memref_slice %arg6[%dma_start3A_38, %dma_start3A_39, %dma_start3A_46] : memref<2x4x128xi32, #tpu.memory_space<vmem>> -> memref<1x1x128xi32, #tpu.memory_space<vmem>>
    %dma_start3A_48 = tpu.memref_squeeze %dma_start3A_47 : memref<1x1x128xi32, #tpu.memory_space<vmem>> -> memref<128xi32, #tpu.memory_space<vmem>>
    %dma_start3A_49 = arith.constant 0 : i32
    %dma_start3A_50 = arith.constant 0 : i32
    %dma_start3A_51 = tpu.memref_slice %arg5[%dma_start3A_49, %dma_start3A_50] : memref<457x64xf32, #tpu.memory_space<vmem_shared>> -> memref<457x64xf32, #tpu.memory_space<vmem_shared>>
    tpu.enqueue_indirect_dma source(%dma_start3A_51 : memref<457x64xf32, #tpu.memory_space<vmem_shared>>) target(%dma_start3A_45 : memref<128x64xf32, #tpu.memory_space<vmem>>) offsets(%dma_start3A_48 : memref<128xi32, #tpu.memory_space<vmem>>) semaphore(%arg8 : memref<!tpu.dma_semaphore, #tpu.memory_space<semaphore_mem>>)
    %dma_start3A_52 = arith.constant 0 : i32
    %dma_start3A_53 = arith.constant 3 : i32
    %dma_start3A_54 = arith.constant 0 : i32
    %dma_start3A_55 = arith.constant 3 : i32
    %dma_start3A_56 = arith.constant 0 : i32
    %dma_start3A_57 = arith.constant 0 : i32
    %dma_start3A_58 = tpu.memref_slice %arg7[%dma_start3A_54, %dma_start3A_55, %dma_start3A_56, %dma_start3A_57] : memref<2x4x128x64xf32, #tpu.memory_space<vmem>> -> memref<1x1x128x64xf32, #tpu.memory_space<vmem>>
    %dma_start3A_59 = tpu.memref_squeeze %dma_start3A_58 : memref<1x1x128x64xf32, #tpu.memory_space<vmem>> -> memref<128x64xf32, #tpu.memory_space<vmem>>
    %dma_start3A_60 = arith.constant 0 : i32
    %dma_start3A_61 = tpu.memref_slice %arg6[%dma_start3A_52, %dma_start3A_53, %dma_start3A_60] : memref<2x4x128xi32, #tpu.memory_space<vmem>> -> memref<1x1x128xi32, #tpu.memory_space<vmem>>
    %dma_start3A_62 = tpu.memref_squeeze %dma_start3A_61 : memref<1x1x128xi32, #tpu.memory_space<vmem>> -> memref<128xi32, #tpu.memory_space<vmem>>
    %dma_start3A_63 = arith.constant 0 : i32
    %dma_start3A_64 = arith.constant 0 : i32
    %dma_start3A_65 = tpu.memref_slice %arg5[%dma_start3A_63, %dma_start3A_64] : memref<457x64xf32, #tpu.memory_space<vmem_shared>> -> memref<457x64xf32, #tpu.memory_space<vmem_shared>>
    tpu.enqueue_indirect_dma source(%dma_start3A_65 : memref<457x64xf32, #tpu.memory_space<vmem_shared>>) target(%dma_start3A_59 : memref<128x64xf32, #tpu.memory_space<vmem>>) offsets(%dma_start3A_62 : memref<128xi32, #tpu.memory_space<vmem>>) semaphore(%arg8 : memref<!tpu.dma_semaphore, #tpu.memory_space<semaphore_mem>>)
    %scan3A = arith.constant 0 : i32
    %scan3A_66 = arith.constant 0 : i32
    %scan3A_67 = arith.constant 100 : i32
    %scan3A_68 = arith.addi %scan3A_66, %scan3A_67 : i32
    %scan3A_69 = arith.constant 1 : i32
    scf.for %scan3A_194 = %scan3A_66 to %scan3A_68 step %scan3A_69  : i32 {
      %mul3A_195 = arith.constant 2 : i32
      %mul3A_196 = arith.muli %mul3A_195, %scan3A_194 : i32
      %add3A_197 = arith.constant 0 : i32
      %add3A_198 = arith.addi %mul3A_196, %add3A_197 : i32
      %add3A_199 = arith.constant 1 : i32
      %add3A_200 = arith.addi %add3A_198, %add3A_199 : i32
      %lt3A = arith.constant 200 : i32
      %lt3A_201 = arith.cmpi slt, %add3A_200, %lt3A : i32
      %convert_element_type3A_202 = arith.extui %lt3A_201 : i1 to i32
      %cond3A_203 = arith.constant 0 : i32
      %cond3A_204 = arith.cmpi ne, %convert_element_type3A_202, %cond3A_203 : i32
      scf.if %cond3A_204 {
        %ge3A = arith.constant 1 : i32
        %ge3A_454 = arith.cmpi sge, %add3A_198, %ge3A : i32
        %convert_element_type3A_455 = arith.extui %ge3A_454 : i1 to i32
        %cond3A_456 = arith.constant 0 : i32
        %cond3A_457 = arith.cmpi ne, %convert_element_type3A_455, %cond3A_456 : i32
        scf.if %cond3A_457 {
          %sub3A = arith.constant 1 : i32
          %sub3A_520 = arith.subi %add3A_198, %sub3A : i32
          %mul3A_521 = arith.constant 256 : i32
          %mul3A_522 = arith.muli %sub3A_520, %mul3A_521 : i32
          %add3A_523 = arith.addi %mul3A_6, %mul3A_522 : i32
          %add3A_524 = arith.constant 128 : i32
          %add3A_525 = arith.addi %add3A_523, %add3A_524 : i32
          %add3A_526 = arith.constant 128 : i32
          %add3A_527 = arith.addi %add3A_523, %add3A_526 : i32
          %dma_wait3A_528 = arith.constant 1 : i32
          %dma_wait3A_529 = arith.constant 0 : i32
          %dma_wait3A_530 = arith.constant 0 : i32
          %dma_wait3A_531 = arith.constant 0 : i32
          %dma_wait3A_532 = tpu.memref_slice %arg7[%dma_wait3A_528, %dma_wait3A_529, %dma_wait3A_530, %dma_wait3A_531] : memref<2x4x128x64xf32, #tpu.memory_space<vmem>> -> memref<1x1x128x64xf32, #tpu.memory_space<vmem>>
          %dma_wait3A_533 = tpu.memref_squeeze %dma_wait3A_532 : memref<1x1x128x64xf32, #tpu.memory_space<vmem>> -> memref<128x64xf32, #tpu.memory_space<vmem>>
          %dma_wait3A_534 = arith.constant 0 : i32
          %dma_wait3A_535 = tpu.memref_slice %arg4[%add3A_523, %dma_wait3A_534] : memref<1638400x128xf32, #tpu.memory_space<hbm>> -> memref<128x64xf32, #tpu.memory_space<hbm>>
          %dma_wait3A_536 = arith.constant 0 : i32
          %dma_wait3A_537 = tpu.memref_slice %arg4[%add3A_523, %dma_wait3A_536] : memref<1638400x128xf32, #tpu.memory_space<hbm>> -> memref<128x64xf32, #tpu.memory_space<hbm>>
          %dma_wait3A_538 = arith.constant 0 : i32
          %dma_wait3A_539 = arith.constant 0 : i32
          %dma_wait3A_540 = tpu.memref_slice %arg7[%dma_wait3A_528, %dma_wait3A_529, %dma_wait3A_538, %dma_wait3A_539] : memref<2x4x128x64xf32, #tpu.memory_space<vmem>> -> memref<1x1x128x64xf32, #tpu.memory_space<vmem>>
          %dma_wait3A_541 = tpu.memref_squeeze %dma_wait3A_540 : memref<1x1x128x64xf32, #tpu.memory_space<vmem>> -> memref<128x64xf32, #tpu.memory_space<vmem>>
          tpu.wait_dma2 semaphore(%arg11 : memref<!tpu.dma_semaphore, #tpu.memory_space<semaphore_mem>>) src(%dma_wait3A_541 : memref<128x64xf32, #tpu.memory_space<vmem>>) dst(%dma_wait3A_537 : memref<128x64xf32, #tpu.memory_space<hbm>>)
          %dma_wait3A_542 = arith.constant 1 : i32
          %dma_wait3A_543 = arith.constant 1 : i32
          %dma_wait3A_544 = arith.constant 0 : i32
          %dma_wait3A_545 = arith.constant 0 : i32
          %dma_wait3A_546 = tpu.memref_slice %arg7[%dma_wait3A_542, %dma_wait3A_543, %dma_wait3A_544, %dma_wait3A_545] : memref<2x4x128x64xf32, #tpu.memory_space<vmem>> -> memref<1x1x128x64xf32, #tpu.memory_space<vmem>>
          %dma_wait3A_547 = tpu.memref_squeeze %dma_wait3A_546 : memref<1x1x128x64xf32, #tpu.memory_space<vmem>> -> memref<128x64xf32, #tpu.memory_space<vmem>>
          %dma_wait3A_548 = arith.constant 0 : i32
          %dma_wait3A_549 = tpu.memref_slice %arg4[%add3A_525, %dma_wait3A_548] : memref<1638400x128xf32, #tpu.memory_space<hbm>> -> memref<128x64xf32, #tpu.memory_space<hbm>>
          %dma_wait3A_550 = arith.constant 0 : i32
          %dma_wait3A_551 = tpu.memref_slice %arg4[%add3A_525, %dma_wait3A_550] : memref<1638400x128xf32, #tpu.memory_space<hbm>> -> memref<128x64xf32, #tpu.memory_space<hbm>>
          %dma_wait3A_552 = arith.constant 0 : i32
          %dma_wait3A_553 = arith.constant 0 : i32
          %dma_wait3A_554 = tpu.memref_slice %arg7[%dma_wait3A_542, %dma_wait3A_543, %dma_wait3A_552, %dma_wait3A_553] : memref<2x4x128x64xf32, #tpu.memory_space<vmem>> -> memref<1x1x128x64xf32, #tpu.memory_space<vmem>>
          %dma_wait3A_555 = tpu.memref_squeeze %dma_wait3A_554 : memref<1x1x128x64xf32, #tpu.memory_space<vmem>> -> memref<128x64xf32, #tpu.memory_space<vmem>>
          tpu.wait_dma2 semaphore(%arg11 : memref<!tpu.dma_semaphore, #tpu.memory_space<semaphore_mem>>) src(%dma_wait3A_555 : memref<128x64xf32, #tpu.memory_space<vmem>>) dst(%dma_wait3A_551 : memref<128x64xf32, #tpu.memory_space<hbm>>)
          %dma_wait3A_556 = arith.constant 1 : i32
          %dma_wait3A_557 = arith.constant 2 : i32
          %dma_wait3A_558 = arith.constant 0 : i32
          %dma_wait3A_559 = arith.constant 0 : i32
          %dma_wait3A_560 = tpu.memref_slice %arg7[%dma_wait3A_556, %dma_wait3A_557, %dma_wait3A_558, %dma_wait3A_559] : memref<2x4x128x64xf32, #tpu.memory_space<vmem>> -> memref<1x1x128x64xf32, #tpu.memory_space<vmem>>
          %dma_wait3A_561 = tpu.memref_squeeze %dma_wait3A_560 : memref<1x1x128x64xf32, #tpu.memory_space<vmem>> -> memref<128x64xf32, #tpu.memory_space<vmem>>
          %dma_wait3A_562 = arith.constant 64 : i32
          %dma_wait3A_563 = tpu.memref_slice %arg4[%add3A_523, %dma_wait3A_562] : memref<1638400x128xf32, #tpu.memory_space<hbm>> -> memref<128x64xf32, #tpu.memory_space<hbm>>
          %dma_wait3A_564 = arith.constant 64 : i32
          %dma_wait3A_565 = tpu.memref_slice %arg4[%add3A_523, %dma_wait3A_564] : memref<1638400x128xf32, #tpu.memory_space<hbm>> -> memref<128x64xf32, #tpu.memory_space<hbm>>
          %dma_wait3A_566 = arith.constant 0 : i32
          %dma_wait3A_567 = arith.constant 0 : i32
          %dma_wait3A_568 = tpu.memref_slice %arg7[%dma_wait3A_556, %dma_wait3A_557, %dma_wait3A_566, %dma_wait3A_567] : memref<2x4x128x64xf32, #tpu.memory_space<vmem>> -> memref<1x1x128x64xf32, #tpu.memory_space<vmem>>
          %dma_wait3A_569 = tpu.memref_squeeze %dma_wait3A_568 : memref<1x1x128x64xf32, #tpu.memory_space<vmem>> -> memref<128x64xf32, #tpu.memory_space<vmem>>
          tpu.wait_dma2 semaphore(%arg11 : memref<!tpu.dma_semaphore, #tpu.memory_space<semaphore_mem>>) src(%dma_wait3A_569 : memref<128x64xf32, #tpu.memory_space<vmem>>) dst(%dma_wait3A_565 : memref<128x64xf32, #tpu.memory_space<hbm>>)
          %dma_wait3A_570 = arith.constant 1 : i32
          %dma_wait3A_571 = arith.constant 3 : i32
          %dma_wait3A_572 = arith.constant 0 : i32
          %dma_wait3A_573 = arith.constant 0 : i32
          %dma_wait3A_574 = tpu.memref_slice %arg7[%dma_wait3A_570, %dma_wait3A_571, %dma_wait3A_572, %dma_wait3A_573] : memref<2x4x128x64xf32, #tpu.memory_space<vmem>> -> memref<1x1x128x64xf32, #tpu.memory_space<vmem>>
          %dma_wait3A_575 = tpu.memref_squeeze %dma_wait3A_574 : memref<1x1x128x64xf32, #tpu.memory_space<vmem>> -> memref<128x64xf32, #tpu.memory_space<vmem>>
          %dma_wait3A_576 = arith.constant 64 : i32
          %dma_wait3A_577 = tpu.memref_slice %arg4[%add3A_527, %dma_wait3A_576] : memref<1638400x128xf32, #tpu.memory_space<hbm>> -> memref<128x64xf32, #tpu.memory_space<hbm>>
          %dma_wait3A_578 = arith.constant 64 : i32
          %dma_wait3A_579 = tpu.memref_slice %arg4[%add3A_527, %dma_wait3A_578] : memref<1638400x128xf32, #tpu.memory_space<hbm>> -> memref<128x64xf32, #tpu.memory_space<hbm>>
          %dma_wait3A_580 = arith.constant 0 : i32
          %dma_wait3A_581 = arith.constant 0 : i32
          %dma_wait3A_582 = tpu.memref_slice %arg7[%dma_wait3A_570, %dma_wait3A_571, %dma_wait3A_580, %dma_wait3A_581] : memref<2x4x128x64xf32, #tpu.memory_space<vmem>> -> memref<1x1x128x64xf32, #tpu.memory_space<vmem>>
          %dma_wait3A_583 = tpu.memref_squeeze %dma_wait3A_582 : memref<1x1x128x64xf32, #tpu.memory_space<vmem>> -> memref<128x64xf32, #tpu.memory_space<vmem>>
          tpu.wait_dma2 semaphore(%arg11 : memref<!tpu.dma_semaphore, #tpu.memory_space<semaphore_mem>>) src(%dma_wait3A_583 : memref<128x64xf32, #tpu.memory_space<vmem>>) dst(%dma_wait3A_579 : memref<128x64xf32, #tpu.memory_space<hbm>>)
        } else {
        }
        %add3A_458 = arith.constant 1 : i32
        %add3A_459 = arith.addi %add3A_198, %add3A_458 : i32
        %mul3A_460 = arith.constant 4 : i32
        %mul3A_461 = arith.muli %add3A_459, %mul3A_460 : i32
        %add3A_462 = arith.addi %mul3A_4, %mul3A_461 : i32
        %run_scoped3A_463 = arith.constant 1 : i32
        "tpu.region"() ({
          %run_scoped3A_520 = tpu.sem_alloc : memref<!tpu.dma_semaphore, #tpu.memory_space<semaphore_mem>>
          %dma_start3A_521 = arith.constant 0 : i32
          %dma_start3A_522 = arith.constant 0 : i32
          %dma_start3A_523 = tpu.memref_slice %arg6[%run_scoped3A_463, %dma_start3A_521, %dma_start3A_522] : memref<2x4x128xi32, #tpu.memory_space<vmem>> -> memref<1x4x128xi32, #tpu.memory_space<vmem>>
          %dma_start3A_524 = tpu.memref_squeeze %dma_start3A_523 : memref<1x4x128xi32, #tpu.memory_space<vmem>> -> memref<4x128xi32, #tpu.memory_space<vmem>>
          %dma_start3A_525 = arith.constant 0 : i32
          %dma_start3A_526 = tpu.memref_slice %arg2[%add3A_462, %dma_start3A_525] : memref<25600x128xi32, #tpu.memory_space<hbm>> -> memref<4x128xi32, #tpu.memory_space<hbm>>
          %dma_start3A_527 = arith.constant 0 : i32
          %dma_start3A_528 = arith.constant 0 : i32
          %dma_start3A_529 = tpu.memref_slice %arg6[%run_scoped3A_463, %dma_start3A_527, %dma_start3A_528] : memref<2x4x128xi32, #tpu.memory_space<vmem>> -> memref<1x4x128xi32, #tpu.memory_space<vmem>>
          %dma_start3A_530 = tpu.memref_squeeze %dma_start3A_529 : memref<1x4x128xi32, #tpu.memory_space<vmem>> -> memref<4x128xi32, #tpu.memory_space<vmem>>
          %dma_start3A_531 = arith.constant 0 : i32
          %dma_start3A_532 = tpu.memref_slice %arg2[%add3A_462, %dma_start3A_531] : memref<25600x128xi32, #tpu.memory_space<hbm>> -> memref<4x128xi32, #tpu.memory_space<hbm>>
          tpu.enqueue_dma source(%dma_start3A_532 : memref<4x128xi32, #tpu.memory_space<hbm>>) target(%dma_start3A_530 : memref<4x128xi32, #tpu.memory_space<vmem>>) target_semaphore(%run_scoped3A_520 : memref<!tpu.dma_semaphore, #tpu.memory_space<semaphore_mem>>)
          %dma_wait3A_533 = arith.constant 0 : i32
          %dma_wait3A_534 = arith.constant 0 : i32
          %dma_wait3A_535 = tpu.memref_slice %arg6[%run_scoped3A_463, %dma_wait3A_533, %dma_wait3A_534] : memref<2x4x128xi32, #tpu.memory_space<vmem>> -> memref<1x4x128xi32, #tpu.memory_space<vmem>>
          %dma_wait3A_536 = tpu.memref_squeeze %dma_wait3A_535 : memref<1x4x128xi32, #tpu.memory_space<vmem>> -> memref<4x128xi32, #tpu.memory_space<vmem>>
          %dma_wait3A_537 = arith.constant 0 : i32
          %dma_wait3A_538 = tpu.memref_slice %arg2[%add3A_462, %dma_wait3A_537] : memref<25600x128xi32, #tpu.memory_space<hbm>> -> memref<4x128xi32, #tpu.memory_space<hbm>>
          %dma_wait3A_539 = arith.constant 0 : i32
          %dma_wait3A_540 = arith.constant 0 : i32
          %dma_wait3A_541 = tpu.memref_slice %arg6[%run_scoped3A_463, %dma_wait3A_539, %dma_wait3A_540] : memref<2x4x128xi32, #tpu.memory_space<vmem>> -> memref<1x4x128xi32, #tpu.memory_space<vmem>>
          %dma_wait3A_542 = tpu.memref_squeeze %dma_wait3A_541 : memref<1x4x128xi32, #tpu.memory_space<vmem>> -> memref<4x128xi32, #tpu.memory_space<vmem>>
          %dma_wait3A_543 = arith.constant 0 : i32
          %dma_wait3A_544 = tpu.memref_slice %arg2[%add3A_462, %dma_wait3A_543] : memref<25600x128xi32, #tpu.memory_space<hbm>> -> memref<4x128xi32, #tpu.memory_space<hbm>>
          tpu.wait_dma2 semaphore(%run_scoped3A_520 : memref<!tpu.dma_semaphore, #tpu.memory_space<semaphore_mem>>) src(%dma_wait3A_544 : memref<4x128xi32, #tpu.memory_space<hbm>>) dst(%dma_wait3A_542 : memref<4x128xi32, #tpu.memory_space<vmem>>)
          tpu.yield
        }) : () -> ()
        %dma_start3A_464 = arith.constant 1 : i32
        %dma_start3A_465 = arith.constant 0 : i32
        %dma_start3A_466 = arith.constant 1 : i32
        %dma_start3A_467 = arith.constant 0 : i32
        %dma_start3A_468 = arith.constant 0 : i32
        %dma_start3A_469 = arith.constant 0 : i32
        %dma_start3A_470 = tpu.memref_slice %arg7[%dma_start3A_466, %dma_start3A_467, %dma_start3A_468, %dma_start3A_469] : memref<2x4x128x64xf32, #tpu.memory_space<vmem>> -> memref<1x1x128x64xf32, #tpu.memory_space<vmem>>
        %dma_start3A_471 = tpu.memref_squeeze %dma_start3A_470 : memref<1x1x128x64xf32, #tpu.memory_space<vmem>> -> memref<128x64xf32, #tpu.memory_space<vmem>>
        %dma_start3A_472 = arith.constant 0 : i32
        %dma_start3A_473 = tpu.memref_slice %arg6[%dma_start3A_464, %dma_start3A_465, %dma_start3A_472] : memref<2x4x128xi32, #tpu.memory_space<vmem>> -> memref<1x1x128xi32, #tpu.memory_space<vmem>>
        %dma_start3A_474 = tpu.memref_squeeze %dma_start3A_473 : memref<1x1x128xi32, #tpu.memory_space<vmem>> -> memref<128xi32, #tpu.memory_space<vmem>>
        %dma_start3A_475 = arith.constant 0 : i32
        %dma_start3A_476 = arith.constant 0 : i32
        %dma_start3A_477 = tpu.memref_slice %arg5[%dma_start3A_475, %dma_start3A_476] : memref<457x64xf32, #tpu.memory_space<vmem_shared>> -> memref<457x64xf32, #tpu.memory_space<vmem_shared>>
        tpu.enqueue_indirect_dma source(%dma_start3A_477 : memref<457x64xf32, #tpu.memory_space<vmem_shared>>) target(%dma_start3A_471 : memref<128x64xf32, #tpu.memory_space<vmem>>) offsets(%dma_start3A_474 : memref<128xi32, #tpu.memory_space<vmem>>) semaphore(%arg9 : memref<!tpu.dma_semaphore, #tpu.memory_space<semaphore_mem>>)
        %dma_start3A_478 = arith.constant 1 : i32
        %dma_start3A_479 = arith.constant 1 : i32
        %dma_start3A_480 = arith.constant 1 : i32
        %dma_start3A_481 = arith.constant 1 : i32
        %dma_start3A_482 = arith.constant 0 : i32
        %dma_start3A_483 = arith.constant 0 : i32
        %dma_start3A_484 = tpu.memref_slice %arg7[%dma_start3A_480, %dma_start3A_481, %dma_start3A_482, %dma_start3A_483] : memref<2x4x128x64xf32, #tpu.memory_space<vmem>> -> memref<1x1x128x64xf32, #tpu.memory_space<vmem>>
        %dma_start3A_485 = tpu.memref_squeeze %dma_start3A_484 : memref<1x1x128x64xf32, #tpu.memory_space<vmem>> -> memref<128x64xf32, #tpu.memory_space<vmem>>
        %dma_start3A_486 = arith.constant 0 : i32
        %dma_start3A_487 = tpu.memref_slice %arg6[%dma_start3A_478, %dma_start3A_479, %dma_start3A_486] : memref<2x4x128xi32, #tpu.memory_space<vmem>> -> memref<1x1x128xi32, #tpu.memory_space<vmem>>
        %dma_start3A_488 = tpu.memref_squeeze %dma_start3A_487 : memref<1x1x128xi32, #tpu.memory_space<vmem>> -> memref<128xi32, #tpu.memory_space<vmem>>
        %dma_start3A_489 = arith.constant 0 : i32
        %dma_start3A_490 = arith.constant 0 : i32
        %dma_start3A_491 = tpu.memref_slice %arg5[%dma_start3A_489, %dma_start3A_490] : memref<457x64xf32, #tpu.memory_space<vmem_shared>> -> memref<457x64xf32, #tpu.memory_space<vmem_shared>>
        tpu.enqueue_indirect_dma source(%dma_start3A_491 : memref<457x64xf32, #tpu.memory_space<vmem_shared>>) target(%dma_start3A_485 : memref<128x64xf32, #tpu.memory_space<vmem>>) offsets(%dma_start3A_488 : memref<128xi32, #tpu.memory_space<vmem>>) semaphore(%arg9 : memref<!tpu.dma_semaphore, #tpu.memory_space<semaphore_mem>>)
        %dma_start3A_492 = arith.constant 1 : i32
        %dma_start3A_493 = arith.constant 2 : i32
        %dma_start3A_494 = arith.constant 1 : i32
        %dma_start3A_495 = arith.constant 2 : i32
        %dma_start3A_496 = arith.constant 0 : i32
        %dma_start3A_497 = arith.constant 0 : i32
        %dma_start3A_498 = tpu.memref_slice %arg7[%dma_start3A_494, %dma_start3A_495, %dma_start3A_496, %dma_start3A_497] : memref<2x4x128x64xf32, #tpu.memory_space<vmem>> -> memref<1x1x128x64xf32, #tpu.memory_space<vmem>>
        %dma_start3A_499 = tpu.memref_squeeze %dma_start3A_498 : memref<1x1x128x64xf32, #tpu.memory_space<vmem>> -> memref<128x64xf32, #tpu.memory_space<vmem>>
        %dma_start3A_500 = arith.constant 0 : i32
        %dma_start3A_501 = tpu.memref_slice %arg6[%dma_start3A_492, %dma_start3A_493, %dma_start3A_500] : memref<2x4x128xi32, #tpu.memory_space<vmem>> -> memref<1x1x128xi32, #tpu.memory_space<vmem>>
        %dma_start3A_502 = tpu.memref_squeeze %dma_start3A_501 : memref<1x1x128xi32, #tpu.memory_space<vmem>> -> memref<128xi32, #tpu.memory_space<vmem>>
        %dma_start3A_503 = arith.constant 0 : i32
        %dma_start3A_504 = arith.constant 0 : i32
        %dma_start3A_505 = tpu.memref_slice %arg5[%dma_start3A_503, %dma_start3A_504] : memref<457x64xf32, #tpu.memory_space<vmem_shared>> -> memref<457x64xf32, #tpu.memory_space<vmem_shared>>
        tpu.enqueue_indirect_dma source(%dma_start3A_505 : memref<457x64xf32, #tpu.memory_space<vmem_shared>>) target(%dma_start3A_499 : memref<128x64xf32, #tpu.memory_space<vmem>>) offsets(%dma_start3A_502 : memref<128xi32, #tpu.memory_space<vmem>>) semaphore(%arg9 : memref<!tpu.dma_semaphore, #tpu.memory_space<semaphore_mem>>)
        %dma_start3A_506 = arith.constant 1 : i32
        %dma_start3A_507 = arith.constant 3 : i32
        %dma_start3A_508 = arith.constant 1 : i32
        %dma_start3A_509 = arith.constant 3 : i32
        %dma_start3A_510 = arith.constant 0 : i32
        %dma_start3A_511 = arith.constant 0 : i32
        %dma_start3A_512 = tpu.memref_slice %arg7[%dma_start3A_508, %dma_start3A_509, %dma_start3A_510, %dma_start3A_511] : memref<2x4x128x64xf32, #tpu.memory_space<vmem>> -> memref<1x1x128x64xf32, #tpu.memory_space<vmem>>
        %dma_start3A_513 = tpu.memref_squeeze %dma_start3A_512 : memref<1x1x128x64xf32, #tpu.memory_space<vmem>> -> memref<128x64xf32, #tpu.memory_space<vmem>>
        %dma_start3A_514 = arith.constant 0 : i32
        %dma_start3A_515 = tpu.memref_slice %arg6[%dma_start3A_506, %dma_start3A_507, %dma_start3A_514] : memref<2x4x128xi32, #tpu.memory_space<vmem>> -> memref<1x1x128xi32, #tpu.memory_space<vmem>>
        %dma_start3A_516 = tpu.memref_squeeze %dma_start3A_515 : memref<1x1x128xi32, #tpu.memory_space<vmem>> -> memref<128xi32, #tpu.memory_space<vmem>>
        %dma_start3A_517 = arith.constant 0 : i32
        %dma_start3A_518 = arith.constant 0 : i32
        %dma_start3A_519 = tpu.memref_slice %arg5[%dma_start3A_517, %dma_start3A_518] : memref<457x64xf32, #tpu.memory_space<vmem_shared>> -> memref<457x64xf32, #tpu.memory_space<vmem_shared>>
        tpu.enqueue_indirect_dma source(%dma_start3A_519 : memref<457x64xf32, #tpu.memory_space<vmem_shared>>) target(%dma_start3A_513 : memref<128x64xf32, #tpu.memory_space<vmem>>) offsets(%dma_start3A_516 : memref<128xi32, #tpu.memory_space<vmem>>) semaphore(%arg9 : memref<!tpu.dma_semaphore, #tpu.memory_space<semaphore_mem>>)
      } else {
      }
      %dma_wait3A_205 = arith.constant 0 : i32
      %dma_wait3A_206 = arith.constant 0 : i32
      %dma_wait3A_207 = arith.constant 0 : i32
      %dma_wait3A_208 = arith.constant 0 : i32
      %dma_wait3A_209 = arith.constant 0 : i32
      %dma_wait3A_210 = arith.constant 0 : i32
      %dma_wait3A_211 = tpu.memref_slice %arg7[%dma_wait3A_207, %dma_wait3A_208, %dma_wait3A_209, %dma_wait3A_210] : memref<2x4x128x64xf32, #tpu.memory_space<vmem>> -> memref<1x1x128x64xf32, #tpu.memory_space<vmem>>
      %dma_wait3A_212 = tpu.memref_squeeze %dma_wait3A_211 : memref<1x1x128x64xf32, #tpu.memory_space<vmem>> -> memref<128x64xf32, #tpu.memory_space<vmem>>
      %dma_wait3A_213 = arith.constant 0 : i32
      %dma_wait3A_214 = tpu.memref_slice %arg6[%dma_wait3A_205, %dma_wait3A_206, %dma_wait3A_213] : memref<2x4x128xi32, #tpu.memory_space<vmem>> -> memref<1x1x128xi32, #tpu.memory_space<vmem>>
      %dma_wait3A_215 = tpu.memref_squeeze %dma_wait3A_214 : memref<1x1x128xi32, #tpu.memory_space<vmem>> -> memref<128xi32, #tpu.memory_space<vmem>>
      %dma_wait3A_216 = arith.constant 0 : i32
      %dma_wait3A_217 = arith.constant 0 : i32
      %dma_wait3A_218 = tpu.memref_slice %arg5[%dma_wait3A_216, %dma_wait3A_217] : memref<457x64xf32, #tpu.memory_space<vmem_shared>> -> memref<457x64xf32, #tpu.memory_space<vmem_shared>>
      tpu.wait_indirect_dma semaphore(%arg8 : memref<!tpu.dma_semaphore, #tpu.memory_space<semaphore_mem>>) src(%dma_wait3A_218 : memref<457x64xf32, #tpu.memory_space<vmem_shared>>) dst(%dma_wait3A_212 : memref<128x64xf32, #tpu.memory_space<vmem>>)
      %dma_wait3A_219 = arith.constant 0 : i32
      %dma_wait3A_220 = arith.constant 1 : i32
      %dma_wait3A_221 = arith.constant 0 : i32
      %dma_wait3A_222 = arith.constant 1 : i32
      %dma_wait3A_223 = arith.constant 0 : i32
      %dma_wait3A_224 = arith.constant 0 : i32
      %dma_wait3A_225 = tpu.memref_slice %arg7[%dma_wait3A_221, %dma_wait3A_222, %dma_wait3A_223, %dma_wait3A_224] : memref<2x4x128x64xf32, #tpu.memory_space<vmem>> -> memref<1x1x128x64xf32, #tpu.memory_space<vmem>>
      %dma_wait3A_226 = tpu.memref_squeeze %dma_wait3A_225 : memref<1x1x128x64xf32, #tpu.memory_space<vmem>> -> memref<128x64xf32, #tpu.memory_space<vmem>>
      %dma_wait3A_227 = arith.constant 0 : i32
      %dma_wait3A_228 = tpu.memref_slice %arg6[%dma_wait3A_219, %dma_wait3A_220, %dma_wait3A_227] : memref<2x4x128xi32, #tpu.memory_space<vmem>> -> memref<1x1x128xi32, #tpu.memory_space<vmem>>
      %dma_wait3A_229 = tpu.memref_squeeze %dma_wait3A_228 : memref<1x1x128xi32, #tpu.memory_space<vmem>> -> memref<128xi32, #tpu.memory_space<vmem>>
      %dma_wait3A_230 = arith.constant 0 : i32
      %dma_wait3A_231 = arith.constant 0 : i32
      %dma_wait3A_232 = tpu.memref_slice %arg5[%dma_wait3A_230, %dma_wait3A_231] : memref<457x64xf32, #tpu.memory_space<vmem_shared>> -> memref<457x64xf32, #tpu.memory_space<vmem_shared>>
      tpu.wait_indirect_dma semaphore(%arg8 : memref<!tpu.dma_semaphore, #tpu.memory_space<semaphore_mem>>) src(%dma_wait3A_232 : memref<457x64xf32, #tpu.memory_space<vmem_shared>>) dst(%dma_wait3A_226 : memref<128x64xf32, #tpu.memory_space<vmem>>)
      %dma_wait3A_233 = arith.constant 0 : i32
      %dma_wait3A_234 = arith.constant 2 : i32
      %dma_wait3A_235 = arith.constant 0 : i32
      %dma_wait3A_236 = arith.constant 2 : i32
      %dma_wait3A_237 = arith.constant 0 : i32
      %dma_wait3A_238 = arith.constant 0 : i32
      %dma_wait3A_239 = tpu.memref_slice %arg7[%dma_wait3A_235, %dma_wait3A_236, %dma_wait3A_237, %dma_wait3A_238] : memref<2x4x128x64xf32, #tpu.memory_space<vmem>> -> memref<1x1x128x64xf32, #tpu.memory_space<vmem>>
      %dma_wait3A_240 = tpu.memref_squeeze %dma_wait3A_239 : memref<1x1x128x64xf32, #tpu.memory_space<vmem>> -> memref<128x64xf32, #tpu.memory_space<vmem>>
      %dma_wait3A_241 = arith.constant 0 : i32
      %dma_wait3A_242 = tpu.memref_slice %arg6[%dma_wait3A_233, %dma_wait3A_234, %dma_wait3A_241] : memref<2x4x128xi32, #tpu.memory_space<vmem>> -> memref<1x1x128xi32, #tpu.memory_space<vmem>>
      %dma_wait3A_243 = tpu.memref_squeeze %dma_wait3A_242 : memref<1x1x128xi32, #tpu.memory_space<vmem>> -> memref<128xi32, #tpu.memory_space<vmem>>
      %dma_wait3A_244 = arith.constant 0 : i32
      %dma_wait3A_245 = arith.constant 0 : i32
      %dma_wait3A_246 = tpu.memref_slice %arg5[%dma_wait3A_244, %dma_wait3A_245] : memref<457x64xf32, #tpu.memory_space<vmem_shared>> -> memref<457x64xf32, #tpu.memory_space<vmem_shared>>
      tpu.wait_indirect_dma semaphore(%arg8 : memref<!tpu.dma_semaphore, #tpu.memory_space<semaphore_mem>>) src(%dma_wait3A_246 : memref<457x64xf32, #tpu.memory_space<vmem_shared>>) dst(%dma_wait3A_240 : memref<128x64xf32, #tpu.memory_space<vmem>>)
      %dma_wait3A_247 = arith.constant 0 : i32
      %dma_wait3A_248 = arith.constant 3 : i32
      %dma_wait3A_249 = arith.constant 0 : i32
      %dma_wait3A_250 = arith.constant 3 : i32
      %dma_wait3A_251 = arith.constant 0 : i32
      %dma_wait3A_252 = arith.constant 0 : i32
      %dma_wait3A_253 = tpu.memref_slice %arg7[%dma_wait3A_249, %dma_wait3A_250, %dma_wait3A_251, %dma_wait3A_252] : memref<2x4x128x64xf32, #tpu.memory_space<vmem>> -> memref<1x1x128x64xf32, #tpu.memory_space<vmem>>
      %dma_wait3A_254 = tpu.memref_squeeze %dma_wait3A_253 : memref<1x1x128x64xf32, #tpu.memory_space<vmem>> -> memref<128x64xf32, #tpu.memory_space<vmem>>
      %dma_wait3A_255 = arith.constant 0 : i32
      %dma_wait3A_256 = tpu.memref_slice %arg6[%dma_wait3A_247, %dma_wait3A_248, %dma_wait3A_255] : memref<2x4x128xi32, #tpu.memory_space<vmem>> -> memref<1x1x128xi32, #tpu.memory_space<vmem>>
      %dma_wait3A_257 = tpu.memref_squeeze %dma_wait3A_256 : memref<1x1x128xi32, #tpu.memory_space<vmem>> -> memref<128xi32, #tpu.memory_space<vmem>>
      %dma_wait3A_258 = arith.constant 0 : i32
      %dma_wait3A_259 = arith.constant 0 : i32
      %dma_wait3A_260 = tpu.memref_slice %arg5[%dma_wait3A_258, %dma_wait3A_259] : memref<457x64xf32, #tpu.memory_space<vmem_shared>> -> memref<457x64xf32, #tpu.memory_space<vmem_shared>>
      tpu.wait_indirect_dma semaphore(%arg8 : memref<!tpu.dma_semaphore, #tpu.memory_space<semaphore_mem>>) src(%dma_wait3A_260 : memref<457x64xf32, #tpu.memory_space<vmem_shared>>) dst(%dma_wait3A_254 : memref<128x64xf32, #tpu.memory_space<vmem>>)
      %mul3A_261 = arith.constant 256 : i32
      %mul3A_262 = arith.muli %add3A_198, %mul3A_261 : i32
      %add3A_263 = arith.addi %mul3A_6, %mul3A_262 : i32
      %add3A_264 = arith.constant 128 : i32
      %add3A_265 = arith.addi %add3A_263, %add3A_264 : i32
      %add3A_266 = arith.constant 128 : i32
      %add3A_267 = arith.addi %add3A_263, %add3A_266 : i32
      %dma_start3A_268 = arith.constant 0 : i32
      %dma_start3A_269 = arith.constant 0 : i32
      %dma_start3A_270 = arith.constant 0 : i32
      %dma_start3A_271 = arith.constant 0 : i32
      %dma_start3A_272 = tpu.memref_slice %arg7[%dma_start3A_268, %dma_start3A_269, %dma_start3A_270, %dma_start3A_271] : memref<2x4x128x64xf32, #tpu.memory_space<vmem>> -> memref<1x1x128x64xf32, #tpu.memory_space<vmem>>
      %dma_start3A_273 = tpu.memref_squeeze %dma_start3A_272 : memref<1x1x128x64xf32, #tpu.memory_space<vmem>> -> memref<128x64xf32, #tpu.memory_space<vmem>>
      %dma_start3A_274 = arith.constant 0 : i32
      %dma_start3A_275 = tpu.memref_slice %arg4[%add3A_263, %dma_start3A_274] : memref<1638400x128xf32, #tpu.memory_space<hbm>> -> memref<128x64xf32, #tpu.memory_space<hbm>>
      %dma_start3A_276 = arith.constant 0 : i32
      %dma_start3A_277 = tpu.memref_slice %arg4[%add3A_263, %dma_start3A_276] : memref<1638400x128xf32, #tpu.memory_space<hbm>> -> memref<128x64xf32, #tpu.memory_space<hbm>>
      %dma_start3A_278 = arith.constant 0 : i32
      %dma_start3A_279 = arith.constant 0 : i32
      %dma_start3A_280 = tpu.memref_slice %arg7[%dma_start3A_268, %dma_start3A_269, %dma_start3A_278, %dma_start3A_279] : memref<2x4x128x64xf32, #tpu.memory_space<vmem>> -> memref<1x1x128x64xf32, #tpu.memory_space<vmem>>
      %dma_start3A_281 = tpu.memref_squeeze %dma_start3A_280 : memref<1x1x128x64xf32, #tpu.memory_space<vmem>> -> memref<128x64xf32, #tpu.memory_space<vmem>>
      tpu.enqueue_dma source(%dma_start3A_281 : memref<128x64xf32, #tpu.memory_space<vmem>>) target(%dma_start3A_277 : memref<128x64xf32, #tpu.memory_space<hbm>>) target_semaphore(%arg10 : memref<!tpu.dma_semaphore, #tpu.memory_space<semaphore_mem>>)
      %dma_start3A_282 = arith.constant 0 : i32
      %dma_start3A_283 = arith.constant 1 : i32
      %dma_start3A_284 = arith.constant 0 : i32
      %dma_start3A_285 = arith.constant 0 : i32
      %dma_start3A_286 = tpu.memref_slice %arg7[%dma_start3A_282, %dma_start3A_283, %dma_start3A_284, %dma_start3A_285] : memref<2x4x128x64xf32, #tpu.memory_space<vmem>> -> memref<1x1x128x64xf32, #tpu.memory_space<vmem>>
      %dma_start3A_287 = tpu.memref_squeeze %dma_start3A_286 : memref<1x1x128x64xf32, #tpu.memory_space<vmem>> -> memref<128x64xf32, #tpu.memory_space<vmem>>
      %dma_start3A_288 = arith.constant 0 : i32
      %dma_start3A_289 = tpu.memref_slice %arg4[%add3A_265, %dma_start3A_288] : memref<1638400x128xf32, #tpu.memory_space<hbm>> -> memref<128x64xf32, #tpu.memory_space<hbm>>
      %dma_start3A_290 = arith.constant 0 : i32
      %dma_start3A_291 = tpu.memref_slice %arg4[%add3A_265, %dma_start3A_290] : memref<1638400x128xf32, #tpu.memory_space<hbm>> -> memref<128x64xf32, #tpu.memory_space<hbm>>
      %dma_start3A_292 = arith.constant 0 : i32
      %dma_start3A_293 = arith.constant 0 : i32
      %dma_start3A_294 = tpu.memref_slice %arg7[%dma_start3A_282, %dma_start3A_283, %dma_start3A_292, %dma_start3A_293] : memref<2x4x128x64xf32, #tpu.memory_space<vmem>> -> memref<1x1x128x64xf32, #tpu.memory_space<vmem>>
      %dma_start3A_295 = tpu.memref_squeeze %dma_start3A_294 : memref<1x1x128x64xf32, #tpu.memory_space<vmem>> -> memref<128x64xf32, #tpu.memory_space<vmem>>
      tpu.enqueue_dma source(%dma_start3A_295 : memref<128x64xf32, #tpu.memory_space<vmem>>) target(%dma_start3A_291 : memref<128x64xf32, #tpu.memory_space<hbm>>) target_semaphore(%arg10 : memref<!tpu.dma_semaphore, #tpu.memory_space<semaphore_mem>>)
      %dma_start3A_296 = arith.constant 0 : i32
      %dma_start3A_297 = arith.constant 2 : i32
      %dma_start3A_298 = arith.constant 0 : i32
      %dma_start3A_299 = arith.constant 0 : i32
      %dma_start3A_300 = tpu.memref_slice %arg7[%dma_start3A_296, %dma_start3A_297, %dma_start3A_298, %dma_start3A_299] : memref<2x4x128x64xf32, #tpu.memory_space<vmem>> -> memref<1x1x128x64xf32, #tpu.memory_space<vmem>>
      %dma_start3A_301 = tpu.memref_squeeze %dma_start3A_300 : memref<1x1x128x64xf32, #tpu.memory_space<vmem>> -> memref<128x64xf32, #tpu.memory_space<vmem>>
      %dma_start3A_302 = arith.constant 64 : i32
      %dma_start3A_303 = tpu.memref_slice %arg4[%add3A_263, %dma_start3A_302] : memref<1638400x128xf32, #tpu.memory_space<hbm>> -> memref<128x64xf32, #tpu.memory_space<hbm>>
      %dma_start3A_304 = arith.constant 64 : i32
      %dma_start3A_305 = tpu.memref_slice %arg4[%add3A_263, %dma_start3A_304] : memref<1638400x128xf32, #tpu.memory_space<hbm>> -> memref<128x64xf32, #tpu.memory_space<hbm>>
      %dma_start3A_306 = arith.constant 0 : i32
      %dma_start3A_307 = arith.constant 0 : i32
      %dma_start3A_308 = tpu.memref_slice %arg7[%dma_start3A_296, %dma_start3A_297, %dma_start3A_306, %dma_start3A_307] : memref<2x4x128x64xf32, #tpu.memory_space<vmem>> -> memref<1x1x128x64xf32, #tpu.memory_space<vmem>>
      %dma_start3A_309 = tpu.memref_squeeze %dma_start3A_308 : memref<1x1x128x64xf32, #tpu.memory_space<vmem>> -> memref<128x64xf32, #tpu.memory_space<vmem>>
      tpu.enqueue_dma source(%dma_start3A_309 : memref<128x64xf32, #tpu.memory_space<vmem>>) target(%dma_start3A_305 : memref<128x64xf32, #tpu.memory_space<hbm>>) target_semaphore(%arg10 : memref<!tpu.dma_semaphore, #tpu.memory_space<semaphore_mem>>)
      %dma_start3A_310 = arith.constant 0 : i32
      %dma_start3A_311 = arith.constant 3 : i32
      %dma_start3A_312 = arith.constant 0 : i32
      %dma_start3A_313 = arith.constant 0 : i32
      %dma_start3A_314 = tpu.memref_slice %arg7[%dma_start3A_310, %dma_start3A_311, %dma_start3A_312, %dma_start3A_313] : memref<2x4x128x64xf32, #tpu.memory_space<vmem>> -> memref<1x1x128x64xf32, #tpu.memory_space<vmem>>
      %dma_start3A_315 = tpu.memref_squeeze %dma_start3A_314 : memref<1x1x128x64xf32, #tpu.memory_space<vmem>> -> memref<128x64xf32, #tpu.memory_space<vmem>>
      %dma_start3A_316 = arith.constant 64 : i32
      %dma_start3A_317 = tpu.memref_slice %arg4[%add3A_267, %dma_start3A_316] : memref<1638400x128xf32, #tpu.memory_space<hbm>> -> memref<128x64xf32, #tpu.memory_space<hbm>>
      %dma_start3A_318 = arith.constant 64 : i32
      %dma_start3A_319 = tpu.memref_slice %arg4[%add3A_267, %dma_start3A_318] : memref<1638400x128xf32, #tpu.memory_space<hbm>> -> memref<128x64xf32, #tpu.memory_space<hbm>>
      %dma_start3A_320 = arith.constant 0 : i32
      %dma_start3A_321 = arith.constant 0 : i32
      %dma_start3A_322 = tpu.memref_slice %arg7[%dma_start3A_310, %dma_start3A_311, %dma_start3A_320, %dma_start3A_321] : memref<2x4x128x64xf32, #tpu.memory_space<vmem>> -> memref<1x1x128x64xf32, #tpu.memory_space<vmem>>
      %dma_start3A_323 = tpu.memref_squeeze %dma_start3A_322 : memref<1x1x128x64xf32, #tpu.memory_space<vmem>> -> memref<128x64xf32, #tpu.memory_space<vmem>>
      tpu.enqueue_dma source(%dma_start3A_323 : memref<128x64xf32, #tpu.memory_space<vmem>>) target(%dma_start3A_319 : memref<128x64xf32, #tpu.memory_space<hbm>>) target_semaphore(%arg10 : memref<!tpu.dma_semaphore, #tpu.memory_space<semaphore_mem>>)
      %mul3A_324 = arith.constant 2 : i32
      %mul3A_325 = arith.muli %mul3A_324, %scan3A_194 : i32
      %add3A_326 = arith.constant 1 : i32
      %add3A_327 = arith.addi %mul3A_325, %add3A_326 : i32
      %add3A_328 = arith.constant 1 : i32
      %add3A_329 = arith.addi %add3A_327, %add3A_328 : i32
      %lt3A_330 = arith.constant 200 : i32
      %lt3A_331 = arith.cmpi slt, %add3A_329, %lt3A_330 : i32
      %convert_element_type3A_332 = arith.extui %lt3A_331 : i1 to i32
      %cond3A_333 = arith.constant 0 : i32
      %cond3A_334 = arith.cmpi ne, %convert_element_type3A_332, %cond3A_333 : i32
      scf.if %cond3A_334 {
        %ge3A = arith.constant 1 : i32
        %ge3A_454 = arith.cmpi sge, %add3A_327, %ge3A : i32
        %convert_element_type3A_455 = arith.extui %ge3A_454 : i1 to i32
        %cond3A_456 = arith.constant 0 : i32
        %cond3A_457 = arith.cmpi ne, %convert_element_type3A_455, %cond3A_456 : i32
        scf.if %cond3A_457 {
          %sub3A = arith.constant 1 : i32
          %sub3A_520 = arith.subi %add3A_327, %sub3A : i32
          %mul3A_521 = arith.constant 256 : i32
          %mul3A_522 = arith.muli %sub3A_520, %mul3A_521 : i32
          %add3A_523 = arith.addi %mul3A_6, %mul3A_522 : i32
          %add3A_524 = arith.constant 128 : i32
          %add3A_525 = arith.addi %add3A_523, %add3A_524 : i32
          %add3A_526 = arith.constant 128 : i32
          %add3A_527 = arith.addi %add3A_523, %add3A_526 : i32
          %dma_wait3A_528 = arith.constant 0 : i32
          %dma_wait3A_529 = arith.constant 0 : i32
          %dma_wait3A_530 = arith.constant 0 : i32
          %dma_wait3A_531 = arith.constant 0 : i32
          %dma_wait3A_532 = tpu.memref_slice %arg7[%dma_wait3A_528, %dma_wait3A_529, %dma_wait3A_530, %dma_wait3A_531] : memref<2x4x128x64xf32, #tpu.memory_space<vmem>> -> memref<1x1x128x64xf32, #tpu.memory_space<vmem>>
          %dma_wait3A_533 = tpu.memref_squeeze %dma_wait3A_532 : memref<1x1x128x64xf32, #tpu.memory_space<vmem>> -> memref<128x64xf32, #tpu.memory_space<vmem>>
          %dma_wait3A_534 = arith.constant 0 : i32
          %dma_wait3A_535 = tpu.memref_slice %arg4[%add3A_523, %dma_wait3A_534] : memref<1638400x128xf32, #tpu.memory_space<hbm>> -> memref<128x64xf32, #tpu.memory_space<hbm>>
          %dma_wait3A_536 = arith.constant 0 : i32
          %dma_wait3A_537 = tpu.memref_slice %arg4[%add3A_523, %dma_wait3A_536] : memref<1638400x128xf32, #tpu.memory_space<hbm>> -> memref<128x64xf32, #tpu.memory_space<hbm>>
          %dma_wait3A_538 = arith.constant 0 : i32
          %dma_wait3A_539 = arith.constant 0 : i32
          %dma_wait3A_540 = tpu.memref_slice %arg7[%dma_wait3A_528, %dma_wait3A_529, %dma_wait3A_538, %dma_wait3A_539] : memref<2x4x128x64xf32, #tpu.memory_space<vmem>> -> memref<1x1x128x64xf32, #tpu.memory_space<vmem>>
          %dma_wait3A_541 = tpu.memref_squeeze %dma_wait3A_540 : memref<1x1x128x64xf32, #tpu.memory_space<vmem>> -> memref<128x64xf32, #tpu.memory_space<vmem>>
          tpu.wait_dma2 semaphore(%arg10 : memref<!tpu.dma_semaphore, #tpu.memory_space<semaphore_mem>>) src(%dma_wait3A_541 : memref<128x64xf32, #tpu.memory_space<vmem>>) dst(%dma_wait3A_537 : memref<128x64xf32, #tpu.memory_space<hbm>>)
          %dma_wait3A_542 = arith.constant 0 : i32
          %dma_wait3A_543 = arith.constant 1 : i32
          %dma_wait3A_544 = arith.constant 0 : i32
          %dma_wait3A_545 = arith.constant 0 : i32
          %dma_wait3A_546 = tpu.memref_slice %arg7[%dma_wait3A_542, %dma_wait3A_543, %dma_wait3A_544, %dma_wait3A_545] : memref<2x4x128x64xf32, #tpu.memory_space<vmem>> -> memref<1x1x128x64xf32, #tpu.memory_space<vmem>>
          %dma_wait3A_547 = tpu.memref_squeeze %dma_wait3A_546 : memref<1x1x128x64xf32, #tpu.memory_space<vmem>> -> memref<128x64xf32, #tpu.memory_space<vmem>>
          %dma_wait3A_548 = arith.constant 0 : i32
          %dma_wait3A_549 = tpu.memref_slice %arg4[%add3A_525, %dma_wait3A_548] : memref<1638400x128xf32, #tpu.memory_space<hbm>> -> memref<128x64xf32, #tpu.memory_space<hbm>>
          %dma_wait3A_550 = arith.constant 0 : i32
          %dma_wait3A_551 = tpu.memref_slice %arg4[%add3A_525, %dma_wait3A_550] : memref<1638400x128xf32, #tpu.memory_space<hbm>> -> memref<128x64xf32, #tpu.memory_space<hbm>>
          %dma_wait3A_552 = arith.constant 0 : i32
          %dma_wait3A_553 = arith.constant 0 : i32
          %dma_wait3A_554 = tpu.memref_slice %arg7[%dma_wait3A_542, %dma_wait3A_543, %dma_wait3A_552, %dma_wait3A_553] : memref<2x4x128x64xf32, #tpu.memory_space<vmem>> -> memref<1x1x128x64xf32, #tpu.memory_space<vmem>>
          %dma_wait3A_555 = tpu.memref_squeeze %dma_wait3A_554 : memref<1x1x128x64xf32, #tpu.memory_space<vmem>> -> memref<128x64xf32, #tpu.memory_space<vmem>>
          tpu.wait_dma2 semaphore(%arg10 : memref<!tpu.dma_semaphore, #tpu.memory_space<semaphore_mem>>) src(%dma_wait3A_555 : memref<128x64xf32, #tpu.memory_space<vmem>>) dst(%dma_wait3A_551 : memref<128x64xf32, #tpu.memory_space<hbm>>)
          %dma_wait3A_556 = arith.constant 0 : i32
          %dma_wait3A_557 = arith.constant 2 : i32
          %dma_wait3A_558 = arith.constant 0 : i32
          %dma_wait3A_559 = arith.constant 0 : i32
          %dma_wait3A_560 = tpu.memref_slice %arg7[%dma_wait3A_556, %dma_wait3A_557, %dma_wait3A_558, %dma_wait3A_559] : memref<2x4x128x64xf32, #tpu.memory_space<vmem>> -> memref<1x1x128x64xf32, #tpu.memory_space<vmem>>
          %dma_wait3A_561 = tpu.memref_squeeze %dma_wait3A_560 : memref<1x1x128x64xf32, #tpu.memory_space<vmem>> -> memref<128x64xf32, #tpu.memory_space<vmem>>
          %dma_wait3A_562 = arith.constant 64 : i32
          %dma_wait3A_563 = tpu.memref_slice %arg4[%add3A_523, %dma_wait3A_562] : memref<1638400x128xf32, #tpu.memory_space<hbm>> -> memref<128x64xf32, #tpu.memory_space<hbm>>
          %dma_wait3A_564 = arith.constant 64 : i32
          %dma_wait3A_565 = tpu.memref_slice %arg4[%add3A_523, %dma_wait3A_564] : memref<1638400x128xf32, #tpu.memory_space<hbm>> -> memref<128x64xf32, #tpu.memory_space<hbm>>
          %dma_wait3A_566 = arith.constant 0 : i32
          %dma_wait3A_567 = arith.constant 0 : i32
          %dma_wait3A_568 = tpu.memref_slice %arg7[%dma_wait3A_556, %dma_wait3A_557, %dma_wait3A_566, %dma_wait3A_567] : memref<2x4x128x64xf32, #tpu.memory_space<vmem>> -> memref<1x1x128x64xf32, #tpu.memory_space<vmem>>
          %dma_wait3A_569 = tpu.memref_squeeze %dma_wait3A_568 : memref<1x1x128x64xf32, #tpu.memory_space<vmem>> -> memref<128x64xf32, #tpu.memory_space<vmem>>
          tpu.wait_dma2 semaphore(%arg10 : memref<!tpu.dma_semaphore, #tpu.memory_space<semaphore_mem>>) src(%dma_wait3A_569 : memref<128x64xf32, #tpu.memory_space<vmem>>) dst(%dma_wait3A_565 : memref<128x64xf32, #tpu.memory_space<hbm>>)
          %dma_wait3A_570 = arith.constant 0 : i32
          %dma_wait3A_571 = arith.constant 3 : i32
          %dma_wait3A_572 = arith.constant 0 : i32
          %dma_wait3A_573 = arith.constant 0 : i32
          %dma_wait3A_574 = tpu.memref_slice %arg7[%dma_wait3A_570, %dma_wait3A_571, %dma_wait3A_572, %dma_wait3A_573] : memref<2x4x128x64xf32, #tpu.memory_space<vmem>> -> memref<1x1x128x64xf32, #tpu.memory_space<vmem>>
          %dma_wait3A_575 = tpu.memref_squeeze %dma_wait3A_574 : memref<1x1x128x64xf32, #tpu.memory_space<vmem>> -> memref<128x64xf32, #tpu.memory_space<vmem>>
          %dma_wait3A_576 = arith.constant 64 : i32
          %dma_wait3A_577 = tpu.memref_slice %arg4[%add3A_527, %dma_wait3A_576] : memref<1638400x128xf32, #tpu.memory_space<hbm>> -> memref<128x64xf32, #tpu.memory_space<hbm>>
          %dma_wait3A_578 = arith.constant 64 : i32
          %dma_wait3A_579 = tpu.memref_slice %arg4[%add3A_527, %dma_wait3A_578] : memref<1638400x128xf32, #tpu.memory_space<hbm>> -> memref<128x64xf32, #tpu.memory_space<hbm>>
          %dma_wait3A_580 = arith.constant 0 : i32
          %dma_wait3A_581 = arith.constant 0 : i32
          %dma_wait3A_582 = tpu.memref_slice %arg7[%dma_wait3A_570, %dma_wait3A_571, %dma_wait3A_580, %dma_wait3A_581] : memref<2x4x128x64xf32, #tpu.memory_space<vmem>> -> memref<1x1x128x64xf32, #tpu.memory_space<vmem>>
          %dma_wait3A_583 = tpu.memref_squeeze %dma_wait3A_582 : memref<1x1x128x64xf32, #tpu.memory_space<vmem>> -> memref<128x64xf32, #tpu.memory_space<vmem>>
          tpu.wait_dma2 semaphore(%arg10 : memref<!tpu.dma_semaphore, #tpu.memory_space<semaphore_mem>>) src(%dma_wait3A_583 : memref<128x64xf32, #tpu.memory_space<vmem>>) dst(%dma_wait3A_579 : memref<128x64xf32, #tpu.memory_space<hbm>>)
        } else {
        }
        %add3A_458 = arith.constant 1 : i32
        %add3A_459 = arith.addi %add3A_327, %add3A_458 : i32
        %mul3A_460 = arith.constant 4 : i32
        %mul3A_461 = arith.muli %add3A_459, %mul3A_460 : i32
        %add3A_462 = arith.addi %mul3A_4, %mul3A_461 : i32
        %run_scoped3A_463 = arith.constant 0 : i32
        "tpu.region"() ({
          %run_scoped3A_520 = tpu.sem_alloc : memref<!tpu.dma_semaphore, #tpu.memory_space<semaphore_mem>>
          %dma_start3A_521 = arith.constant 0 : i32
          %dma_start3A_522 = arith.constant 0 : i32
          %dma_start3A_523 = tpu.memref_slice %arg6[%run_scoped3A_463, %dma_start3A_521, %dma_start3A_522] : memref<2x4x128xi32, #tpu.memory_space<vmem>> -> memref<1x4x128xi32, #tpu.memory_space<vmem>>
          %dma_start3A_524 = tpu.memref_squeeze %dma_start3A_523 : memref<1x4x128xi32, #tpu.memory_space<vmem>> -> memref<4x128xi32, #tpu.memory_space<vmem>>
          %dma_start3A_525 = arith.constant 0 : i32
          %dma_start3A_526 = tpu.memref_slice %arg2[%add3A_462, %dma_start3A_525] : memref<25600x128xi32, #tpu.memory_space<hbm>> -> memref<4x128xi32, #tpu.memory_space<hbm>>
          %dma_start3A_527 = arith.constant 0 : i32
          %dma_start3A_528 = arith.constant 0 : i32
          %dma_start3A_529 = tpu.memref_slice %arg6[%run_scoped3A_463, %dma_start3A_527, %dma_start3A_528] : memref<2x4x128xi32, #tpu.memory_space<vmem>> -> memref<1x4x128xi32, #tpu.memory_space<vmem>>
          %dma_start3A_530 = tpu.memref_squeeze %dma_start3A_529 : memref<1x4x128xi32, #tpu.memory_space<vmem>> -> memref<4x128xi32, #tpu.memory_space<vmem>>
          %dma_start3A_531 = arith.constant 0 : i32
          %dma_start3A_532 = tpu.memref_slice %arg2[%add3A_462, %dma_start3A_531] : memref<25600x128xi32, #tpu.memory_space<hbm>> -> memref<4x128xi32, #tpu.memory_space<hbm>>
          tpu.enqueue_dma source(%dma_start3A_532 : memref<4x128xi32, #tpu.memory_space<hbm>>) target(%dma_start3A_530 : memref<4x128xi32, #tpu.memory_space<vmem>>) target_semaphore(%run_scoped3A_520 : memref<!tpu.dma_semaphore, #tpu.memory_space<semaphore_mem>>)
          %dma_wait3A_533 = arith.constant 0 : i32
          %dma_wait3A_534 = arith.constant 0 : i32
          %dma_wait3A_535 = tpu.memref_slice %arg6[%run_scoped3A_463, %dma_wait3A_533, %dma_wait3A_534] : memref<2x4x128xi32, #tpu.memory_space<vmem>> -> memref<1x4x128xi32, #tpu.memory_space<vmem>>
          %dma_wait3A_536 = tpu.memref_squeeze %dma_wait3A_535 : memref<1x4x128xi32, #tpu.memory_space<vmem>> -> memref<4x128xi32, #tpu.memory_space<vmem>>
          %dma_wait3A_537 = arith.constant 0 : i32
          %dma_wait3A_538 = tpu.memref_slice %arg2[%add3A_462, %dma_wait3A_537] : memref<25600x128xi32, #tpu.memory_space<hbm>> -> memref<4x128xi32, #tpu.memory_space<hbm>>
          %dma_wait3A_539 = arith.constant 0 : i32
          %dma_wait3A_540 = arith.constant 0 : i32
          %dma_wait3A_541 = tpu.memref_slice %arg6[%run_scoped3A_463, %dma_wait3A_539, %dma_wait3A_540] : memref<2x4x128xi32, #tpu.memory_space<vmem>> -> memref<1x4x128xi32, #tpu.memory_space<vmem>>
          %dma_wait3A_542 = tpu.memref_squeeze %dma_wait3A_541 : memref<1x4x128xi32, #tpu.memory_space<vmem>> -> memref<4x128xi32, #tpu.memory_space<vmem>>
          %dma_wait3A_543 = arith.constant 0 : i32
          %dma_wait3A_544 = tpu.memref_slice %arg2[%add3A_462, %dma_wait3A_543] : memref<25600x128xi32, #tpu.memory_space<hbm>> -> memref<4x128xi32, #tpu.memory_space<hbm>>
          tpu.wait_dma2 semaphore(%run_scoped3A_520 : memref<!tpu.dma_semaphore, #tpu.memory_space<semaphore_mem>>) src(%dma_wait3A_544 : memref<4x128xi32, #tpu.memory_space<hbm>>) dst(%dma_wait3A_542 : memref<4x128xi32, #tpu.memory_space<vmem>>)
          tpu.yield
        }) : () -> ()
        %dma_start3A_464 = arith.constant 0 : i32
        %dma_start3A_465 = arith.constant 0 : i32
        %dma_start3A_466 = arith.constant 0 : i32
        %dma_start3A_467 = arith.constant 0 : i32
        %dma_start3A_468 = arith.constant 0 : i32
        %dma_start3A_469 = arith.constant 0 : i32
        %dma_start3A_470 = tpu.memref_slice %arg7[%dma_start3A_466, %dma_start3A_467, %dma_start3A_468, %dma_start3A_469] : memref<2x4x128x64xf32, #tpu.memory_space<vmem>> -> memref<1x1x128x64xf32, #tpu.memory_space<vmem>>
        %dma_start3A_471 = tpu.memref_squeeze %dma_start3A_470 : memref<1x1x128x64xf32, #tpu.memory_space<vmem>> -> memref<128x64xf32, #tpu.memory_space<vmem>>
        %dma_start3A_472 = arith.constant 0 : i32
        %dma_start3A_473 = tpu.memref_slice %arg6[%dma_start3A_464, %dma_start3A_465, %dma_start3A_472] : memref<2x4x128xi32, #tpu.memory_space<vmem>> -> memref<1x1x128xi32, #tpu.memory_space<vmem>>
        %dma_start3A_474 = tpu.memref_squeeze %dma_start3A_473 : memref<1x1x128xi32, #tpu.memory_space<vmem>> -> memref<128xi32, #tpu.memory_space<vmem>>
        %dma_start3A_475 = arith.constant 0 : i32
        %dma_start3A_476 = arith.constant 0 : i32
        %dma_start3A_477 = tpu.memref_slice %arg5[%dma_start3A_475, %dma_start3A_476] : memref<457x64xf32, #tpu.memory_space<vmem_shared>> -> memref<457x64xf32, #tpu.memory_space<vmem_shared>>
        tpu.enqueue_indirect_dma source(%dma_start3A_477 : memref<457x64xf32, #tpu.memory_space<vmem_shared>>) target(%dma_start3A_471 : memref<128x64xf32, #tpu.memory_space<vmem>>) offsets(%dma_start3A_474 : memref<128xi32, #tpu.memory_space<vmem>>) semaphore(%arg8 : memref<!tpu.dma_semaphore, #tpu.memory_space<semaphore_mem>>)
        %dma_start3A_478 = arith.constant 0 : i32
        %dma_start3A_479 = arith.constant 1 : i32
        %dma_start3A_480 = arith.constant 0 : i32
        %dma_start3A_481 = arith.constant 1 : i32
        %dma_start3A_482 = arith.constant 0 : i32
        %dma_start3A_483 = arith.constant 0 : i32
        %dma_start3A_484 = tpu.memref_slice %arg7[%dma_start3A_480, %dma_start3A_481, %dma_start3A_482, %dma_start3A_483] : memref<2x4x128x64xf32, #tpu.memory_space<vmem>> -> memref<1x1x128x64xf32, #tpu.memory_space<vmem>>
        %dma_start3A_485 = tpu.memref_squeeze %dma_start3A_484 : memref<1x1x128x64xf32, #tpu.memory_space<vmem>> -> memref<128x64xf32, #tpu.memory_space<vmem>>
        %dma_start3A_486 = arith.constant 0 : i32
        %dma_start3A_487 = tpu.memref_slice %arg6[%dma_start3A_478, %dma_start3A_479, %dma_start3A_486] : memref<2x4x128xi32, #tpu.memory_space<vmem>> -> memref<1x1x128xi32, #tpu.memory_space<vmem>>
        %dma_start3A_488 = tpu.memref_squeeze %dma_start3A_487 : memref<1x1x128xi32, #tpu.memory_space<vmem>> -> memref<128xi32, #tpu.memory_space<vmem>>
        %dma_start3A_489 = arith.constant 0 : i32
        %dma_start3A_490 = arith.constant 0 : i32
        %dma_start3A_491 = tpu.memref_slice %arg5[%dma_start3A_489, %dma_start3A_490] : memref<457x64xf32, #tpu.memory_space<vmem_shared>> -> memref<457x64xf32, #tpu.memory_space<vmem_shared>>
        tpu.enqueue_indirect_dma source(%dma_start3A_491 : memref<457x64xf32, #tpu.memory_space<vmem_shared>>) target(%dma_start3A_485 : memref<128x64xf32, #tpu.memory_space<vmem>>) offsets(%dma_start3A_488 : memref<128xi32, #tpu.memory_space<vmem>>) semaphore(%arg8 : memref<!tpu.dma_semaphore, #tpu.memory_space<semaphore_mem>>)
        %dma_start3A_492 = arith.constant 0 : i32
        %dma_start3A_493 = arith.constant 2 : i32
        %dma_start3A_494 = arith.constant 0 : i32
        %dma_start3A_495 = arith.constant 2 : i32
        %dma_start3A_496 = arith.constant 0 : i32
        %dma_start3A_497 = arith.constant 0 : i32
        %dma_start3A_498 = tpu.memref_slice %arg7[%dma_start3A_494, %dma_start3A_495, %dma_start3A_496, %dma_start3A_497] : memref<2x4x128x64xf32, #tpu.memory_space<vmem>> -> memref<1x1x128x64xf32, #tpu.memory_space<vmem>>
        %dma_start3A_499 = tpu.memref_squeeze %dma_start3A_498 : memref<1x1x128x64xf32, #tpu.memory_space<vmem>> -> memref<128x64xf32, #tpu.memory_space<vmem>>
        %dma_start3A_500 = arith.constant 0 : i32
        %dma_start3A_501 = tpu.memref_slice %arg6[%dma_start3A_492, %dma_start3A_493, %dma_start3A_500] : memref<2x4x128xi32, #tpu.memory_space<vmem>> -> memref<1x1x128xi32, #tpu.memory_space<vmem>>
        %dma_start3A_502 = tpu.memref_squeeze %dma_start3A_501 : memref<1x1x128xi32, #tpu.memory_space<vmem>> -> memref<128xi32, #tpu.memory_space<vmem>>
        %dma_start3A_503 = arith.constant 0 : i32
        %dma_start3A_504 = arith.constant 0 : i32
        %dma_start3A_505 = tpu.memref_slice %arg5[%dma_start3A_503, %dma_start3A_504] : memref<457x64xf32, #tpu.memory_space<vmem_shared>> -> memref<457x64xf32, #tpu.memory_space<vmem_shared>>
        tpu.enqueue_indirect_dma source(%dma_start3A_505 : memref<457x64xf32, #tpu.memory_space<vmem_shared>>) target(%dma_start3A_499 : memref<128x64xf32, #tpu.memory_space<vmem>>) offsets(%dma_start3A_502 : memref<128xi32, #tpu.memory_space<vmem>>) semaphore(%arg8 : memref<!tpu.dma_semaphore, #tpu.memory_space<semaphore_mem>>)
        %dma_start3A_506 = arith.constant 0 : i32
        %dma_start3A_507 = arith.constant 3 : i32
        %dma_start3A_508 = arith.constant 0 : i32
        %dma_start3A_509 = arith.constant 3 : i32
        %dma_start3A_510 = arith.constant 0 : i32
        %dma_start3A_511 = arith.constant 0 : i32
        %dma_start3A_512 = tpu.memref_slice %arg7[%dma_start3A_508, %dma_start3A_509, %dma_start3A_510, %dma_start3A_511] : memref<2x4x128x64xf32, #tpu.memory_space<vmem>> -> memref<1x1x128x64xf32, #tpu.memory_space<vmem>>
        %dma_start3A_513 = tpu.memref_squeeze %dma_start3A_512 : memref<1x1x128x64xf32, #tpu.memory_space<vmem>> -> memref<128x64xf32, #tpu.memory_space<vmem>>
        %dma_start3A_514 = arith.constant 0 : i32
        %dma_start3A_515 = tpu.memref_slice %arg6[%dma_start3A_506, %dma_start3A_507, %dma_start3A_514] : memref<2x4x128xi32, #tpu.memory_space<vmem>> -> memref<1x1x128xi32, #tpu.memory_space<vmem>>
        %dma_start3A_516 = tpu.memref_squeeze %dma_start3A_515 : memref<1x1x128xi32, #tpu.memory_space<vmem>> -> memref<128xi32, #tpu.memory_space<vmem>>
        %dma_start3A_517 = arith.constant 0 : i32
        %dma_start3A_518 = arith.constant 0 : i32
        %dma_start3A_519 = tpu.memref_slice %arg5[%dma_start3A_517, %dma_start3A_518] : memref<457x64xf32, #tpu.memory_space<vmem_shared>> -> memref<457x64xf32, #tpu.memory_space<vmem_shared>>
        tpu.enqueue_indirect_dma source(%dma_start3A_519 : memref<457x64xf32, #tpu.memory_space<vmem_shared>>) target(%dma_start3A_513 : memref<128x64xf32, #tpu.memory_space<vmem>>) offsets(%dma_start3A_516 : memref<128xi32, #tpu.memory_space<vmem>>) semaphore(%arg8 : memref<!tpu.dma_semaphore, #tpu.memory_space<semaphore_mem>>)
      } else {
      }
      %dma_wait3A_335 = arith.constant 1 : i32
      %dma_wait3A_336 = arith.constant 0 : i32
      %dma_wait3A_337 = arith.constant 1 : i32
      %dma_wait3A_338 = arith.constant 0 : i32
      %dma_wait3A_339 = arith.constant 0 : i32
      %dma_wait3A_340 = arith.constant 0 : i32
      %dma_wait3A_341 = tpu.memref_slice %arg7[%dma_wait3A_337, %dma_wait3A_338, %dma_wait3A_339, %dma_wait3A_340] : memref<2x4x128x64xf32, #tpu.memory_space<vmem>> -> memref<1x1x128x64xf32, #tpu.memory_space<vmem>>
      %dma_wait3A_342 = tpu.memref_squeeze %dma_wait3A_341 : memref<1x1x128x64xf32, #tpu.memory_space<vmem>> -> memref<128x64xf32, #tpu.memory_space<vmem>>
      %dma_wait3A_343 = arith.constant 0 : i32
      %dma_wait3A_344 = tpu.memref_slice %arg6[%dma_wait3A_335, %dma_wait3A_336, %dma_wait3A_343] : memref<2x4x128xi32, #tpu.memory_space<vmem>> -> memref<1x1x128xi32, #tpu.memory_space<vmem>>
      %dma_wait3A_345 = tpu.memref_squeeze %dma_wait3A_344 : memref<1x1x128xi32, #tpu.memory_space<vmem>> -> memref<128xi32, #tpu.memory_space<vmem>>
      %dma_wait3A_346 = arith.constant 0 : i32
      %dma_wait3A_347 = arith.constant 0 : i32
      %dma_wait3A_348 = tpu.memref_slice %arg5[%dma_wait3A_346, %dma_wait3A_347] : memref<457x64xf32, #tpu.memory_space<vmem_shared>> -> memref<457x64xf32, #tpu.memory_space<vmem_shared>>
      tpu.wait_indirect_dma semaphore(%arg9 : memref<!tpu.dma_semaphore, #tpu.memory_space<semaphore_mem>>) src(%dma_wait3A_348 : memref<457x64xf32, #tpu.memory_space<vmem_shared>>) dst(%dma_wait3A_342 : memref<128x64xf32, #tpu.memory_space<vmem>>)
      %dma_wait3A_349 = arith.constant 1 : i32
      %dma_wait3A_350 = arith.constant 1 : i32
      %dma_wait3A_351 = arith.constant 1 : i32
      %dma_wait3A_352 = arith.constant 1 : i32
      %dma_wait3A_353 = arith.constant 0 : i32
      %dma_wait3A_354 = arith.constant 0 : i32
      %dma_wait3A_355 = tpu.memref_slice %arg7[%dma_wait3A_351, %dma_wait3A_352, %dma_wait3A_353, %dma_wait3A_354] : memref<2x4x128x64xf32, #tpu.memory_space<vmem>> -> memref<1x1x128x64xf32, #tpu.memory_space<vmem>>
      %dma_wait3A_356 = tpu.memref_squeeze %dma_wait3A_355 : memref<1x1x128x64xf32, #tpu.memory_space<vmem>> -> memref<128x64xf32, #tpu.memory_space<vmem>>
      %dma_wait3A_357 = arith.constant 0 : i32
      %dma_wait3A_358 = tpu.memref_slice %arg6[%dma_wait3A_349, %dma_wait3A_350, %dma_wait3A_357] : memref<2x4x128xi32, #tpu.memory_space<vmem>> -> memref<1x1x128xi32, #tpu.memory_space<vmem>>
      %dma_wait3A_359 = tpu.memref_squeeze %dma_wait3A_358 : memref<1x1x128xi32, #tpu.memory_space<vmem>> -> memref<128xi32, #tpu.memory_space<vmem>>
      %dma_wait3A_360 = arith.constant 0 : i32
      %dma_wait3A_361 = arith.constant 0 : i32
      %dma_wait3A_362 = tpu.memref_slice %arg5[%dma_wait3A_360, %dma_wait3A_361] : memref<457x64xf32, #tpu.memory_space<vmem_shared>> -> memref<457x64xf32, #tpu.memory_space<vmem_shared>>
      tpu.wait_indirect_dma semaphore(%arg9 : memref<!tpu.dma_semaphore, #tpu.memory_space<semaphore_mem>>) src(%dma_wait3A_362 : memref<457x64xf32, #tpu.memory_space<vmem_shared>>) dst(%dma_wait3A_356 : memref<128x64xf32, #tpu.memory_space<vmem>>)
      %dma_wait3A_363 = arith.constant 1 : i32
      %dma_wait3A_364 = arith.constant 2 : i32
      %dma_wait3A_365 = arith.constant 1 : i32
      %dma_wait3A_366 = arith.constant 2 : i32
      %dma_wait3A_367 = arith.constant 0 : i32
      %dma_wait3A_368 = arith.constant 0 : i32
      %dma_wait3A_369 = tpu.memref_slice %arg7[%dma_wait3A_365, %dma_wait3A_366, %dma_wait3A_367, %dma_wait3A_368] : memref<2x4x128x64xf32, #tpu.memory_space<vmem>> -> memref<1x1x128x64xf32, #tpu.memory_space<vmem>>
      %dma_wait3A_370 = tpu.memref_squeeze %dma_wait3A_369 : memref<1x1x128x64xf32, #tpu.memory_space<vmem>> -> memref<128x64xf32, #tpu.memory_space<vmem>>
      %dma_wait3A_371 = arith.constant 0 : i32
      %dma_wait3A_372 = tpu.memref_slice %arg6[%dma_wait3A_363, %dma_wait3A_364, %dma_wait3A_371] : memref<2x4x128xi32, #tpu.memory_space<vmem>> -> memref<1x1x128xi32, #tpu.memory_space<vmem>>
      %dma_wait3A_373 = tpu.memref_squeeze %dma_wait3A_372 : memref<1x1x128xi32, #tpu.memory_space<vmem>> -> memref<128xi32, #tpu.memory_space<vmem>>
      %dma_wait3A_374 = arith.constant 0 : i32
      %dma_wait3A_375 = arith.constant 0 : i32
      %dma_wait3A_376 = tpu.memref_slice %arg5[%dma_wait3A_374, %dma_wait3A_375] : memref<457x64xf32, #tpu.memory_space<vmem_shared>> -> memref<457x64xf32, #tpu.memory_space<vmem_shared>>
      tpu.wait_indirect_dma semaphore(%arg9 : memref<!tpu.dma_semaphore, #tpu.memory_space<semaphore_mem>>) src(%dma_wait3A_376 : memref<457x64xf32, #tpu.memory_space<vmem_shared>>) dst(%dma_wait3A_370 : memref<128x64xf32, #tpu.memory_space<vmem>>)
      %dma_wait3A_377 = arith.constant 1 : i32
      %dma_wait3A_378 = arith.constant 3 : i32
      %dma_wait3A_379 = arith.constant 1 : i32
      %dma_wait3A_380 = arith.constant 3 : i32
      %dma_wait3A_381 = arith.constant 0 : i32
      %dma_wait3A_382 = arith.constant 0 : i32
      %dma_wait3A_383 = tpu.memref_slice %arg7[%dma_wait3A_379, %dma_wait3A_380, %dma_wait3A_381, %dma_wait3A_382] : memref<2x4x128x64xf32, #tpu.memory_space<vmem>> -> memref<1x1x128x64xf32, #tpu.memory_space<vmem>>
      %dma_wait3A_384 = tpu.memref_squeeze %dma_wait3A_383 : memref<1x1x128x64xf32, #tpu.memory_space<vmem>> -> memref<128x64xf32, #tpu.memory_space<vmem>>
      %dma_wait3A_385 = arith.constant 0 : i32
      %dma_wait3A_386 = tpu.memref_slice %arg6[%dma_wait3A_377, %dma_wait3A_378, %dma_wait3A_385] : memref<2x4x128xi32, #tpu.memory_space<vmem>> -> memref<1x1x128xi32, #tpu.memory_space<vmem>>
      %dma_wait3A_387 = tpu.memref_squeeze %dma_wait3A_386 : memref<1x1x128xi32, #tpu.memory_space<vmem>> -> memref<128xi32, #tpu.memory_space<vmem>>
      %dma_wait3A_388 = arith.constant 0 : i32
      %dma_wait3A_389 = arith.constant 0 : i32
      %dma_wait3A_390 = tpu.memref_slice %arg5[%dma_wait3A_388, %dma_wait3A_389] : memref<457x64xf32, #tpu.memory_space<vmem_shared>> -> memref<457x64xf32, #tpu.memory_space<vmem_shared>>
      tpu.wait_indirect_dma semaphore(%arg9 : memref<!tpu.dma_semaphore, #tpu.memory_space<semaphore_mem>>) src(%dma_wait3A_390 : memref<457x64xf32, #tpu.memory_space<vmem_shared>>) dst(%dma_wait3A_384 : memref<128x64xf32, #tpu.memory_space<vmem>>)
      %mul3A_391 = arith.constant 256 : i32
      %mul3A_392 = arith.muli %add3A_327, %mul3A_391 : i32
      %add3A_393 = arith.addi %mul3A_6, %mul3A_392 : i32
      %add3A_394 = arith.constant 128 : i32
      %add3A_395 = arith.addi %add3A_393, %add3A_394 : i32
      %add3A_396 = arith.constant 128 : i32
      %add3A_397 = arith.addi %add3A_393, %add3A_396 : i32
      %dma_start3A_398 = arith.constant 1 : i32
      %dma_start3A_399 = arith.constant 0 : i32
      %dma_start3A_400 = arith.constant 0 : i32
      %dma_start3A_401 = arith.constant 0 : i32
      %dma_start3A_402 = tpu.memref_slice %arg7[%dma_start3A_398, %dma_start3A_399, %dma_start3A_400, %dma_start3A_401] : memref<2x4x128x64xf32, #tpu.memory_space<vmem>> -> memref<1x1x128x64xf32, #tpu.memory_space<vmem>>
      %dma_start3A_403 = tpu.memref_squeeze %dma_start3A_402 : memref<1x1x128x64xf32, #tpu.memory_space<vmem>> -> memref<128x64xf32, #tpu.memory_space<vmem>>
      %dma_start3A_404 = arith.constant 0 : i32
      %dma_start3A_405 = tpu.memref_slice %arg4[%add3A_393, %dma_start3A_404] : memref<1638400x128xf32, #tpu.memory_space<hbm>> -> memref<128x64xf32, #tpu.memory_space<hbm>>
      %dma_start3A_406 = arith.constant 0 : i32
      %dma_start3A_407 = tpu.memref_slice %arg4[%add3A_393, %dma_start3A_406] : memref<1638400x128xf32, #tpu.memory_space<hbm>> -> memref<128x64xf32, #tpu.memory_space<hbm>>
      %dma_start3A_408 = arith.constant 0 : i32
      %dma_start3A_409 = arith.constant 0 : i32
      %dma_start3A_410 = tpu.memref_slice %arg7[%dma_start3A_398, %dma_start3A_399, %dma_start3A_408, %dma_start3A_409] : memref<2x4x128x64xf32, #tpu.memory_space<vmem>> -> memref<1x1x128x64xf32, #tpu.memory_space<vmem>>
      %dma_start3A_411 = tpu.memref_squeeze %dma_start3A_410 : memref<1x1x128x64xf32, #tpu.memory_space<vmem>> -> memref<128x64xf32, #tpu.memory_space<vmem>>
      tpu.enqueue_dma source(%dma_start3A_411 : memref<128x64xf32, #tpu.memory_space<vmem>>) target(%dma_start3A_407 : memref<128x64xf32, #tpu.memory_space<hbm>>) target_semaphore(%arg11 : memref<!tpu.dma_semaphore, #tpu.memory_space<semaphore_mem>>)
      %dma_start3A_412 = arith.constant 1 : i32
      %dma_start3A_413 = arith.constant 1 : i32
      %dma_start3A_414 = arith.constant 0 : i32
      %dma_start3A_415 = arith.constant 0 : i32
      %dma_start3A_416 = tpu.memref_slice %arg7[%dma_start3A_412, %dma_start3A_413, %dma_start3A_414, %dma_start3A_415] : memref<2x4x128x64xf32, #tpu.memory_space<vmem>> -> memref<1x1x128x64xf32, #tpu.memory_space<vmem>>
      %dma_start3A_417 = tpu.memref_squeeze %dma_start3A_416 : memref<1x1x128x64xf32, #tpu.memory_space<vmem>> -> memref<128x64xf32, #tpu.memory_space<vmem>>
      %dma_start3A_418 = arith.constant 0 : i32
      %dma_start3A_419 = tpu.memref_slice %arg4[%add3A_395, %dma_start3A_418] : memref<1638400x128xf32, #tpu.memory_space<hbm>> -> memref<128x64xf32, #tpu.memory_space<hbm>>
      %dma_start3A_420 = arith.constant 0 : i32
      %dma_start3A_421 = tpu.memref_slice %arg4[%add3A_395, %dma_start3A_420] : memref<1638400x128xf32, #tpu.memory_space<hbm>> -> memref<128x64xf32, #tpu.memory_space<hbm>>
      %dma_start3A_422 = arith.constant 0 : i32
      %dma_start3A_423 = arith.constant 0 : i32
      %dma_start3A_424 = tpu.memref_slice %arg7[%dma_start3A_412, %dma_start3A_413, %dma_start3A_422, %dma_start3A_423] : memref<2x4x128x64xf32, #tpu.memory_space<vmem>> -> memref<1x1x128x64xf32, #tpu.memory_space<vmem>>
      %dma_start3A_425 = tpu.memref_squeeze %dma_start3A_424 : memref<1x1x128x64xf32, #tpu.memory_space<vmem>> -> memref<128x64xf32, #tpu.memory_space<vmem>>
      tpu.enqueue_dma source(%dma_start3A_425 : memref<128x64xf32, #tpu.memory_space<vmem>>) target(%dma_start3A_421 : memref<128x64xf32, #tpu.memory_space<hbm>>) target_semaphore(%arg11 : memref<!tpu.dma_semaphore, #tpu.memory_space<semaphore_mem>>)
      %dma_start3A_426 = arith.constant 1 : i32
      %dma_start3A_427 = arith.constant 2 : i32
      %dma_start3A_428 = arith.constant 0 : i32
      %dma_start3A_429 = arith.constant 0 : i32
      %dma_start3A_430 = tpu.memref_slice %arg7[%dma_start3A_426, %dma_start3A_427, %dma_start3A_428, %dma_start3A_429] : memref<2x4x128x64xf32, #tpu.memory_space<vmem>> -> memref<1x1x128x64xf32, #tpu.memory_space<vmem>>
      %dma_start3A_431 = tpu.memref_squeeze %dma_start3A_430 : memref<1x1x128x64xf32, #tpu.memory_space<vmem>> -> memref<128x64xf32, #tpu.memory_space<vmem>>
      %dma_start3A_432 = arith.constant 64 : i32
      %dma_start3A_433 = tpu.memref_slice %arg4[%add3A_393, %dma_start3A_432] : memref<1638400x128xf32, #tpu.memory_space<hbm>> -> memref<128x64xf32, #tpu.memory_space<hbm>>
      %dma_start3A_434 = arith.constant 64 : i32
      %dma_start3A_435 = tpu.memref_slice %arg4[%add3A_393, %dma_start3A_434] : memref<1638400x128xf32, #tpu.memory_space<hbm>> -> memref<128x64xf32, #tpu.memory_space<hbm>>
      %dma_start3A_436 = arith.constant 0 : i32
      %dma_start3A_437 = arith.constant 0 : i32
      %dma_start3A_438 = tpu.memref_slice %arg7[%dma_start3A_426, %dma_start3A_427, %dma_start3A_436, %dma_start3A_437] : memref<2x4x128x64xf32, #tpu.memory_space<vmem>> -> memref<1x1x128x64xf32, #tpu.memory_space<vmem>>
      %dma_start3A_439 = tpu.memref_squeeze %dma_start3A_438 : memref<1x1x128x64xf32, #tpu.memory_space<vmem>> -> memref<128x64xf32, #tpu.memory_space<vmem>>
      tpu.enqueue_dma source(%dma_start3A_439 : memref<128x64xf32, #tpu.memory_space<vmem>>) target(%dma_start3A_435 : memref<128x64xf32, #tpu.memory_space<hbm>>) target_semaphore(%arg11 : memref<!tpu.dma_semaphore, #tpu.memory_space<semaphore_mem>>)
      %dma_start3A_440 = arith.constant 1 : i32
      %dma_start3A_441 = arith.constant 3 : i32
      %dma_start3A_442 = arith.constant 0 : i32
      %dma_start3A_443 = arith.constant 0 : i32
      %dma_start3A_444 = tpu.memref_slice %arg7[%dma_start3A_440, %dma_start3A_441, %dma_start3A_442, %dma_start3A_443] : memref<2x4x128x64xf32, #tpu.memory_space<vmem>> -> memref<1x1x128x64xf32, #tpu.memory_space<vmem>>
      %dma_start3A_445 = tpu.memref_squeeze %dma_start3A_444 : memref<1x1x128x64xf32, #tpu.memory_space<vmem>> -> memref<128x64xf32, #tpu.memory_space<vmem>>
      %dma_start3A_446 = arith.constant 64 : i32
      %dma_start3A_447 = tpu.memref_slice %arg4[%add3A_397, %dma_start3A_446] : memref<1638400x128xf32, #tpu.memory_space<hbm>> -> memref<128x64xf32, #tpu.memory_space<hbm>>
      %dma_start3A_448 = arith.constant 64 : i32
      %dma_start3A_449 = tpu.memref_slice %arg4[%add3A_397, %dma_start3A_448] : memref<1638400x128xf32, #tpu.memory_space<hbm>> -> memref<128x64xf32, #tpu.memory_space<hbm>>
      %dma_start3A_450 = arith.constant 0 : i32
      %dma_start3A_451 = arith.constant 0 : i32
      %dma_start3A_452 = tpu.memref_slice %arg7[%dma_start3A_440, %dma_start3A_441, %dma_start3A_450, %dma_start3A_451] : memref<2x4x128x64xf32, #tpu.memory_space<vmem>> -> memref<1x1x128x64xf32, #tpu.memory_space<vmem>>
      %dma_start3A_453 = tpu.memref_squeeze %dma_start3A_452 : memref<1x1x128x64xf32, #tpu.memory_space<vmem>> -> memref<128x64xf32, #tpu.memory_space<vmem>>
      tpu.enqueue_dma source(%dma_start3A_453 : memref<128x64xf32, #tpu.memory_space<vmem>>) target(%dma_start3A_449 : memref<128x64xf32, #tpu.memory_space<hbm>>) target_semaphore(%arg11 : memref<!tpu.dma_semaphore, #tpu.memory_space<semaphore_mem>>)
    }
    %scan3A_70 = arith.constant 100 : i32
    %add3A_71 = arith.constant 50944 : i32
    %add3A_72 = arith.addi %mul3A_6, %add3A_71 : i32
    %add3A_73 = arith.constant 128 : i32
    %add3A_74 = arith.addi %add3A_72, %add3A_73 : i32
    %add3A_75 = arith.constant 128 : i32
    %add3A_76 = arith.addi %add3A_72, %add3A_75 : i32
    %dma_wait3A = arith.constant 1 : i32
    %dma_wait3A_77 = arith.constant 0 : i32
    %dma_wait3A_78 = arith.constant 0 : i32
    %dma_wait3A_79 = arith.constant 0 : i32
    %dma_wait3A_80 = tpu.memref_slice %arg7[%dma_wait3A, %dma_wait3A_77, %dma_wait3A_78, %dma_wait3A_79] : memref<2x4x128x64xf32, #tpu.memory_space<vmem>> -> memref<1x1x128x64xf32, #tpu.memory_space<vmem>>
    %dma_wait3A_81 = tpu.memref_squeeze %dma_wait3A_80 : memref<1x1x128x64xf32, #tpu.memory_space<vmem>> -> memref<128x64xf32, #tpu.memory_space<vmem>>
    %dma_wait3A_82 = arith.constant 0 : i32
    %dma_wait3A_83 = tpu.memref_slice %arg4[%add3A_72, %dma_wait3A_82] : memref<1638400x128xf32, #tpu.memory_space<hbm>> -> memref<128x64xf32, #tpu.memory_space<hbm>>
    %dma_wait3A_84 = arith.constant 0 : i32
    %dma_wait3A_85 = tpu.memref_slice %arg4[%add3A_72, %dma_wait3A_84] : memref<1638400x128xf32, #tpu.memory_space<hbm>> -> memref<128x64xf32, #tpu.memory_space<hbm>>
    %dma_wait3A_86 = arith.constant 0 : i32
    %dma_wait3A_87 = arith.constant 0 : i32
    %dma_wait3A_88 = tpu.memref_slice %arg7[%dma_wait3A, %dma_wait3A_77, %dma_wait3A_86, %dma_wait3A_87] : memref<2x4x128x64xf32, #tpu.memory_space<vmem>> -> memref<1x1x128x64xf32, #tpu.memory_space<vmem>>
    %dma_wait3A_89 = tpu.memref_squeeze %dma_wait3A_88 : memref<1x1x128x64xf32, #tpu.memory_space<vmem>> -> memref<128x64xf32, #tpu.memory_space<vmem>>
    tpu.wait_dma2 semaphore(%arg11 : memref<!tpu.dma_semaphore, #tpu.memory_space<semaphore_mem>>) src(%dma_wait3A_89 : memref<128x64xf32, #tpu.memory_space<vmem>>) dst(%dma_wait3A_85 : memref<128x64xf32, #tpu.memory_space<hbm>>)
    %dma_wait3A_90 = arith.constant 1 : i32
    %dma_wait3A_91 = arith.constant 1 : i32
    %dma_wait3A_92 = arith.constant 0 : i32
    %dma_wait3A_93 = arith.constant 0 : i32
    %dma_wait3A_94 = tpu.memref_slice %arg7[%dma_wait3A_90, %dma_wait3A_91, %dma_wait3A_92, %dma_wait3A_93] : memref<2x4x128x64xf32, #tpu.memory_space<vmem>> -> memref<1x1x128x64xf32, #tpu.memory_space<vmem>>
    %dma_wait3A_95 = tpu.memref_squeeze %dma_wait3A_94 : memref<1x1x128x64xf32, #tpu.memory_space<vmem>> -> memref<128x64xf32, #tpu.memory_space<vmem>>
    %dma_wait3A_96 = arith.constant 0 : i32
    %dma_wait3A_97 = tpu.memref_slice %arg4[%add3A_74, %dma_wait3A_96] : memref<1638400x128xf32, #tpu.memory_space<hbm>> -> memref<128x64xf32, #tpu.memory_space<hbm>>
    %dma_wait3A_98 = arith.constant 0 : i32
    %dma_wait3A_99 = tpu.memref_slice %arg4[%add3A_74, %dma_wait3A_98] : memref<1638400x128xf32, #tpu.memory_space<hbm>> -> memref<128x64xf32, #tpu.memory_space<hbm>>
    %dma_wait3A_100 = arith.constant 0 : i32
    %dma_wait3A_101 = arith.constant 0 : i32
    %dma_wait3A_102 = tpu.memref_slice %arg7[%dma_wait3A_90, %dma_wait3A_91, %dma_wait3A_100, %dma_wait3A_101] : memref<2x4x128x64xf32, #tpu.memory_space<vmem>> -> memref<1x1x128x64xf32, #tpu.memory_space<vmem>>
    %dma_wait3A_103 = tpu.memref_squeeze %dma_wait3A_102 : memref<1x1x128x64xf32, #tpu.memory_space<vmem>> -> memref<128x64xf32, #tpu.memory_space<vmem>>
    tpu.wait_dma2 semaphore(%arg11 : memref<!tpu.dma_semaphore, #tpu.memory_space<semaphore_mem>>) src(%dma_wait3A_103 : memref<128x64xf32, #tpu.memory_space<vmem>>) dst(%dma_wait3A_99 : memref<128x64xf32, #tpu.memory_space<hbm>>)
    %dma_wait3A_104 = arith.constant 1 : i32
    %dma_wait3A_105 = arith.constant 2 : i32
    %dma_wait3A_106 = arith.constant 0 : i32
    %dma_wait3A_107 = arith.constant 0 : i32
    %dma_wait3A_108 = tpu.memref_slice %arg7[%dma_wait3A_104, %dma_wait3A_105, %dma_wait3A_106, %dma_wait3A_107] : memref<2x4x128x64xf32, #tpu.memory_space<vmem>> -> memref<1x1x128x64xf32, #tpu.memory_space<vmem>>
    %dma_wait3A_109 = tpu.memref_squeeze %dma_wait3A_108 : memref<1x1x128x64xf32, #tpu.memory_space<vmem>> -> memref<128x64xf32, #tpu.memory_space<vmem>>
    %dma_wait3A_110 = arith.constant 64 : i32
    %dma_wait3A_111 = tpu.memref_slice %arg4[%add3A_72, %dma_wait3A_110] : memref<1638400x128xf32, #tpu.memory_space<hbm>> -> memref<128x64xf32, #tpu.memory_space<hbm>>
    %dma_wait3A_112 = arith.constant 64 : i32
    %dma_wait3A_113 = tpu.memref_slice %arg4[%add3A_72, %dma_wait3A_112] : memref<1638400x128xf32, #tpu.memory_space<hbm>> -> memref<128x64xf32, #tpu.memory_space<hbm>>
    %dma_wait3A_114 = arith.constant 0 : i32
    %dma_wait3A_115 = arith.constant 0 : i32
    %dma_wait3A_116 = tpu.memref_slice %arg7[%dma_wait3A_104, %dma_wait3A_105, %dma_wait3A_114, %dma_wait3A_115] : memref<2x4x128x64xf32, #tpu.memory_space<vmem>> -> memref<1x1x128x64xf32, #tpu.memory_space<vmem>>
    %dma_wait3A_117 = tpu.memref_squeeze %dma_wait3A_116 : memref<1x1x128x64xf32, #tpu.memory_space<vmem>> -> memref<128x64xf32, #tpu.memory_space<vmem>>
    tpu.wait_dma2 semaphore(%arg11 : memref<!tpu.dma_semaphore, #tpu.memory_space<semaphore_mem>>) src(%dma_wait3A_117 : memref<128x64xf32, #tpu.memory_space<vmem>>) dst(%dma_wait3A_113 : memref<128x64xf32, #tpu.memory_space<hbm>>)
    %dma_wait3A_118 = arith.constant 1 : i32
    %dma_wait3A_119 = arith.constant 3 : i32
    %dma_wait3A_120 = arith.constant 0 : i32
    %dma_wait3A_121 = arith.constant 0 : i32
    %dma_wait3A_122 = tpu.memref_slice %arg7[%dma_wait3A_118, %dma_wait3A_119, %dma_wait3A_120, %dma_wait3A_121] : memref<2x4x128x64xf32, #tpu.memory_space<vmem>> -> memref<1x1x128x64xf32, #tpu.memory_space<vmem>>
    %dma_wait3A_123 = tpu.memref_squeeze %dma_wait3A_122 : memref<1x1x128x64xf32, #tpu.memory_space<vmem>> -> memref<128x64xf32, #tpu.memory_space<vmem>>
    %dma_wait3A_124 = arith.constant 64 : i32
    %dma_wait3A_125 = tpu.memref_slice %arg4[%add3A_76, %dma_wait3A_124] : memref<1638400x128xf32, #tpu.memory_space<hbm>> -> memref<128x64xf32, #tpu.memory_space<hbm>>
    %dma_wait3A_126 = arith.constant 64 : i32
    %dma_wait3A_127 = tpu.memref_slice %arg4[%add3A_76, %dma_wait3A_126] : memref<1638400x128xf32, #tpu.memory_space<hbm>> -> memref<128x64xf32, #tpu.memory_space<hbm>>
    %dma_wait3A_128 = arith.constant 0 : i32
    %dma_wait3A_129 = arith.constant 0 : i32
    %dma_wait3A_130 = tpu.memref_slice %arg7[%dma_wait3A_118, %dma_wait3A_119, %dma_wait3A_128, %dma_wait3A_129] : memref<2x4x128x64xf32, #tpu.memory_space<vmem>> -> memref<1x1x128x64xf32, #tpu.memory_space<vmem>>
    %dma_wait3A_131 = tpu.memref_squeeze %dma_wait3A_130 : memref<1x1x128x64xf32, #tpu.memory_space<vmem>> -> memref<128x64xf32, #tpu.memory_space<vmem>>
    tpu.wait_dma2 semaphore(%arg11 : memref<!tpu.dma_semaphore, #tpu.memory_space<semaphore_mem>>) src(%dma_wait3A_131 : memref<128x64xf32, #tpu.memory_space<vmem>>) dst(%dma_wait3A_127 : memref<128x64xf32, #tpu.memory_space<hbm>>)
    %add3A_132 = arith.constant 50688 : i32
    %add3A_133 = arith.addi %mul3A_6, %add3A_132 : i32
    %add3A_134 = arith.constant 128 : i32
    %add3A_135 = arith.addi %add3A_133, %add3A_134 : i32
    %add3A_136 = arith.constant 128 : i32
    %add3A_137 = arith.addi %add3A_133, %add3A_136 : i32
    %dma_wait3A_138 = arith.constant 0 : i32
    %dma_wait3A_139 = arith.constant 0 : i32
    %dma_wait3A_140 = arith.constant 0 : i32
    %dma_wait3A_141 = arith.constant 0 : i32
    %dma_wait3A_142 = tpu.memref_slice %arg7[%dma_wait3A_138, %dma_wait3A_139, %dma_wait3A_140, %dma_wait3A_141] : memref<2x4x128x64xf32, #tpu.memory_space<vmem>> -> memref<1x1x128x64xf32, #tpu.memory_space<vmem>>
    %dma_wait3A_143 = tpu.memref_squeeze %dma_wait3A_142 : memref<1x1x128x64xf32, #tpu.memory_space<vmem>> -> memref<128x64xf32, #tpu.memory_space<vmem>>
    %dma_wait3A_144 = arith.constant 0 : i32
    %dma_wait3A_145 = tpu.memref_slice %arg4[%add3A_133, %dma_wait3A_144] : memref<1638400x128xf32, #tpu.memory_space<hbm>> -> memref<128x64xf32, #tpu.memory_space<hbm>>
    %dma_wait3A_146 = arith.constant 0 : i32
    %dma_wait3A_147 = tpu.memref_slice %arg4[%add3A_133, %dma_wait3A_146] : memref<1638400x128xf32, #tpu.memory_space<hbm>> -> memref<128x64xf32, #tpu.memory_space<hbm>>
    %dma_wait3A_148 = arith.constant 0 : i32
    %dma_wait3A_149 = arith.constant 0 : i32
    %dma_wait3A_150 = tpu.memref_slice %arg7[%dma_wait3A_138, %dma_wait3A_139, %dma_wait3A_148, %dma_wait3A_149] : memref<2x4x128x64xf32, #tpu.memory_space<vmem>> -> memref<1x1x128x64xf32, #tpu.memory_space<vmem>>
    %dma_wait3A_151 = tpu.memref_squeeze %dma_wait3A_150 : memref<1x1x128x64xf32, #tpu.memory_space<vmem>> -> memref<128x64xf32, #tpu.memory_space<vmem>>
    tpu.wait_dma2 semaphore(%arg10 : memref<!tpu.dma_semaphore, #tpu.memory_space<semaphore_mem>>) src(%dma_wait3A_151 : memref<128x64xf32, #tpu.memory_space<vmem>>) dst(%dma_wait3A_147 : memref<128x64xf32, #tpu.memory_space<hbm>>)
    %dma_wait3A_152 = arith.constant 0 : i32
    %dma_wait3A_153 = arith.constant 1 : i32
    %dma_wait3A_154 = arith.constant 0 : i32
    %dma_wait3A_155 = arith.constant 0 : i32
    %dma_wait3A_156 = tpu.memref_slice %arg7[%dma_wait3A_152, %dma_wait3A_153, %dma_wait3A_154, %dma_wait3A_155] : memref<2x4x128x64xf32, #tpu.memory_space<vmem>> -> memref<1x1x128x64xf32, #tpu.memory_space<vmem>>
    %dma_wait3A_157 = tpu.memref_squeeze %dma_wait3A_156 : memref<1x1x128x64xf32, #tpu.memory_space<vmem>> -> memref<128x64xf32, #tpu.memory_space<vmem>>
    %dma_wait3A_158 = arith.constant 0 : i32
    %dma_wait3A_159 = tpu.memref_slice %arg4[%add3A_135, %dma_wait3A_158] : memref<1638400x128xf32, #tpu.memory_space<hbm>> -> memref<128x64xf32, #tpu.memory_space<hbm>>
    %dma_wait3A_160 = arith.constant 0 : i32
    %dma_wait3A_161 = tpu.memref_slice %arg4[%add3A_135, %dma_wait3A_160] : memref<1638400x128xf32, #tpu.memory_space<hbm>> -> memref<128x64xf32, #tpu.memory_space<hbm>>
    %dma_wait3A_162 = arith.constant 0 : i32
    %dma_wait3A_163 = arith.constant 0 : i32
    %dma_wait3A_164 = tpu.memref_slice %arg7[%dma_wait3A_152, %dma_wait3A_153, %dma_wait3A_162, %dma_wait3A_163] : memref<2x4x128x64xf32, #tpu.memory_space<vmem>> -> memref<1x1x128x64xf32, #tpu.memory_space<vmem>>
    %dma_wait3A_165 = tpu.memref_squeeze %dma_wait3A_164 : memref<1x1x128x64xf32, #tpu.memory_space<vmem>> -> memref<128x64xf32, #tpu.memory_space<vmem>>
    tpu.wait_dma2 semaphore(%arg10 : memref<!tpu.dma_semaphore, #tpu.memory_space<semaphore_mem>>) src(%dma_wait3A_165 : memref<128x64xf32, #tpu.memory_space<vmem>>) dst(%dma_wait3A_161 : memref<128x64xf32, #tpu.memory_space<hbm>>)
    %dma_wait3A_166 = arith.constant 0 : i32
    %dma_wait3A_167 = arith.constant 2 : i32
    %dma_wait3A_168 = arith.constant 0 : i32
    %dma_wait3A_169 = arith.constant 0 : i32
    %dma_wait3A_170 = tpu.memref_slice %arg7[%dma_wait3A_166, %dma_wait3A_167, %dma_wait3A_168, %dma_wait3A_169] : memref<2x4x128x64xf32, #tpu.memory_space<vmem>> -> memref<1x1x128x64xf32, #tpu.memory_space<vmem>>
    %dma_wait3A_171 = tpu.memref_squeeze %dma_wait3A_170 : memref<1x1x128x64xf32, #tpu.memory_space<vmem>> -> memref<128x64xf32, #tpu.memory_space<vmem>>
    %dma_wait3A_172 = arith.constant 64 : i32
    %dma_wait3A_173 = tpu.memref_slice %arg4[%add3A_133, %dma_wait3A_172] : memref<1638400x128xf32, #tpu.memory_space<hbm>> -> memref<128x64xf32, #tpu.memory_space<hbm>>
    %dma_wait3A_174 = arith.constant 64 : i32
    %dma_wait3A_175 = tpu.memref_slice %arg4[%add3A_133, %dma_wait3A_174] : memref<1638400x128xf32, #tpu.memory_space<hbm>> -> memref<128x64xf32, #tpu.memory_space<hbm>>
    %dma_wait3A_176 = arith.constant 0 : i32
    %dma_wait3A_177 = arith.constant 0 : i32
    %dma_wait3A_178 = tpu.memref_slice %arg7[%dma_wait3A_166, %dma_wait3A_167, %dma_wait3A_176, %dma_wait3A_177] : memref<2x4x128x64xf32, #tpu.memory_space<vmem>> -> memref<1x1x128x64xf32, #tpu.memory_space<vmem>>
    %dma_wait3A_179 = tpu.memref_squeeze %dma_wait3A_178 : memref<1x1x128x64xf32, #tpu.memory_space<vmem>> -> memref<128x64xf32, #tpu.memory_space<vmem>>
    tpu.wait_dma2 semaphore(%arg10 : memref<!tpu.dma_semaphore, #tpu.memory_space<semaphore_mem>>) src(%dma_wait3A_179 : memref<128x64xf32, #tpu.memory_space<vmem>>) dst(%dma_wait3A_175 : memref<128x64xf32, #tpu.memory_space<hbm>>)
    %dma_wait3A_180 = arith.constant 0 : i32
    %dma_wait3A_181 = arith.constant 3 : i32
    %dma_wait3A_182 = arith.constant 0 : i32
    %dma_wait3A_183 = arith.constant 0 : i32
    %dma_wait3A_184 = tpu.memref_slice %arg7[%dma_wait3A_180, %dma_wait3A_181, %dma_wait3A_182, %dma_wait3A_183] : memref<2x4x128x64xf32, #tpu.memory_space<vmem>> -> memref<1x1x128x64xf32, #tpu.memory_space<vmem>>
    %dma_wait3A_185 = tpu.memref_squeeze %dma_wait3A_184 : memref<1x1x128x64xf32, #tpu.memory_space<vmem>> -> memref<128x64xf32, #tpu.memory_space<vmem>>
    %dma_wait3A_186 = arith.constant 64 : i32
    %dma_wait3A_187 = tpu.memref_slice %arg4[%add3A_137, %dma_wait3A_186] : memref<1638400x128xf32, #tpu.memory_space<hbm>> -> memref<128x64xf32, #tpu.memory_space<hbm>>
    %dma_wait3A_188 = arith.constant 64 : i32
    %dma_wait3A_189 = tpu.memref_slice %arg4[%add3A_137, %dma_wait3A_188] : memref<1638400x128xf32, #tpu.memory_space<hbm>> -> memref<128x64xf32, #tpu.memory_space<hbm>>
    %dma_wait3A_190 = arith.constant 0 : i32
    %dma_wait3A_191 = arith.constant 0 : i32
    %dma_wait3A_192 = tpu.memref_slice %arg7[%dma_wait3A_180, %dma_wait3A_181, %dma_wait3A_190, %dma_wait3A_191] : memref<2x4x128x64xf32, #tpu.memory_space<vmem>> -> memref<1x1x128x64xf32, #tpu.memory_space<vmem>>
    %dma_wait3A_193 = tpu.memref_squeeze %dma_wait3A_192 : memref<1x1x128x64xf32, #tpu.memory_space<vmem>> -> memref<128x64xf32, #tpu.memory_space<vmem>>
    tpu.wait_dma2 semaphore(%arg10 : memref<!tpu.dma_semaphore, #tpu.memory_space<semaphore_mem>>) src(%dma_wait3A_193 : memref<128x64xf32, #tpu.memory_space<vmem>>) dst(%dma_wait3A_189 : memref<128x64xf32, #tpu.memory_space<hbm>>)
    return
  }
}

#map = affine_map<(d0, d1) -> (0, 0)>
module attributes {stable_mosaic.version = 14 : i64} {
  func.func @k(%arg0: i32, %arg1: i32, %arg2: memref<25600x128xi32, #tpu.memory_space<hbm>>, %arg3: memref<457x64xf32, #tpu.memory_space<hbm>>, %arg4: memref<1638400x128xf32, #tpu.memory_space<hbm>>, %arg5: memref<457x64xf32, #tpu.memory_space<vmem_shared>>, %arg6: memref<2x4x128xi32, #tpu.memory_space<vmem>>, %arg7: memref<2x4x128x64xf32, #tpu.memory_space<vmem>>, %arg8: memref<!tpu.dma_semaphore, #tpu.memory_space<semaphore_mem>>, %arg9: memref<!tpu.dma_semaphore, #tpu.memory_space<semaphore_mem>>, %arg10: memref<!tpu.dma_semaphore, #tpu.memory_space<semaphore_mem>>, %arg11: memref<!tpu.dma_semaphore, #tpu.memory_space<semaphore_mem>>) attributes {dimension_semantics = [#tpu.dimension_semantics<core_parallel>, #tpu.dimension_semantics<subcore_parallel>], iteration_bounds = array<i64: 2, 16>, scalar_prefetch = 0 : i64, scratch_operands = 7 : i64, tpu.core_type = #tpu.core_type<sc_vector_subcore>, window_params = [{transform_indices = #map}, {transform_indices = #map}, {transform_indices = #map}]} {
    %mul3A = arith.constant 2 : i32
    %mul3A_0 = arith.muli %arg1, %mul3A : i32
    %add3A = arith.addi %mul3A_0, %arg0 : i32
    %mul3A_1 = arith.constant 4 : i32
    %mul3A_2 = arith.muli %add3A, %mul3A_1 : i32
    %mul3A_3 = arith.constant 200 : i32
    %mul3A_4 = arith.muli %mul3A_2, %mul3A_3 : i32
    %mul3A_5 = arith.constant 51200 : i32
    %mul3A_6 = arith.muli %add3A, %mul3A_5 : i32
    %eq3A = arith.constant 0 : i32
    %eq3A_7 = arith.cmpi eq, %arg1, %eq3A : i32
    %convert_element_type3A = arith.extui %eq3A_7 : i1 to i32
    %cond3A = arith.constant 0 : i32
    %cond3A_8 = arith.cmpi ne, %convert_element_type3A, %cond3A : i32
    scf.if %cond3A_8 {
      "tpu.region"() ({
        %run_scoped3A_194 = tpu.sem_alloc : memref<!tpu.dma_semaphore, #tpu.memory_space<semaphore_mem>>
        tpu.enqueue_dma source(%arg3 : memref<457x64xf32, #tpu.memory_space<hbm>>) target(%arg5 : memref<457x64xf32, #tpu.memory_space<vmem_shared>>) target_semaphore(%run_scoped3A_194 : memref<!tpu.dma_semaphore, #tpu.memory_space<semaphore_mem>>)
        tpu.wait_dma2 semaphore(%run_scoped3A_194 : memref<!tpu.dma_semaphore, #tpu.memory_space<semaphore_mem>>) src(%arg3 : memref<457x64xf32, #tpu.memory_space<hbm>>) dst(%arg5 : memref<457x64xf32, #tpu.memory_space<vmem_shared>>)
        tpu.yield
      }) : () -> ()
    } else {
    }
    %barrier3A = arith.constant 0 : index
    tpu.barrier barrier_id(%barrier3A)
    %add3A_9 = arith.constant 0 : i32
    %add3A_10 = arith.addi %mul3A_4, %add3A_9 : i32
    %run_scoped3A = arith.constant 0 : i32
    "tpu.region"() ({
      %run_scoped3A_194 = tpu.sem_alloc : memref<!tpu.dma_semaphore, #tpu.memory_space<semaphore_mem>>
      %dma_start3A_195 = arith.constant 0 : i32
      %dma_start3A_196 = arith.constant 0 : i32
      %dma_start3A_197 = tpu.memref_slice %arg6[%run_scoped3A, %dma_start3A_195, %dma_start3A_196] : memref<2x4x128xi32, #tpu.memory_space<vmem>> -> memref<1x4x128xi32, #tpu.memory_space<vmem>>
      %dma_start3A_198 = tpu.memref_squeeze %dma_start3A_197 : memref<1x4x128xi32, #tpu.memory_space<vmem>> -> memref<4x128xi32, #tpu.memory_space<vmem>>
      %dma_start3A_199 = arith.constant 0 : i32
      %dma_start3A_200 = tpu.memref_slice %arg2[%add3A_10, %dma_start3A_199] : memref<25600x128xi32, #tpu.memory_space<hbm>> -> memref<4x128xi32, #tpu.memory_space<hbm>>
      %dma_start3A_201 = arith.constant 0 : i32
      %dma_start3A_202 = arith.constant 0 : i32
      %dma_start3A_203 = tpu.memref_slice %arg6[%run_scoped3A, %dma_start3A_201, %dma_start3A_202] : memref<2x4x128xi32, #tpu.memory_space<vmem>> -> memref<1x4x128xi32, #tpu.memory_space<vmem>>
      %dma_start3A_204 = tpu.memref_squeeze %dma_start3A_203 : memref<1x4x128xi32, #tpu.memory_space<vmem>> -> memref<4x128xi32, #tpu.memory_space<vmem>>
      %dma_start3A_205 = arith.constant 0 : i32
      %dma_start3A_206 = tpu.memref_slice %arg2[%add3A_10, %dma_start3A_205] : memref<25600x128xi32, #tpu.memory_space<hbm>> -> memref<4x128xi32, #tpu.memory_space<hbm>>
      tpu.enqueue_dma source(%dma_start3A_206 : memref<4x128xi32, #tpu.memory_space<hbm>>) target(%dma_start3A_204 : memref<4x128xi32, #tpu.memory_space<vmem>>) target_semaphore(%run_scoped3A_194 : memref<!tpu.dma_semaphore, #tpu.memory_space<semaphore_mem>>)
      %dma_wait3A_207 = arith.constant 0 : i32
      %dma_wait3A_208 = arith.constant 0 : i32
      %dma_wait3A_209 = tpu.memref_slice %arg6[%run_scoped3A, %dma_wait3A_207, %dma_wait3A_208] : memref<2x4x128xi32, #tpu.memory_space<vmem>> -> memref<1x4x128xi32, #tpu.memory_space<vmem>>
      %dma_wait3A_210 = tpu.memref_squeeze %dma_wait3A_209 : memref<1x4x128xi32, #tpu.memory_space<vmem>> -> memref<4x128xi32, #tpu.memory_space<vmem>>
      %dma_wait3A_211 = arith.constant 0 : i32
      %dma_wait3A_212 = tpu.memref_slice %arg2[%add3A_10, %dma_wait3A_211] : memref<25600x128xi32, #tpu.memory_space<hbm>> -> memref<4x128xi32, #tpu.memory_space<hbm>>
      %dma_wait3A_213 = arith.constant 0 : i32
      %dma_wait3A_214 = arith.constant 0 : i32
      %dma_wait3A_215 = tpu.memref_slice %arg6[%run_scoped3A, %dma_wait3A_213, %dma_wait3A_214] : memref<2x4x128xi32, #tpu.memory_space<vmem>> -> memref<1x4x128xi32, #tpu.memory_space<vmem>>
      %dma_wait3A_216 = tpu.memref_squeeze %dma_wait3A_215 : memref<1x4x128xi32, #tpu.memory_space<vmem>> -> memref<4x128xi32, #tpu.memory_space<vmem>>
      %dma_wait3A_217 = arith.constant 0 : i32
      %dma_wait3A_218 = tpu.memref_slice %arg2[%add3A_10, %dma_wait3A_217] : memref<25600x128xi32, #tpu.memory_space<hbm>> -> memref<4x128xi32, #tpu.memory_space<hbm>>
      tpu.wait_dma2 semaphore(%run_scoped3A_194 : memref<!tpu.dma_semaphore, #tpu.memory_space<semaphore_mem>>) src(%dma_wait3A_218 : memref<4x128xi32, #tpu.memory_space<hbm>>) dst(%dma_wait3A_216 : memref<4x128xi32, #tpu.memory_space<vmem>>)
      tpu.yield
    }) : () -> ()
    %dma_start3A = arith.constant 0 : i32
    %dma_start3A_11 = arith.constant 0 : i32
    %dma_start3A_12 = arith.constant 0 : i32
    %dma_start3A_13 = arith.constant 0 : i32
    %dma_start3A_14 = arith.constant 0 : i32
    %dma_start3A_15 = arith.constant 0 : i32
    %dma_start3A_16 = tpu.memref_slice %arg7[%dma_start3A_12, %dma_start3A_13, %dma_start3A_14, %dma_start3A_15] : memref<2x4x128x64xf32, #tpu.memory_space<vmem>> -> memref<1x1x128x64xf32, #tpu.memory_space<vmem>>
    %dma_start3A_17 = tpu.memref_squeeze %dma_start3A_16 : memref<1x1x128x64xf32, #tpu.memory_space<vmem>> -> memref<128x64xf32, #tpu.memory_space<vmem>>
    %dma_start3A_18 = arith.constant 0 : i32
    %dma_start3A_19 = tpu.memref_slice %arg6[%dma_start3A, %dma_start3A_11, %dma_start3A_18] : memref<2x4x128xi32, #tpu.memory_space<vmem>> -> memref<1x1x128xi32, #tpu.memory_space<vmem>>
    %dma_start3A_20 = tpu.memref_squeeze %dma_start3A_19 : memref<1x1x128xi32, #tpu.memory_space<vmem>> -> memref<128xi32, #tpu.memory_space<vmem>>
    %dma_start3A_21 = arith.constant 0 : i32
    %dma_start3A_22 = arith.constant 0 : i32
    %dma_start3A_23 = tpu.memref_slice %arg5[%dma_start3A_21, %dma_start3A_22] : memref<457x64xf32, #tpu.memory_space<vmem_shared>> -> memref<457x64xf32, #tpu.memory_space<vmem_shared>>
    tpu.enqueue_indirect_dma source(%dma_start3A_23 : memref<457x64xf32, #tpu.memory_space<vmem_shared>>) target(%dma_start3A_17 : memref<128x64xf32, #tpu.memory_space<vmem>>) offsets(%dma_start3A_20 : memref<128xi32, #tpu.memory_space<vmem>>) semaphore(%arg8 : memref<!tpu.dma_semaphore, #tpu.memory_space<semaphore_mem>>)
    %dma_start3A_24 = arith.constant 0 : i32
    %dma_start3A_25 = arith.constant 1 : i32
    %dma_start3A_26 = arith.constant 0 : i32
    %dma_start3A_27 = arith.constant 1 : i32
    %dma_start3A_28 = arith.constant 0 : i32
    %dma_start3A_29 = arith.constant 0 : i32
    %dma_start3A_30 = tpu.memref_slice %arg7[%dma_start3A_26, %dma_start3A_27, %dma_start3A_28, %dma_start3A_29] : memref<2x4x128x64xf32, #tpu.memory_space<vmem>> -> memref<1x1x128x64xf32, #tpu.memory_space<vmem>>
    %dma_start3A_31 = tpu.memref_squeeze %dma_start3A_30 : memref<1x1x128x64xf32, #tpu.memory_space<vmem>> -> memref<128x64xf32, #tpu.memory_space<vmem>>
    %dma_start3A_32 = arith.constant 0 : i32
    %dma_start3A_33 = tpu.memref_slice %arg6[%dma_start3A_24, %dma_start3A_25, %dma_start3A_32] : memref<2x4x128xi32, #tpu.memory_space<vmem>> -> memref<1x1x128xi32, #tpu.memory_space<vmem>>
    %dma_start3A_34 = tpu.memref_squeeze %dma_start3A_33 : memref<1x1x128xi32, #tpu.memory_space<vmem>> -> memref<128xi32, #tpu.memory_space<vmem>>
    %dma_start3A_35 = arith.constant 0 : i32
    %dma_start3A_36 = arith.constant 0 : i32
    %dma_start3A_37 = tpu.memref_slice %arg5[%dma_start3A_35, %dma_start3A_36] : memref<457x64xf32, #tpu.memory_space<vmem_shared>> -> memref<457x64xf32, #tpu.memory_space<vmem_shared>>
    tpu.enqueue_indirect_dma source(%dma_start3A_37 : memref<457x64xf32, #tpu.memory_space<vmem_shared>>) target(%dma_start3A_31 : memref<128x64xf32, #tpu.memory_space<vmem>>) offsets(%dma_start3A_34 : memref<128xi32, #tpu.memory_space<vmem>>) semaphore(%arg8 : memref<!tpu.dma_semaphore, #tpu.memory_space<semaphore_mem>>)
    %dma_start3A_38 = arith.constant 0 : i32
    %dma_start3A_39 = arith.constant 2 : i32
    %dma_start3A_40 = arith.constant 0 : i32
    %dma_start3A_41 = arith.constant 2 : i32
    %dma_start3A_42 = arith.constant 0 : i32
    %dma_start3A_43 = arith.constant 0 : i32
    %dma_start3A_44 = tpu.memref_slice %arg7[%dma_start3A_40, %dma_start3A_41, %dma_start3A_42, %dma_start3A_43] : memref<2x4x128x64xf32, #tpu.memory_space<vmem>> -> memref<1x1x128x64xf32, #tpu.memory_space<vmem>>
    %dma_start3A_45 = tpu.memref_squeeze %dma_start3A_44 : memref<1x1x128x64xf32, #tpu.memory_space<vmem>> -> memref<128x64xf32, #tpu.memory_space<vmem>>
    %dma_start3A_46 = arith.constant 0 : i32
    %dma_start3A_47 = tpu.memref_slice %arg6[%dma_start3A_38, %dma_start3A_39, %dma_start3A_46] : memref<2x4x128xi32, #tpu.memory_space<vmem>> -> memref<1x1x128xi32, #tpu.memory_space<vmem>>
    %dma_start3A_48 = tpu.memref_squeeze %dma_start3A_47 : memref<1x1x128xi32, #tpu.memory_space<vmem>> -> memref<128xi32, #tpu.memory_space<vmem>>
    %dma_start3A_49 = arith.constant 0 : i32
    %dma_start3A_50 = arith.constant 0 : i32
    %dma_start3A_51 = tpu.memref_slice %arg5[%dma_start3A_49, %dma_start3A_50] : memref<457x64xf32, #tpu.memory_space<vmem_shared>> -> memref<457x64xf32, #tpu.memory_space<vmem_shared>>
    tpu.enqueue_indirect_dma source(%dma_start3A_51 : memref<457x64xf32, #tpu.memory_space<vmem_shared>>) target(%dma_start3A_45 : memref<128x64xf32, #tpu.memory_space<vmem>>) offsets(%dma_start3A_48 : memref<128xi32, #tpu.memory_space<vmem>>) semaphore(%arg8 : memref<!tpu.dma_semaphore, #tpu.memory_space<semaphore_mem>>)
    %dma_start3A_52 = arith.constant 0 : i32
    %dma_start3A_53 = arith.constant 3 : i32
    %dma_start3A_54 = arith.constant 0 : i32
    %dma_start3A_55 = arith.constant 3 : i32
    %dma_start3A_56 = arith.constant 0 : i32
    %dma_start3A_57 = arith.constant 0 : i32
    %dma_start3A_58 = tpu.memref_slice %arg7[%dma_start3A_54, %dma_start3A_55, %dma_start3A_56, %dma_start3A_57] : memref<2x4x128x64xf32, #tpu.memory_space<vmem>> -> memref<1x1x128x64xf32, #tpu.memory_space<vmem>>
    %dma_start3A_59 = tpu.memref_squeeze %dma_start3A_58 : memref<1x1x128x64xf32, #tpu.memory_space<vmem>> -> memref<128x64xf32, #tpu.memory_space<vmem>>
    %dma_start3A_60 = arith.constant 0 : i32
    %dma_start3A_61 = tpu.memref_slice %arg6[%dma_start3A_52, %dma_start3A_53, %dma_start3A_60] : memref<2x4x128xi32, #tpu.memory_space<vmem>> -> memref<1x1x128xi32, #tpu.memory_space<vmem>>
    %dma_start3A_62 = tpu.memref_squeeze %dma_start3A_61 : memref<1x1x128xi32, #tpu.memory_space<vmem>> -> memref<128xi32, #tpu.memory_space<vmem>>
    %dma_start3A_63 = arith.constant 0 : i32
    %dma_start3A_64 = arith.constant 0 : i32
    %dma_start3A_65 = tpu.memref_slice %arg5[%dma_start3A_63, %dma_start3A_64] : memref<457x64xf32, #tpu.memory_space<vmem_shared>> -> memref<457x64xf32, #tpu.memory_space<vmem_shared>>
    tpu.enqueue_indirect_dma source(%dma_start3A_65 : memref<457x64xf32, #tpu.memory_space<vmem_shared>>) target(%dma_start3A_59 : memref<128x64xf32, #tpu.memory_space<vmem>>) offsets(%dma_start3A_62 : memref<128xi32, #tpu.memory_space<vmem>>) semaphore(%arg8 : memref<!tpu.dma_semaphore, #tpu.memory_space<semaphore_mem>>)
    %scan3A = arith.constant 0 : i32
    %scan3A_66 = arith.constant 0 : i32
    %scan3A_67 = arith.constant 100 : i32
    %scan3A_68 = arith.addi %scan3A_66, %scan3A_67 : i32
    %scan3A_69 = arith.constant 1 : i32
    scf.for %scan3A_194 = %scan3A_66 to %scan3A_68 step %scan3A_69  : i32 {
      %mul3A_195 = arith.constant 2 : i32
      %mul3A_196 = arith.muli %mul3A_195, %scan3A_194 : i32
      %add3A_197 = arith.constant 0 : i32
      %add3A_198 = arith.addi %mul3A_196, %add3A_197 : i32
      %add3A_199 = arith.constant 1 : i32
      %add3A_200 = arith.addi %add3A_198, %add3A_199 : i32
      %lt3A = arith.constant 200 : i32
      %lt3A_201 = arith.cmpi slt, %add3A_200, %lt3A : i32
      %convert_element_type3A_202 = arith.extui %lt3A_201 : i1 to i32
      %cond3A_203 = arith.constant 0 : i32
      %cond3A_204 = arith.cmpi ne, %convert_element_type3A_202, %cond3A_203 : i32
      scf.if %cond3A_204 {
        %ge3A = arith.constant 1 : i32
        %ge3A_454 = arith.cmpi sge, %add3A_198, %ge3A : i32
        %convert_element_type3A_455 = arith.extui %ge3A_454 : i1 to i32
        %cond3A_456 = arith.constant 0 : i32
        %cond3A_457 = arith.cmpi ne, %convert_element_type3A_455, %cond3A_456 : i32
        scf.if %cond3A_457 {
          %sub3A = arith.constant 1 : i32
          %sub3A_520 = arith.subi %add3A_198, %sub3A : i32
          %mul3A_521 = arith.constant 256 : i32
          %mul3A_522 = arith.muli %sub3A_520, %mul3A_521 : i32
          %add3A_523 = arith.addi %mul3A_6, %mul3A_522 : i32
          %add3A_524 = arith.constant 128 : i32
          %add3A_525 = arith.addi %add3A_523, %add3A_524 : i32
          %add3A_526 = arith.constant 128 : i32
          %add3A_527 = arith.addi %add3A_523, %add3A_526 : i32
          %dma_wait3A_528 = arith.constant 1 : i32
          %dma_wait3A_529 = arith.constant 0 : i32
          %dma_wait3A_530 = arith.constant 0 : i32
          %dma_wait3A_531 = arith.constant 0 : i32
          %dma_wait3A_532 = tpu.memref_slice %arg7[%dma_wait3A_528, %dma_wait3A_529, %dma_wait3A_530, %dma_wait3A_531] : memref<2x4x128x64xf32, #tpu.memory_space<vmem>> -> memref<1x1x128x64xf32, #tpu.memory_space<vmem>>
          %dma_wait3A_533 = tpu.memref_squeeze %dma_wait3A_532 : memref<1x1x128x64xf32, #tpu.memory_space<vmem>> -> memref<128x64xf32, #tpu.memory_space<vmem>>
          %dma_wait3A_534 = arith.constant 0 : i32
          %dma_wait3A_535 = tpu.memref_slice %arg4[%add3A_523, %dma_wait3A_534] : memref<1638400x128xf32, #tpu.memory_space<hbm>> -> memref<128x64xf32, #tpu.memory_space<hbm>>
          %dma_wait3A_536 = arith.constant 0 : i32
          %dma_wait3A_537 = tpu.memref_slice %arg4[%add3A_523, %dma_wait3A_536] : memref<1638400x128xf32, #tpu.memory_space<hbm>> -> memref<128x64xf32, #tpu.memory_space<hbm>>
          %dma_wait3A_538 = arith.constant 0 : i32
          %dma_wait3A_539 = arith.constant 0 : i32
          %dma_wait3A_540 = tpu.memref_slice %arg7[%dma_wait3A_528, %dma_wait3A_529, %dma_wait3A_538, %dma_wait3A_539] : memref<2x4x128x64xf32, #tpu.memory_space<vmem>> -> memref<1x1x128x64xf32, #tpu.memory_space<vmem>>
          %dma_wait3A_541 = tpu.memref_squeeze %dma_wait3A_540 : memref<1x1x128x64xf32, #tpu.memory_space<vmem>> -> memref<128x64xf32, #tpu.memory_space<vmem>>
          tpu.wait_dma2 semaphore(%arg11 : memref<!tpu.dma_semaphore, #tpu.memory_space<semaphore_mem>>) src(%dma_wait3A_541 : memref<128x64xf32, #tpu.memory_space<vmem>>) dst(%dma_wait3A_537 : memref<128x64xf32, #tpu.memory_space<hbm>>)
          %dma_wait3A_542 = arith.constant 1 : i32
          %dma_wait3A_543 = arith.constant 1 : i32
          %dma_wait3A_544 = arith.constant 0 : i32
          %dma_wait3A_545 = arith.constant 0 : i32
          %dma_wait3A_546 = tpu.memref_slice %arg7[%dma_wait3A_542, %dma_wait3A_543, %dma_wait3A_544, %dma_wait3A_545] : memref<2x4x128x64xf32, #tpu.memory_space<vmem>> -> memref<1x1x128x64xf32, #tpu.memory_space<vmem>>
          %dma_wait3A_547 = tpu.memref_squeeze %dma_wait3A_546 : memref<1x1x128x64xf32, #tpu.memory_space<vmem>> -> memref<128x64xf32, #tpu.memory_space<vmem>>
          %dma_wait3A_548 = arith.constant 0 : i32
          %dma_wait3A_549 = tpu.memref_slice %arg4[%add3A_525, %dma_wait3A_548] : memref<1638400x128xf32, #tpu.memory_space<hbm>> -> memref<128x64xf32, #tpu.memory_space<hbm>>
          %dma_wait3A_550 = arith.constant 0 : i32
          %dma_wait3A_551 = tpu.memref_slice %arg4[%add3A_525, %dma_wait3A_550] : memref<1638400x128xf32, #tpu.memory_space<hbm>> -> memref<128x64xf32, #tpu.memory_space<hbm>>
          %dma_wait3A_552 = arith.constant 0 : i32
          %dma_wait3A_553 = arith.constant 0 : i32
          %dma_wait3A_554 = tpu.memref_slice %arg7[%dma_wait3A_542, %dma_wait3A_543, %dma_wait3A_552, %dma_wait3A_553] : memref<2x4x128x64xf32, #tpu.memory_space<vmem>> -> memref<1x1x128x64xf32, #tpu.memory_space<vmem>>
          %dma_wait3A_555 = tpu.memref_squeeze %dma_wait3A_554 : memref<1x1x128x64xf32, #tpu.memory_space<vmem>> -> memref<128x64xf32, #tpu.memory_space<vmem>>
          tpu.wait_dma2 semaphore(%arg11 : memref<!tpu.dma_semaphore, #tpu.memory_space<semaphore_mem>>) src(%dma_wait3A_555 : memref<128x64xf32, #tpu.memory_space<vmem>>) dst(%dma_wait3A_551 : memref<128x64xf32, #tpu.memory_space<hbm>>)
          %dma_wait3A_556 = arith.constant 1 : i32
          %dma_wait3A_557 = arith.constant 2 : i32
          %dma_wait3A_558 = arith.constant 0 : i32
          %dma_wait3A_559 = arith.constant 0 : i32
          %dma_wait3A_560 = tpu.memref_slice %arg7[%dma_wait3A_556, %dma_wait3A_557, %dma_wait3A_558, %dma_wait3A_559] : memref<2x4x128x64xf32, #tpu.memory_space<vmem>> -> memref<1x1x128x64xf32, #tpu.memory_space<vmem>>
          %dma_wait3A_561 = tpu.memref_squeeze %dma_wait3A_560 : memref<1x1x128x64xf32, #tpu.memory_space<vmem>> -> memref<128x64xf32, #tpu.memory_space<vmem>>
          %dma_wait3A_562 = arith.constant 64 : i32
          %dma_wait3A_563 = tpu.memref_slice %arg4[%add3A_523, %dma_wait3A_562] : memref<1638400x128xf32, #tpu.memory_space<hbm>> -> memref<128x64xf32, #tpu.memory_space<hbm>>
          %dma_wait3A_564 = arith.constant 64 : i32
          %dma_wait3A_565 = tpu.memref_slice %arg4[%add3A_523, %dma_wait3A_564] : memref<1638400x128xf32, #tpu.memory_space<hbm>> -> memref<128x64xf32, #tpu.memory_space<hbm>>
          %dma_wait3A_566 = arith.constant 0 : i32
          %dma_wait3A_567 = arith.constant 0 : i32
          %dma_wait3A_568 = tpu.memref_slice %arg7[%dma_wait3A_556, %dma_wait3A_557, %dma_wait3A_566, %dma_wait3A_567] : memref<2x4x128x64xf32, #tpu.memory_space<vmem>> -> memref<1x1x128x64xf32, #tpu.memory_space<vmem>>
          %dma_wait3A_569 = tpu.memref_squeeze %dma_wait3A_568 : memref<1x1x128x64xf32, #tpu.memory_space<vmem>> -> memref<128x64xf32, #tpu.memory_space<vmem>>
          tpu.wait_dma2 semaphore(%arg11 : memref<!tpu.dma_semaphore, #tpu.memory_space<semaphore_mem>>) src(%dma_wait3A_569 : memref<128x64xf32, #tpu.memory_space<vmem>>) dst(%dma_wait3A_565 : memref<128x64xf32, #tpu.memory_space<hbm>>)
          %dma_wait3A_570 = arith.constant 1 : i32
          %dma_wait3A_571 = arith.constant 3 : i32
          %dma_wait3A_572 = arith.constant 0 : i32
          %dma_wait3A_573 = arith.constant 0 : i32
          %dma_wait3A_574 = tpu.memref_slice %arg7[%dma_wait3A_570, %dma_wait3A_571, %dma_wait3A_572, %dma_wait3A_573] : memref<2x4x128x64xf32, #tpu.memory_space<vmem>> -> memref<1x1x128x64xf32, #tpu.memory_space<vmem>>
          %dma_wait3A_575 = tpu.memref_squeeze %dma_wait3A_574 : memref<1x1x128x64xf32, #tpu.memory_space<vmem>> -> memref<128x64xf32, #tpu.memory_space<vmem>>
          %dma_wait3A_576 = arith.constant 64 : i32
          %dma_wait3A_577 = tpu.memref_slice %arg4[%add3A_527, %dma_wait3A_576] : memref<1638400x128xf32, #tpu.memory_space<hbm>> -> memref<128x64xf32, #tpu.memory_space<hbm>>
          %dma_wait3A_578 = arith.constant 64 : i32
          %dma_wait3A_579 = tpu.memref_slice %arg4[%add3A_527, %dma_wait3A_578] : memref<1638400x128xf32, #tpu.memory_space<hbm>> -> memref<128x64xf32, #tpu.memory_space<hbm>>
          %dma_wait3A_580 = arith.constant 0 : i32
          %dma_wait3A_581 = arith.constant 0 : i32
          %dma_wait3A_582 = tpu.memref_slice %arg7[%dma_wait3A_570, %dma_wait3A_571, %dma_wait3A_580, %dma_wait3A_581] : memref<2x4x128x64xf32, #tpu.memory_space<vmem>> -> memref<1x1x128x64xf32, #tpu.memory_space<vmem>>
          %dma_wait3A_583 = tpu.memref_squeeze %dma_wait3A_582 : memref<1x1x128x64xf32, #tpu.memory_space<vmem>> -> memref<128x64xf32, #tpu.memory_space<vmem>>
          tpu.wait_dma2 semaphore(%arg11 : memref<!tpu.dma_semaphore, #tpu.memory_space<semaphore_mem>>) src(%dma_wait3A_583 : memref<128x64xf32, #tpu.memory_space<vmem>>) dst(%dma_wait3A_579 : memref<128x64xf32, #tpu.memory_space<hbm>>)
        } else {
        }
        %add3A_458 = arith.constant 1 : i32
        %add3A_459 = arith.addi %add3A_198, %add3A_458 : i32
        %mul3A_460 = arith.constant 4 : i32
        %mul3A_461 = arith.muli %add3A_459, %mul3A_460 : i32
        %add3A_462 = arith.addi %mul3A_4, %mul3A_461 : i32
        %run_scoped3A_463 = arith.constant 1 : i32
        "tpu.region"() ({
          %run_scoped3A_520 = tpu.sem_alloc : memref<!tpu.dma_semaphore, #tpu.memory_space<semaphore_mem>>
          %dma_start3A_521 = arith.constant 0 : i32
          %dma_start3A_522 = arith.constant 0 : i32
          %dma_start3A_523 = tpu.memref_slice %arg6[%run_scoped3A_463, %dma_start3A_521, %dma_start3A_522] : memref<2x4x128xi32, #tpu.memory_space<vmem>> -> memref<1x4x128xi32, #tpu.memory_space<vmem>>
          %dma_start3A_524 = tpu.memref_squeeze %dma_start3A_523 : memref<1x4x128xi32, #tpu.memory_space<vmem>> -> memref<4x128xi32, #tpu.memory_space<vmem>>
          %dma_start3A_525 = arith.constant 0 : i32
          %dma_start3A_526 = tpu.memref_slice %arg2[%add3A_462, %dma_start3A_525] : memref<25600x128xi32, #tpu.memory_space<hbm>> -> memref<4x128xi32, #tpu.memory_space<hbm>>
          %dma_start3A_527 = arith.constant 0 : i32
          %dma_start3A_528 = arith.constant 0 : i32
          %dma_start3A_529 = tpu.memref_slice %arg6[%run_scoped3A_463, %dma_start3A_527, %dma_start3A_528] : memref<2x4x128xi32, #tpu.memory_space<vmem>> -> memref<1x4x128xi32, #tpu.memory_space<vmem>>
          %dma_start3A_530 = tpu.memref_squeeze %dma_start3A_529 : memref<1x4x128xi32, #tpu.memory_space<vmem>> -> memref<4x128xi32, #tpu.memory_space<vmem>>
          %dma_start3A_531 = arith.constant 0 : i32
          %dma_start3A_532 = tpu.memref_slice %arg2[%add3A_462, %dma_start3A_531] : memref<25600x128xi32, #tpu.memory_space<hbm>> -> memref<4x128xi32, #tpu.memory_space<hbm>>
          tpu.enqueue_dma source(%dma_start3A_532 : memref<4x128xi32, #tpu.memory_space<hbm>>) target(%dma_start3A_530 : memref<4x128xi32, #tpu.memory_space<vmem>>) target_semaphore(%run_scoped3A_520 : memref<!tpu.dma_semaphore, #tpu.memory_space<semaphore_mem>>)
          %dma_wait3A_533 = arith.constant 0 : i32
          %dma_wait3A_534 = arith.constant 0 : i32
          %dma_wait3A_535 = tpu.memref_slice %arg6[%run_scoped3A_463, %dma_wait3A_533, %dma_wait3A_534] : memref<2x4x128xi32, #tpu.memory_space<vmem>> -> memref<1x4x128xi32, #tpu.memory_space<vmem>>
          %dma_wait3A_536 = tpu.memref_squeeze %dma_wait3A_535 : memref<1x4x128xi32, #tpu.memory_space<vmem>> -> memref<4x128xi32, #tpu.memory_space<vmem>>
          %dma_wait3A_537 = arith.constant 0 : i32
          %dma_wait3A_538 = tpu.memref_slice %arg2[%add3A_462, %dma_wait3A_537] : memref<25600x128xi32, #tpu.memory_space<hbm>> -> memref<4x128xi32, #tpu.memory_space<hbm>>
          %dma_wait3A_539 = arith.constant 0 : i32
          %dma_wait3A_540 = arith.constant 0 : i32
          %dma_wait3A_541 = tpu.memref_slice %arg6[%run_scoped3A_463, %dma_wait3A_539, %dma_wait3A_540] : memref<2x4x128xi32, #tpu.memory_space<vmem>> -> memref<1x4x128xi32, #tpu.memory_space<vmem>>
          %dma_wait3A_542 = tpu.memref_squeeze %dma_wait3A_541 : memref<1x4x128xi32, #tpu.memory_space<vmem>> -> memref<4x128xi32, #tpu.memory_space<vmem>>
          %dma_wait3A_543 = arith.constant 0 : i32
          %dma_wait3A_544 = tpu.memref_slice %arg2[%add3A_462, %dma_wait3A_543] : memref<25600x128xi32, #tpu.memory_space<hbm>> -> memref<4x128xi32, #tpu.memory_space<hbm>>
          tpu.wait_dma2 semaphore(%run_scoped3A_520 : memref<!tpu.dma_semaphore, #tpu.memory_space<semaphore_mem>>) src(%dma_wait3A_544 : memref<4x128xi32, #tpu.memory_space<hbm>>) dst(%dma_wait3A_542 : memref<4x128xi32, #tpu.memory_space<vmem>>)
          tpu.yield
        }) : () -> ()
        %dma_start3A_464 = arith.constant 1 : i32
        %dma_start3A_465 = arith.constant 0 : i32
        %dma_start3A_466 = arith.constant 1 : i32
        %dma_start3A_467 = arith.constant 0 : i32
        %dma_start3A_468 = arith.constant 0 : i32
        %dma_start3A_469 = arith.constant 0 : i32
        %dma_start3A_470 = tpu.memref_slice %arg7[%dma_start3A_466, %dma_start3A_467, %dma_start3A_468, %dma_start3A_469] : memref<2x4x128x64xf32, #tpu.memory_space<vmem>> -> memref<1x1x128x64xf32, #tpu.memory_space<vmem>>
        %dma_start3A_471 = tpu.memref_squeeze %dma_start3A_470 : memref<1x1x128x64xf32, #tpu.memory_space<vmem>> -> memref<128x64xf32, #tpu.memory_space<vmem>>
        %dma_start3A_472 = arith.constant 0 : i32
        %dma_start3A_473 = tpu.memref_slice %arg6[%dma_start3A_464, %dma_start3A_465, %dma_start3A_472] : memref<2x4x128xi32, #tpu.memory_space<vmem>> -> memref<1x1x128xi32, #tpu.memory_space<vmem>>
        %dma_start3A_474 = tpu.memref_squeeze %dma_start3A_473 : memref<1x1x128xi32, #tpu.memory_space<vmem>> -> memref<128xi32, #tpu.memory_space<vmem>>
        %dma_start3A_475 = arith.constant 0 : i32
        %dma_start3A_476 = arith.constant 0 : i32
        %dma_start3A_477 = tpu.memref_slice %arg5[%dma_start3A_475, %dma_start3A_476] : memref<457x64xf32, #tpu.memory_space<vmem_shared>> -> memref<457x64xf32, #tpu.memory_space<vmem_shared>>
        tpu.enqueue_indirect_dma source(%dma_start3A_477 : memref<457x64xf32, #tpu.memory_space<vmem_shared>>) target(%dma_start3A_471 : memref<128x64xf32, #tpu.memory_space<vmem>>) offsets(%dma_start3A_474 : memref<128xi32, #tpu.memory_space<vmem>>) semaphore(%arg9 : memref<!tpu.dma_semaphore, #tpu.memory_space<semaphore_mem>>)
        %dma_start3A_478 = arith.constant 1 : i32
        %dma_start3A_479 = arith.constant 1 : i32
        %dma_start3A_480 = arith.constant 1 : i32
        %dma_start3A_481 = arith.constant 1 : i32
        %dma_start3A_482 = arith.constant 0 : i32
        %dma_start3A_483 = arith.constant 0 : i32
        %dma_start3A_484 = tpu.memref_slice %arg7[%dma_start3A_480, %dma_start3A_481, %dma_start3A_482, %dma_start3A_483] : memref<2x4x128x64xf32, #tpu.memory_space<vmem>> -> memref<1x1x128x64xf32, #tpu.memory_space<vmem>>
        %dma_start3A_485 = tpu.memref_squeeze %dma_start3A_484 : memref<1x1x128x64xf32, #tpu.memory_space<vmem>> -> memref<128x64xf32, #tpu.memory_space<vmem>>
        %dma_start3A_486 = arith.constant 0 : i32
        %dma_start3A_487 = tpu.memref_slice %arg6[%dma_start3A_478, %dma_start3A_479, %dma_start3A_486] : memref<2x4x128xi32, #tpu.memory_space<vmem>> -> memref<1x1x128xi32, #tpu.memory_space<vmem>>
        %dma_start3A_488 = tpu.memref_squeeze %dma_start3A_487 : memref<1x1x128xi32, #tpu.memory_space<vmem>> -> memref<128xi32, #tpu.memory_space<vmem>>
        %dma_start3A_489 = arith.constant 0 : i32
        %dma_start3A_490 = arith.constant 0 : i32
        %dma_start3A_491 = tpu.memref_slice %arg5[%dma_start3A_489, %dma_start3A_490] : memref<457x64xf32, #tpu.memory_space<vmem_shared>> -> memref<457x64xf32, #tpu.memory_space<vmem_shared>>
        tpu.enqueue_indirect_dma source(%dma_start3A_491 : memref<457x64xf32, #tpu.memory_space<vmem_shared>>) target(%dma_start3A_485 : memref<128x64xf32, #tpu.memory_space<vmem>>) offsets(%dma_start3A_488 : memref<128xi32, #tpu.memory_space<vmem>>) semaphore(%arg9 : memref<!tpu.dma_semaphore, #tpu.memory_space<semaphore_mem>>)
        %dma_start3A_492 = arith.constant 1 : i32
        %dma_start3A_493 = arith.constant 2 : i32
        %dma_start3A_494 = arith.constant 1 : i32
        %dma_start3A_495 = arith.constant 2 : i32
        %dma_start3A_496 = arith.constant 0 : i32
        %dma_start3A_497 = arith.constant 0 : i32
        %dma_start3A_498 = tpu.memref_slice %arg7[%dma_start3A_494, %dma_start3A_495, %dma_start3A_496, %dma_start3A_497] : memref<2x4x128x64xf32, #tpu.memory_space<vmem>> -> memref<1x1x128x64xf32, #tpu.memory_space<vmem>>
        %dma_start3A_499 = tpu.memref_squeeze %dma_start3A_498 : memref<1x1x128x64xf32, #tpu.memory_space<vmem>> -> memref<128x64xf32, #tpu.memory_space<vmem>>
        %dma_start3A_500 = arith.constant 0 : i32
        %dma_start3A_501 = tpu.memref_slice %arg6[%dma_start3A_492, %dma_start3A_493, %dma_start3A_500] : memref<2x4x128xi32, #tpu.memory_space<vmem>> -> memref<1x1x128xi32, #tpu.memory_space<vmem>>
        %dma_start3A_502 = tpu.memref_squeeze %dma_start3A_501 : memref<1x1x128xi32, #tpu.memory_space<vmem>> -> memref<128xi32, #tpu.memory_space<vmem>>
        %dma_start3A_503 = arith.constant 0 : i32
        %dma_start3A_504 = arith.constant 0 : i32
        %dma_start3A_505 = tpu.memref_slice %arg5[%dma_start3A_503, %dma_start3A_504] : memref<457x64xf32, #tpu.memory_space<vmem_shared>> -> memref<457x64xf32, #tpu.memory_space<vmem_shared>>
        tpu.enqueue_indirect_dma source(%dma_start3A_505 : memref<457x64xf32, #tpu.memory_space<vmem_shared>>) target(%dma_start3A_499 : memref<128x64xf32, #tpu.memory_space<vmem>>) offsets(%dma_start3A_502 : memref<128xi32, #tpu.memory_space<vmem>>) semaphore(%arg9 : memref<!tpu.dma_semaphore, #tpu.memory_space<semaphore_mem>>)
        %dma_start3A_506 = arith.constant 1 : i32
        %dma_start3A_507 = arith.constant 3 : i32
        %dma_start3A_508 = arith.constant 1 : i32
        %dma_start3A_509 = arith.constant 3 : i32
        %dma_start3A_510 = arith.constant 0 : i32
        %dma_start3A_511 = arith.constant 0 : i32
        %dma_start3A_512 = tpu.memref_slice %arg7[%dma_start3A_508, %dma_start3A_509, %dma_start3A_510, %dma_start3A_511] : memref<2x4x128x64xf32, #tpu.memory_space<vmem>> -> memref<1x1x128x64xf32, #tpu.memory_space<vmem>>
        %dma_start3A_513 = tpu.memref_squeeze %dma_start3A_512 : memref<1x1x128x64xf32, #tpu.memory_space<vmem>> -> memref<128x64xf32, #tpu.memory_space<vmem>>
        %dma_start3A_514 = arith.constant 0 : i32
        %dma_start3A_515 = tpu.memref_slice %arg6[%dma_start3A_506, %dma_start3A_507, %dma_start3A_514] : memref<2x4x128xi32, #tpu.memory_space<vmem>> -> memref<1x1x128xi32, #tpu.memory_space<vmem>>
        %dma_start3A_516 = tpu.memref_squeeze %dma_start3A_515 : memref<1x1x128xi32, #tpu.memory_space<vmem>> -> memref<128xi32, #tpu.memory_space<vmem>>
        %dma_start3A_517 = arith.constant 0 : i32
        %dma_start3A_518 = arith.constant 0 : i32
        %dma_start3A_519 = tpu.memref_slice %arg5[%dma_start3A_517, %dma_start3A_518] : memref<457x64xf32, #tpu.memory_space<vmem_shared>> -> memref<457x64xf32, #tpu.memory_space<vmem_shared>>
        tpu.enqueue_indirect_dma source(%dma_start3A_519 : memref<457x64xf32, #tpu.memory_space<vmem_shared>>) target(%dma_start3A_513 : memref<128x64xf32, #tpu.memory_space<vmem>>) offsets(%dma_start3A_516 : memref<128xi32, #tpu.memory_space<vmem>>) semaphore(%arg9 : memref<!tpu.dma_semaphore, #tpu.memory_space<semaphore_mem>>)
      } else {
      }
      %dma_wait3A_205 = arith.constant 0 : i32
      %dma_wait3A_206 = arith.constant 0 : i32
      %dma_wait3A_207 = arith.constant 0 : i32
      %dma_wait3A_208 = arith.constant 0 : i32
      %dma_wait3A_209 = arith.constant 0 : i32
      %dma_wait3A_210 = arith.constant 0 : i32
      %dma_wait3A_211 = tpu.memref_slice %arg7[%dma_wait3A_207, %dma_wait3A_208, %dma_wait3A_209, %dma_wait3A_210] : memref<2x4x128x64xf32, #tpu.memory_space<vmem>> -> memref<1x1x128x64xf32, #tpu.memory_space<vmem>>
      %dma_wait3A_212 = tpu.memref_squeeze %dma_wait3A_211 : memref<1x1x128x64xf32, #tpu.memory_space<vmem>> -> memref<128x64xf32, #tpu.memory_space<vmem>>
      %dma_wait3A_213 = arith.constant 0 : i32
      %dma_wait3A_214 = tpu.memref_slice %arg6[%dma_wait3A_205, %dma_wait3A_206, %dma_wait3A_213] : memref<2x4x128xi32, #tpu.memory_space<vmem>> -> memref<1x1x128xi32, #tpu.memory_space<vmem>>
      %dma_wait3A_215 = tpu.memref_squeeze %dma_wait3A_214 : memref<1x1x128xi32, #tpu.memory_space<vmem>> -> memref<128xi32, #tpu.memory_space<vmem>>
      %dma_wait3A_216 = arith.constant 0 : i32
      %dma_wait3A_217 = arith.constant 0 : i32
      %dma_wait3A_218 = tpu.memref_slice %arg5[%dma_wait3A_216, %dma_wait3A_217] : memref<457x64xf32, #tpu.memory_space<vmem_shared>> -> memref<457x64xf32, #tpu.memory_space<vmem_shared>>
      tpu.wait_indirect_dma semaphore(%arg8 : memref<!tpu.dma_semaphore, #tpu.memory_space<semaphore_mem>>) src(%dma_wait3A_218 : memref<457x64xf32, #tpu.memory_space<vmem_shared>>) dst(%dma_wait3A_212 : memref<128x64xf32, #tpu.memory_space<vmem>>)
      %dma_wait3A_219 = arith.constant 0 : i32
      %dma_wait3A_220 = arith.constant 1 : i32
      %dma_wait3A_221 = arith.constant 0 : i32
      %dma_wait3A_222 = arith.constant 1 : i32
      %dma_wait3A_223 = arith.constant 0 : i32
      %dma_wait3A_224 = arith.constant 0 : i32
      %dma_wait3A_225 = tpu.memref_slice %arg7[%dma_wait3A_221, %dma_wait3A_222, %dma_wait3A_223, %dma_wait3A_224] : memref<2x4x128x64xf32, #tpu.memory_space<vmem>> -> memref<1x1x128x64xf32, #tpu.memory_space<vmem>>
      %dma_wait3A_226 = tpu.memref_squeeze %dma_wait3A_225 : memref<1x1x128x64xf32, #tpu.memory_space<vmem>> -> memref<128x64xf32, #tpu.memory_space<vmem>>
      %dma_wait3A_227 = arith.constant 0 : i32
      %dma_wait3A_228 = tpu.memref_slice %arg6[%dma_wait3A_219, %dma_wait3A_220, %dma_wait3A_227] : memref<2x4x128xi32, #tpu.memory_space<vmem>> -> memref<1x1x128xi32, #tpu.memory_space<vmem>>
      %dma_wait3A_229 = tpu.memref_squeeze %dma_wait3A_228 : memref<1x1x128xi32, #tpu.memory_space<vmem>> -> memref<128xi32, #tpu.memory_space<vmem>>
      %dma_wait3A_230 = arith.constant 0 : i32
      %dma_wait3A_231 = arith.constant 0 : i32
      %dma_wait3A_232 = tpu.memref_slice %arg5[%dma_wait3A_230, %dma_wait3A_231] : memref<457x64xf32, #tpu.memory_space<vmem_shared>> -> memref<457x64xf32, #tpu.memory_space<vmem_shared>>
      tpu.wait_indirect_dma semaphore(%arg8 : memref<!tpu.dma_semaphore, #tpu.memory_space<semaphore_mem>>) src(%dma_wait3A_232 : memref<457x64xf32, #tpu.memory_space<vmem_shared>>) dst(%dma_wait3A_226 : memref<128x64xf32, #tpu.memory_space<vmem>>)
      %dma_wait3A_233 = arith.constant 0 : i32
      %dma_wait3A_234 = arith.constant 2 : i32
      %dma_wait3A_235 = arith.constant 0 : i32
      %dma_wait3A_236 = arith.constant 2 : i32
      %dma_wait3A_237 = arith.constant 0 : i32
      %dma_wait3A_238 = arith.constant 0 : i32
      %dma_wait3A_239 = tpu.memref_slice %arg7[%dma_wait3A_235, %dma_wait3A_236, %dma_wait3A_237, %dma_wait3A_238] : memref<2x4x128x64xf32, #tpu.memory_space<vmem>> -> memref<1x1x128x64xf32, #tpu.memory_space<vmem>>
      %dma_wait3A_240 = tpu.memref_squeeze %dma_wait3A_239 : memref<1x1x128x64xf32, #tpu.memory_space<vmem>> -> memref<128x64xf32, #tpu.memory_space<vmem>>
      %dma_wait3A_241 = arith.constant 0 : i32
      %dma_wait3A_242 = tpu.memref_slice %arg6[%dma_wait3A_233, %dma_wait3A_234, %dma_wait3A_241] : memref<2x4x128xi32, #tpu.memory_space<vmem>> -> memref<1x1x128xi32, #tpu.memory_space<vmem>>
      %dma_wait3A_243 = tpu.memref_squeeze %dma_wait3A_242 : memref<1x1x128xi32, #tpu.memory_space<vmem>> -> memref<128xi32, #tpu.memory_space<vmem>>
      %dma_wait3A_244 = arith.constant 0 : i32
      %dma_wait3A_245 = arith.constant 0 : i32
      %dma_wait3A_246 = tpu.memref_slice %arg5[%dma_wait3A_244, %dma_wait3A_245] : memref<457x64xf32, #tpu.memory_space<vmem_shared>> -> memref<457x64xf32, #tpu.memory_space<vmem_shared>>
      tpu.wait_indirect_dma semaphore(%arg8 : memref<!tpu.dma_semaphore, #tpu.memory_space<semaphore_mem>>) src(%dma_wait3A_246 : memref<457x64xf32, #tpu.memory_space<vmem_shared>>) dst(%dma_wait3A_240 : memref<128x64xf32, #tpu.memory_space<vmem>>)
      %dma_wait3A_247 = arith.constant 0 : i32
      %dma_wait3A_248 = arith.constant 3 : i32
      %dma_wait3A_249 = arith.constant 0 : i32
      %dma_wait3A_250 = arith.constant 3 : i32
      %dma_wait3A_251 = arith.constant 0 : i32
      %dma_wait3A_252 = arith.constant 0 : i32
      %dma_wait3A_253 = tpu.memref_slice %arg7[%dma_wait3A_249, %dma_wait3A_250, %dma_wait3A_251, %dma_wait3A_252] : memref<2x4x128x64xf32, #tpu.memory_space<vmem>> -> memref<1x1x128x64xf32, #tpu.memory_space<vmem>>
      %dma_wait3A_254 = tpu.memref_squeeze %dma_wait3A_253 : memref<1x1x128x64xf32, #tpu.memory_space<vmem>> -> memref<128x64xf32, #tpu.memory_space<vmem>>
      %dma_wait3A_255 = arith.constant 0 : i32
      %dma_wait3A_256 = tpu.memref_slice %arg6[%dma_wait3A_247, %dma_wait3A_248, %dma_wait3A_255] : memref<2x4x128xi32, #tpu.memory_space<vmem>> -> memref<1x1x128xi32, #tpu.memory_space<vmem>>
      %dma_wait3A_257 = tpu.memref_squeeze %dma_wait3A_256 : memref<1x1x128xi32, #tpu.memory_space<vmem>> -> memref<128xi32, #tpu.memory_space<vmem>>
      %dma_wait3A_258 = arith.constant 0 : i32
      %dma_wait3A_259 = arith.constant 0 : i32
      %dma_wait3A_260 = tpu.memref_slice %arg5[%dma_wait3A_258, %dma_wait3A_259] : memref<457x64xf32, #tpu.memory_space<vmem_shared>> -> memref<457x64xf32, #tpu.memory_space<vmem_shared>>
      tpu.wait_indirect_dma semaphore(%arg8 : memref<!tpu.dma_semaphore, #tpu.memory_space<semaphore_mem>>) src(%dma_wait3A_260 : memref<457x64xf32, #tpu.memory_space<vmem_shared>>) dst(%dma_wait3A_254 : memref<128x64xf32, #tpu.memory_space<vmem>>)
      %mul3A_261 = arith.constant 256 : i32
      %mul3A_262 = arith.muli %add3A_198, %mul3A_261 : i32
      %add3A_263 = arith.addi %mul3A_6, %mul3A_262 : i32
      %add3A_264 = arith.constant 128 : i32
      %add3A_265 = arith.addi %add3A_263, %add3A_264 : i32
      %add3A_266 = arith.constant 128 : i32
      %add3A_267 = arith.addi %add3A_263, %add3A_266 : i32
      %dma_start3A_268 = arith.constant 0 : i32
      %dma_start3A_269 = arith.constant 0 : i32
      %dma_start3A_270 = arith.constant 0 : i32
      %dma_start3A_271 = arith.constant 0 : i32
      %dma_start3A_272 = tpu.memref_slice %arg7[%dma_start3A_268, %dma_start3A_269, %dma_start3A_270, %dma_start3A_271] : memref<2x4x128x64xf32, #tpu.memory_space<vmem>> -> memref<1x1x128x64xf32, #tpu.memory_space<vmem>>
      %dma_start3A_273 = tpu.memref_squeeze %dma_start3A_272 : memref<1x1x128x64xf32, #tpu.memory_space<vmem>> -> memref<128x64xf32, #tpu.memory_space<vmem>>
      %dma_start3A_274 = arith.constant 0 : i32
      %dma_start3A_275 = tpu.memref_slice %arg4[%add3A_263, %dma_start3A_274] : memref<1638400x128xf32, #tpu.memory_space<hbm>> -> memref<128x64xf32, #tpu.memory_space<hbm>>
      %dma_start3A_276 = arith.constant 0 : i32
      %dma_start3A_277 = tpu.memref_slice %arg4[%add3A_263, %dma_start3A_276] : memref<1638400x128xf32, #tpu.memory_space<hbm>> -> memref<128x64xf32, #tpu.memory_space<hbm>>
      %dma_start3A_278 = arith.constant 0 : i32
      %dma_start3A_279 = arith.constant 0 : i32
      %dma_start3A_280 = tpu.memref_slice %arg7[%dma_start3A_268, %dma_start3A_269, %dma_start3A_278, %dma_start3A_279] : memref<2x4x128x64xf32, #tpu.memory_space<vmem>> -> memref<1x1x128x64xf32, #tpu.memory_space<vmem>>
      %dma_start3A_281 = tpu.memref_squeeze %dma_start3A_280 : memref<1x1x128x64xf32, #tpu.memory_space<vmem>> -> memref<128x64xf32, #tpu.memory_space<vmem>>
      tpu.enqueue_dma source(%dma_start3A_281 : memref<128x64xf32, #tpu.memory_space<vmem>>) target(%dma_start3A_277 : memref<128x64xf32, #tpu.memory_space<hbm>>) target_semaphore(%arg10 : memref<!tpu.dma_semaphore, #tpu.memory_space<semaphore_mem>>)
      %dma_start3A_282 = arith.constant 0 : i32
      %dma_start3A_283 = arith.constant 1 : i32
      %dma_start3A_284 = arith.constant 0 : i32
      %dma_start3A_285 = arith.constant 0 : i32
      %dma_start3A_286 = tpu.memref_slice %arg7[%dma_start3A_282, %dma_start3A_283, %dma_start3A_284, %dma_start3A_285] : memref<2x4x128x64xf32, #tpu.memory_space<vmem>> -> memref<1x1x128x64xf32, #tpu.memory_space<vmem>>
      %dma_start3A_287 = tpu.memref_squeeze %dma_start3A_286 : memref<1x1x128x64xf32, #tpu.memory_space<vmem>> -> memref<128x64xf32, #tpu.memory_space<vmem>>
      %dma_start3A_288 = arith.constant 0 : i32
      %dma_start3A_289 = tpu.memref_slice %arg4[%add3A_265, %dma_start3A_288] : memref<1638400x128xf32, #tpu.memory_space<hbm>> -> memref<128x64xf32, #tpu.memory_space<hbm>>
      %dma_start3A_290 = arith.constant 0 : i32
      %dma_start3A_291 = tpu.memref_slice %arg4[%add3A_265, %dma_start3A_290] : memref<1638400x128xf32, #tpu.memory_space<hbm>> -> memref<128x64xf32, #tpu.memory_space<hbm>>
      %dma_start3A_292 = arith.constant 0 : i32
      %dma_start3A_293 = arith.constant 0 : i32
      %dma_start3A_294 = tpu.memref_slice %arg7[%dma_start3A_282, %dma_start3A_283, %dma_start3A_292, %dma_start3A_293] : memref<2x4x128x64xf32, #tpu.memory_space<vmem>> -> memref<1x1x128x64xf32, #tpu.memory_space<vmem>>
      %dma_start3A_295 = tpu.memref_squeeze %dma_start3A_294 : memref<1x1x128x64xf32, #tpu.memory_space<vmem>> -> memref<128x64xf32, #tpu.memory_space<vmem>>
      tpu.enqueue_dma source(%dma_start3A_295 : memref<128x64xf32, #tpu.memory_space<vmem>>) target(%dma_start3A_291 : memref<128x64xf32, #tpu.memory_space<hbm>>) target_semaphore(%arg10 : memref<!tpu.dma_semaphore, #tpu.memory_space<semaphore_mem>>)
      %dma_start3A_296 = arith.constant 0 : i32
      %dma_start3A_297 = arith.constant 2 : i32
      %dma_start3A_298 = arith.constant 0 : i32
      %dma_start3A_299 = arith.constant 0 : i32
      %dma_start3A_300 = tpu.memref_slice %arg7[%dma_start3A_296, %dma_start3A_297, %dma_start3A_298, %dma_start3A_299] : memref<2x4x128x64xf32, #tpu.memory_space<vmem>> -> memref<1x1x128x64xf32, #tpu.memory_space<vmem>>
      %dma_start3A_301 = tpu.memref_squeeze %dma_start3A_300 : memref<1x1x128x64xf32, #tpu.memory_space<vmem>> -> memref<128x64xf32, #tpu.memory_space<vmem>>
      %dma_start3A_302 = arith.constant 64 : i32
      %dma_start3A_303 = tpu.memref_slice %arg4[%add3A_263, %dma_start3A_302] : memref<1638400x128xf32, #tpu.memory_space<hbm>> -> memref<128x64xf32, #tpu.memory_space<hbm>>
      %dma_start3A_304 = arith.constant 64 : i32
      %dma_start3A_305 = tpu.memref_slice %arg4[%add3A_263, %dma_start3A_304] : memref<1638400x128xf32, #tpu.memory_space<hbm>> -> memref<128x64xf32, #tpu.memory_space<hbm>>
      %dma_start3A_306 = arith.constant 0 : i32
      %dma_start3A_307 = arith.constant 0 : i32
      %dma_start3A_308 = tpu.memref_slice %arg7[%dma_start3A_296, %dma_start3A_297, %dma_start3A_306, %dma_start3A_307] : memref<2x4x128x64xf32, #tpu.memory_space<vmem>> -> memref<1x1x128x64xf32, #tpu.memory_space<vmem>>
      %dma_start3A_309 = tpu.memref_squeeze %dma_start3A_308 : memref<1x1x128x64xf32, #tpu.memory_space<vmem>> -> memref<128x64xf32, #tpu.memory_space<vmem>>
      tpu.enqueue_dma source(%dma_start3A_309 : memref<128x64xf32, #tpu.memory_space<vmem>>) target(%dma_start3A_305 : memref<128x64xf32, #tpu.memory_space<hbm>>) target_semaphore(%arg10 : memref<!tpu.dma_semaphore, #tpu.memory_space<semaphore_mem>>)
      %dma_start3A_310 = arith.constant 0 : i32
      %dma_start3A_311 = arith.constant 3 : i32
      %dma_start3A_312 = arith.constant 0 : i32
      %dma_start3A_313 = arith.constant 0 : i32
      %dma_start3A_314 = tpu.memref_slice %arg7[%dma_start3A_310, %dma_start3A_311, %dma_start3A_312, %dma_start3A_313] : memref<2x4x128x64xf32, #tpu.memory_space<vmem>> -> memref<1x1x128x64xf32, #tpu.memory_space<vmem>>
      %dma_start3A_315 = tpu.memref_squeeze %dma_start3A_314 : memref<1x1x128x64xf32, #tpu.memory_space<vmem>> -> memref<128x64xf32, #tpu.memory_space<vmem>>
      %dma_start3A_316 = arith.constant 64 : i32
      %dma_start3A_317 = tpu.memref_slice %arg4[%add3A_267, %dma_start3A_316] : memref<1638400x128xf32, #tpu.memory_space<hbm>> -> memref<128x64xf32, #tpu.memory_space<hbm>>
      %dma_start3A_318 = arith.constant 64 : i32
      %dma_start3A_319 = tpu.memref_slice %arg4[%add3A_267, %dma_start3A_318] : memref<1638400x128xf32, #tpu.memory_space<hbm>> -> memref<128x64xf32, #tpu.memory_space<hbm>>
      %dma_start3A_320 = arith.constant 0 : i32
      %dma_start3A_321 = arith.constant 0 : i32
      %dma_start3A_322 = tpu.memref_slice %arg7[%dma_start3A_310, %dma_start3A_311, %dma_start3A_320, %dma_start3A_321] : memref<2x4x128x64xf32, #tpu.memory_space<vmem>> -> memref<1x1x128x64xf32, #tpu.memory_space<vmem>>
      %dma_start3A_323 = tpu.memref_squeeze %dma_start3A_322 : memref<1x1x128x64xf32, #tpu.memory_space<vmem>> -> memref<128x64xf32, #tpu.memory_space<vmem>>
      tpu.enqueue_dma source(%dma_start3A_323 : memref<128x64xf32, #tpu.memory_space<vmem>>) target(%dma_start3A_319 : memref<128x64xf32, #tpu.memory_space<hbm>>) target_semaphore(%arg10 : memref<!tpu.dma_semaphore, #tpu.memory_space<semaphore_mem>>)
      %mul3A_324 = arith.constant 2 : i32
      %mul3A_325 = arith.muli %mul3A_324, %scan3A_194 : i32
      %add3A_326 = arith.constant 1 : i32
      %add3A_327 = arith.addi %mul3A_325, %add3A_326 : i32
      %add3A_328 = arith.constant 1 : i32
      %add3A_329 = arith.addi %add3A_327, %add3A_328 : i32
      %lt3A_330 = arith.constant 200 : i32
      %lt3A_331 = arith.cmpi slt, %add3A_329, %lt3A_330 : i32
      %convert_element_type3A_332 = arith.extui %lt3A_331 : i1 to i32
      %cond3A_333 = arith.constant 0 : i32
      %cond3A_334 = arith.cmpi ne, %convert_element_type3A_332, %cond3A_333 : i32
      scf.if %cond3A_334 {
        %ge3A = arith.constant 1 : i32
        %ge3A_454 = arith.cmpi sge, %add3A_327, %ge3A : i32
        %convert_element_type3A_455 = arith.extui %ge3A_454 : i1 to i32
        %cond3A_456 = arith.constant 0 : i32
        %cond3A_457 = arith.cmpi ne, %convert_element_type3A_455, %cond3A_456 : i32
        scf.if %cond3A_457 {
          %sub3A = arith.constant 1 : i32
          %sub3A_520 = arith.subi %add3A_327, %sub3A : i32
          %mul3A_521 = arith.constant 256 : i32
          %mul3A_522 = arith.muli %sub3A_520, %mul3A_521 : i32
          %add3A_523 = arith.addi %mul3A_6, %mul3A_522 : i32
          %add3A_524 = arith.constant 128 : i32
          %add3A_525 = arith.addi %add3A_523, %add3A_524 : i32
          %add3A_526 = arith.constant 128 : i32
          %add3A_527 = arith.addi %add3A_523, %add3A_526 : i32
          %dma_wait3A_528 = arith.constant 0 : i32
          %dma_wait3A_529 = arith.constant 0 : i32
          %dma_wait3A_530 = arith.constant 0 : i32
          %dma_wait3A_531 = arith.constant 0 : i32
          %dma_wait3A_532 = tpu.memref_slice %arg7[%dma_wait3A_528, %dma_wait3A_529, %dma_wait3A_530, %dma_wait3A_531] : memref<2x4x128x64xf32, #tpu.memory_space<vmem>> -> memref<1x1x128x64xf32, #tpu.memory_space<vmem>>
          %dma_wait3A_533 = tpu.memref_squeeze %dma_wait3A_532 : memref<1x1x128x64xf32, #tpu.memory_space<vmem>> -> memref<128x64xf32, #tpu.memory_space<vmem>>
          %dma_wait3A_534 = arith.constant 0 : i32
          %dma_wait3A_535 = tpu.memref_slice %arg4[%add3A_523, %dma_wait3A_534] : memref<1638400x128xf32, #tpu.memory_space<hbm>> -> memref<128x64xf32, #tpu.memory_space<hbm>>
          %dma_wait3A_536 = arith.constant 0 : i32
          %dma_wait3A_537 = tpu.memref_slice %arg4[%add3A_523, %dma_wait3A_536] : memref<1638400x128xf32, #tpu.memory_space<hbm>> -> memref<128x64xf32, #tpu.memory_space<hbm>>
          %dma_wait3A_538 = arith.constant 0 : i32
          %dma_wait3A_539 = arith.constant 0 : i32
          %dma_wait3A_540 = tpu.memref_slice %arg7[%dma_wait3A_528, %dma_wait3A_529, %dma_wait3A_538, %dma_wait3A_539] : memref<2x4x128x64xf32, #tpu.memory_space<vmem>> -> memref<1x1x128x64xf32, #tpu.memory_space<vmem>>
          %dma_wait3A_541 = tpu.memref_squeeze %dma_wait3A_540 : memref<1x1x128x64xf32, #tpu.memory_space<vmem>> -> memref<128x64xf32, #tpu.memory_space<vmem>>
          tpu.wait_dma2 semaphore(%arg10 : memref<!tpu.dma_semaphore, #tpu.memory_space<semaphore_mem>>) src(%dma_wait3A_541 : memref<128x64xf32, #tpu.memory_space<vmem>>) dst(%dma_wait3A_537 : memref<128x64xf32, #tpu.memory_space<hbm>>)
          %dma_wait3A_542 = arith.constant 0 : i32
          %dma_wait3A_543 = arith.constant 1 : i32
          %dma_wait3A_544 = arith.constant 0 : i32
          %dma_wait3A_545 = arith.constant 0 : i32
          %dma_wait3A_546 = tpu.memref_slice %arg7[%dma_wait3A_542, %dma_wait3A_543, %dma_wait3A_544, %dma_wait3A_545] : memref<2x4x128x64xf32, #tpu.memory_space<vmem>> -> memref<1x1x128x64xf32, #tpu.memory_space<vmem>>
          %dma_wait3A_547 = tpu.memref_squeeze %dma_wait3A_546 : memref<1x1x128x64xf32, #tpu.memory_space<vmem>> -> memref<128x64xf32, #tpu.memory_space<vmem>>
          %dma_wait3A_548 = arith.constant 0 : i32
          %dma_wait3A_549 = tpu.memref_slice %arg4[%add3A_525, %dma_wait3A_548] : memref<1638400x128xf32, #tpu.memory_space<hbm>> -> memref<128x64xf32, #tpu.memory_space<hbm>>
          %dma_wait3A_550 = arith.constant 0 : i32
          %dma_wait3A_551 = tpu.memref_slice %arg4[%add3A_525, %dma_wait3A_550] : memref<1638400x128xf32, #tpu.memory_space<hbm>> -> memref<128x64xf32, #tpu.memory_space<hbm>>
          %dma_wait3A_552 = arith.constant 0 : i32
          %dma_wait3A_553 = arith.constant 0 : i32
          %dma_wait3A_554 = tpu.memref_slice %arg7[%dma_wait3A_542, %dma_wait3A_543, %dma_wait3A_552, %dma_wait3A_553] : memref<2x4x128x64xf32, #tpu.memory_space<vmem>> -> memref<1x1x128x64xf32, #tpu.memory_space<vmem>>
          %dma_wait3A_555 = tpu.memref_squeeze %dma_wait3A_554 : memref<1x1x128x64xf32, #tpu.memory_space<vmem>> -> memref<128x64xf32, #tpu.memory_space<vmem>>
          tpu.wait_dma2 semaphore(%arg10 : memref<!tpu.dma_semaphore, #tpu.memory_space<semaphore_mem>>) src(%dma_wait3A_555 : memref<128x64xf32, #tpu.memory_space<vmem>>) dst(%dma_wait3A_551 : memref<128x64xf32, #tpu.memory_space<hbm>>)
          %dma_wait3A_556 = arith.constant 0 : i32
          %dma_wait3A_557 = arith.constant 2 : i32
          %dma_wait3A_558 = arith.constant 0 : i32
          %dma_wait3A_559 = arith.constant 0 : i32
          %dma_wait3A_560 = tpu.memref_slice %arg7[%dma_wait3A_556, %dma_wait3A_557, %dma_wait3A_558, %dma_wait3A_559] : memref<2x4x128x64xf32, #tpu.memory_space<vmem>> -> memref<1x1x128x64xf32, #tpu.memory_space<vmem>>
          %dma_wait3A_561 = tpu.memref_squeeze %dma_wait3A_560 : memref<1x1x128x64xf32, #tpu.memory_space<vmem>> -> memref<128x64xf32, #tpu.memory_space<vmem>>
          %dma_wait3A_562 = arith.constant 64 : i32
          %dma_wait3A_563 = tpu.memref_slice %arg4[%add3A_523, %dma_wait3A_562] : memref<1638400x128xf32, #tpu.memory_space<hbm>> -> memref<128x64xf32, #tpu.memory_space<hbm>>
          %dma_wait3A_564 = arith.constant 64 : i32
          %dma_wait3A_565 = tpu.memref_slice %arg4[%add3A_523, %dma_wait3A_564] : memref<1638400x128xf32, #tpu.memory_space<hbm>> -> memref<128x64xf32, #tpu.memory_space<hbm>>
          %dma_wait3A_566 = arith.constant 0 : i32
          %dma_wait3A_567 = arith.constant 0 : i32
          %dma_wait3A_568 = tpu.memref_slice %arg7[%dma_wait3A_556, %dma_wait3A_557, %dma_wait3A_566, %dma_wait3A_567] : memref<2x4x128x64xf32, #tpu.memory_space<vmem>> -> memref<1x1x128x64xf32, #tpu.memory_space<vmem>>
          %dma_wait3A_569 = tpu.memref_squeeze %dma_wait3A_568 : memref<1x1x128x64xf32, #tpu.memory_space<vmem>> -> memref<128x64xf32, #tpu.memory_space<vmem>>
          tpu.wait_dma2 semaphore(%arg10 : memref<!tpu.dma_semaphore, #tpu.memory_space<semaphore_mem>>) src(%dma_wait3A_569 : memref<128x64xf32, #tpu.memory_space<vmem>>) dst(%dma_wait3A_565 : memref<128x64xf32, #tpu.memory_space<hbm>>)
          %dma_wait3A_570 = arith.constant 0 : i32
          %dma_wait3A_571 = arith.constant 3 : i32
          %dma_wait3A_572 = arith.constant 0 : i32
          %dma_wait3A_573 = arith.constant 0 : i32
          %dma_wait3A_574 = tpu.memref_slice %arg7[%dma_wait3A_570, %dma_wait3A_571, %dma_wait3A_572, %dma_wait3A_573] : memref<2x4x128x64xf32, #tpu.memory_space<vmem>> -> memref<1x1x128x64xf32, #tpu.memory_space<vmem>>
          %dma_wait3A_575 = tpu.memref_squeeze %dma_wait3A_574 : memref<1x1x128x64xf32, #tpu.memory_space<vmem>> -> memref<128x64xf32, #tpu.memory_space<vmem>>
          %dma_wait3A_576 = arith.constant 64 : i32
          %dma_wait3A_577 = tpu.memref_slice %arg4[%add3A_527, %dma_wait3A_576] : memref<1638400x128xf32, #tpu.memory_space<hbm>> -> memref<128x64xf32, #tpu.memory_space<hbm>>
          %dma_wait3A_578 = arith.constant 64 : i32
          %dma_wait3A_579 = tpu.memref_slice %arg4[%add3A_527, %dma_wait3A_578] : memref<1638400x128xf32, #tpu.memory_space<hbm>> -> memref<128x64xf32, #tpu.memory_space<hbm>>
          %dma_wait3A_580 = arith.constant 0 : i32
          %dma_wait3A_581 = arith.constant 0 : i32
          %dma_wait3A_582 = tpu.memref_slice %arg7[%dma_wait3A_570, %dma_wait3A_571, %dma_wait3A_580, %dma_wait3A_581] : memref<2x4x128x64xf32, #tpu.memory_space<vmem>> -> memref<1x1x128x64xf32, #tpu.memory_space<vmem>>
          %dma_wait3A_583 = tpu.memref_squeeze %dma_wait3A_582 : memref<1x1x128x64xf32, #tpu.memory_space<vmem>> -> memref<128x64xf32, #tpu.memory_space<vmem>>
          tpu.wait_dma2 semaphore(%arg10 : memref<!tpu.dma_semaphore, #tpu.memory_space<semaphore_mem>>) src(%dma_wait3A_583 : memref<128x64xf32, #tpu.memory_space<vmem>>) dst(%dma_wait3A_579 : memref<128x64xf32, #tpu.memory_space<hbm>>)
        } else {
        }
        %add3A_458 = arith.constant 1 : i32
        %add3A_459 = arith.addi %add3A_327, %add3A_458 : i32
        %mul3A_460 = arith.constant 4 : i32
        %mul3A_461 = arith.muli %add3A_459, %mul3A_460 : i32
        %add3A_462 = arith.addi %mul3A_4, %mul3A_461 : i32
        %run_scoped3A_463 = arith.constant 0 : i32
        "tpu.region"() ({
          %run_scoped3A_520 = tpu.sem_alloc : memref<!tpu.dma_semaphore, #tpu.memory_space<semaphore_mem>>
          %dma_start3A_521 = arith.constant 0 : i32
          %dma_start3A_522 = arith.constant 0 : i32
          %dma_start3A_523 = tpu.memref_slice %arg6[%run_scoped3A_463, %dma_start3A_521, %dma_start3A_522] : memref<2x4x128xi32, #tpu.memory_space<vmem>> -> memref<1x4x128xi32, #tpu.memory_space<vmem>>
          %dma_start3A_524 = tpu.memref_squeeze %dma_start3A_523 : memref<1x4x128xi32, #tpu.memory_space<vmem>> -> memref<4x128xi32, #tpu.memory_space<vmem>>
          %dma_start3A_525 = arith.constant 0 : i32
          %dma_start3A_526 = tpu.memref_slice %arg2[%add3A_462, %dma_start3A_525] : memref<25600x128xi32, #tpu.memory_space<hbm>> -> memref<4x128xi32, #tpu.memory_space<hbm>>
          %dma_start3A_527 = arith.constant 0 : i32
          %dma_start3A_528 = arith.constant 0 : i32
          %dma_start3A_529 = tpu.memref_slice %arg6[%run_scoped3A_463, %dma_start3A_527, %dma_start3A_528] : memref<2x4x128xi32, #tpu.memory_space<vmem>> -> memref<1x4x128xi32, #tpu.memory_space<vmem>>
          %dma_start3A_530 = tpu.memref_squeeze %dma_start3A_529 : memref<1x4x128xi32, #tpu.memory_space<vmem>> -> memref<4x128xi32, #tpu.memory_space<vmem>>
          %dma_start3A_531 = arith.constant 0 : i32
          %dma_start3A_532 = tpu.memref_slice %arg2[%add3A_462, %dma_start3A_531] : memref<25600x128xi32, #tpu.memory_space<hbm>> -> memref<4x128xi32, #tpu.memory_space<hbm>>
          tpu.enqueue_dma source(%dma_start3A_532 : memref<4x128xi32, #tpu.memory_space<hbm>>) target(%dma_start3A_530 : memref<4x128xi32, #tpu.memory_space<vmem>>) target_semaphore(%run_scoped3A_520 : memref<!tpu.dma_semaphore, #tpu.memory_space<semaphore_mem>>)
          %dma_wait3A_533 = arith.constant 0 : i32
          %dma_wait3A_534 = arith.constant 0 : i32
          %dma_wait3A_535 = tpu.memref_slice %arg6[%run_scoped3A_463, %dma_wait3A_533, %dma_wait3A_534] : memref<2x4x128xi32, #tpu.memory_space<vmem>> -> memref<1x4x128xi32, #tpu.memory_space<vmem>>
          %dma_wait3A_536 = tpu.memref_squeeze %dma_wait3A_535 : memref<1x4x128xi32, #tpu.memory_space<vmem>> -> memref<4x128xi32, #tpu.memory_space<vmem>>
          %dma_wait3A_537 = arith.constant 0 : i32
          %dma_wait3A_538 = tpu.memref_slice %arg2[%add3A_462, %dma_wait3A_537] : memref<25600x128xi32, #tpu.memory_space<hbm>> -> memref<4x128xi32, #tpu.memory_space<hbm>>
          %dma_wait3A_539 = arith.constant 0 : i32
          %dma_wait3A_540 = arith.constant 0 : i32
          %dma_wait3A_541 = tpu.memref_slice %arg6[%run_scoped3A_463, %dma_wait3A_539, %dma_wait3A_540] : memref<2x4x128xi32, #tpu.memory_space<vmem>> -> memref<1x4x128xi32, #tpu.memory_space<vmem>>
          %dma_wait3A_542 = tpu.memref_squeeze %dma_wait3A_541 : memref<1x4x128xi32, #tpu.memory_space<vmem>> -> memref<4x128xi32, #tpu.memory_space<vmem>>
          %dma_wait3A_543 = arith.constant 0 : i32
          %dma_wait3A_544 = tpu.memref_slice %arg2[%add3A_462, %dma_wait3A_543] : memref<25600x128xi32, #tpu.memory_space<hbm>> -> memref<4x128xi32, #tpu.memory_space<hbm>>
          tpu.wait_dma2 semaphore(%run_scoped3A_520 : memref<!tpu.dma_semaphore, #tpu.memory_space<semaphore_mem>>) src(%dma_wait3A_544 : memref<4x128xi32, #tpu.memory_space<hbm>>) dst(%dma_wait3A_542 : memref<4x128xi32, #tpu.memory_space<vmem>>)
          tpu.yield
        }) : () -> ()
        %dma_start3A_464 = arith.constant 0 : i32
        %dma_start3A_465 = arith.constant 0 : i32
        %dma_start3A_466 = arith.constant 0 : i32
        %dma_start3A_467 = arith.constant 0 : i32
        %dma_start3A_468 = arith.constant 0 : i32
        %dma_start3A_469 = arith.constant 0 : i32
        %dma_start3A_470 = tpu.memref_slice %arg7[%dma_start3A_466, %dma_start3A_467, %dma_start3A_468, %dma_start3A_469] : memref<2x4x128x64xf32, #tpu.memory_space<vmem>> -> memref<1x1x128x64xf32, #tpu.memory_space<vmem>>
        %dma_start3A_471 = tpu.memref_squeeze %dma_start3A_470 : memref<1x1x128x64xf32, #tpu.memory_space<vmem>> -> memref<128x64xf32, #tpu.memory_space<vmem>>
        %dma_start3A_472 = arith.constant 0 : i32
        %dma_start3A_473 = tpu.memref_slice %arg6[%dma_start3A_464, %dma_start3A_465, %dma_start3A_472] : memref<2x4x128xi32, #tpu.memory_space<vmem>> -> memref<1x1x128xi32, #tpu.memory_space<vmem>>
        %dma_start3A_474 = tpu.memref_squeeze %dma_start3A_473 : memref<1x1x128xi32, #tpu.memory_space<vmem>> -> memref<128xi32, #tpu.memory_space<vmem>>
        %dma_start3A_475 = arith.constant 0 : i32
        %dma_start3A_476 = arith.constant 0 : i32
        %dma_start3A_477 = tpu.memref_slice %arg5[%dma_start3A_475, %dma_start3A_476] : memref<457x64xf32, #tpu.memory_space<vmem_shared>> -> memref<457x64xf32, #tpu.memory_space<vmem_shared>>
        tpu.enqueue_indirect_dma source(%dma_start3A_477 : memref<457x64xf32, #tpu.memory_space<vmem_shared>>) target(%dma_start3A_471 : memref<128x64xf32, #tpu.memory_space<vmem>>) offsets(%dma_start3A_474 : memref<128xi32, #tpu.memory_space<vmem>>) semaphore(%arg8 : memref<!tpu.dma_semaphore, #tpu.memory_space<semaphore_mem>>)
        %dma_start3A_478 = arith.constant 0 : i32
        %dma_start3A_479 = arith.constant 1 : i32
        %dma_start3A_480 = arith.constant 0 : i32
        %dma_start3A_481 = arith.constant 1 : i32
        %dma_start3A_482 = arith.constant 0 : i32
        %dma_start3A_483 = arith.constant 0 : i32
        %dma_start3A_484 = tpu.memref_slice %arg7[%dma_start3A_480, %dma_start3A_481, %dma_start3A_482, %dma_start3A_483] : memref<2x4x128x64xf32, #tpu.memory_space<vmem>> -> memref<1x1x128x64xf32, #tpu.memory_space<vmem>>
        %dma_start3A_485 = tpu.memref_squeeze %dma_start3A_484 : memref<1x1x128x64xf32, #tpu.memory_space<vmem>> -> memref<128x64xf32, #tpu.memory_space<vmem>>
        %dma_start3A_486 = arith.constant 0 : i32
        %dma_start3A_487 = tpu.memref_slice %arg6[%dma_start3A_478, %dma_start3A_479, %dma_start3A_486] : memref<2x4x128xi32, #tpu.memory_space<vmem>> -> memref<1x1x128xi32, #tpu.memory_space<vmem>>
        %dma_start3A_488 = tpu.memref_squeeze %dma_start3A_487 : memref<1x1x128xi32, #tpu.memory_space<vmem>> -> memref<128xi32, #tpu.memory_space<vmem>>
        %dma_start3A_489 = arith.constant 0 : i32
        %dma_start3A_490 = arith.constant 0 : i32
        %dma_start3A_491 = tpu.memref_slice %arg5[%dma_start3A_489, %dma_start3A_490] : memref<457x64xf32, #tpu.memory_space<vmem_shared>> -> memref<457x64xf32, #tpu.memory_space<vmem_shared>>
        tpu.enqueue_indirect_dma source(%dma_start3A_491 : memref<457x64xf32, #tpu.memory_space<vmem_shared>>) target(%dma_start3A_485 : memref<128x64xf32, #tpu.memory_space<vmem>>) offsets(%dma_start3A_488 : memref<128xi32, #tpu.memory_space<vmem>>) semaphore(%arg8 : memref<!tpu.dma_semaphore, #tpu.memory_space<semaphore_mem>>)
        %dma_start3A_492 = arith.constant 0 : i32
        %dma_start3A_493 = arith.constant 2 : i32
        %dma_start3A_494 = arith.constant 0 : i32
        %dma_start3A_495 = arith.constant 2 : i32
        %dma_start3A_496 = arith.constant 0 : i32
        %dma_start3A_497 = arith.constant 0 : i32
        %dma_start3A_498 = tpu.memref_slice %arg7[%dma_start3A_494, %dma_start3A_495, %dma_start3A_496, %dma_start3A_497] : memref<2x4x128x64xf32, #tpu.memory_space<vmem>> -> memref<1x1x128x64xf32, #tpu.memory_space<vmem>>
        %dma_start3A_499 = tpu.memref_squeeze %dma_start3A_498 : memref<1x1x128x64xf32, #tpu.memory_space<vmem>> -> memref<128x64xf32, #tpu.memory_space<vmem>>
        %dma_start3A_500 = arith.constant 0 : i32
        %dma_start3A_501 = tpu.memref_slice %arg6[%dma_start3A_492, %dma_start3A_493, %dma_start3A_500] : memref<2x4x128xi32, #tpu.memory_space<vmem>> -> memref<1x1x128xi32, #tpu.memory_space<vmem>>
        %dma_start3A_502 = tpu.memref_squeeze %dma_start3A_501 : memref<1x1x128xi32, #tpu.memory_space<vmem>> -> memref<128xi32, #tpu.memory_space<vmem>>
        %dma_start3A_503 = arith.constant 0 : i32
        %dma_start3A_504 = arith.constant 0 : i32
        %dma_start3A_505 = tpu.memref_slice %arg5[%dma_start3A_503, %dma_start3A_504] : memref<457x64xf32, #tpu.memory_space<vmem_shared>> -> memref<457x64xf32, #tpu.memory_space<vmem_shared>>
        tpu.enqueue_indirect_dma source(%dma_start3A_505 : memref<457x64xf32, #tpu.memory_space<vmem_shared>>) target(%dma_start3A_499 : memref<128x64xf32, #tpu.memory_space<vmem>>) offsets(%dma_start3A_502 : memref<128xi32, #tpu.memory_space<vmem>>) semaphore(%arg8 : memref<!tpu.dma_semaphore, #tpu.memory_space<semaphore_mem>>)
        %dma_start3A_506 = arith.constant 0 : i32
        %dma_start3A_507 = arith.constant 3 : i32
        %dma_start3A_508 = arith.constant 0 : i32
        %dma_start3A_509 = arith.constant 3 : i32
        %dma_start3A_510 = arith.constant 0 : i32
        %dma_start3A_511 = arith.constant 0 : i32
        %dma_start3A_512 = tpu.memref_slice %arg7[%dma_start3A_508, %dma_start3A_509, %dma_start3A_510, %dma_start3A_511] : memref<2x4x128x64xf32, #tpu.memory_space<vmem>> -> memref<1x1x128x64xf32, #tpu.memory_space<vmem>>
        %dma_start3A_513 = tpu.memref_squeeze %dma_start3A_512 : memref<1x1x128x64xf32, #tpu.memory_space<vmem>> -> memref<128x64xf32, #tpu.memory_space<vmem>>
        %dma_start3A_514 = arith.constant 0 : i32
        %dma_start3A_515 = tpu.memref_slice %arg6[%dma_start3A_506, %dma_start3A_507, %dma_start3A_514] : memref<2x4x128xi32, #tpu.memory_space<vmem>> -> memref<1x1x128xi32, #tpu.memory_space<vmem>>
        %dma_start3A_516 = tpu.memref_squeeze %dma_start3A_515 : memref<1x1x128xi32, #tpu.memory_space<vmem>> -> memref<128xi32, #tpu.memory_space<vmem>>
        %dma_start3A_517 = arith.constant 0 : i32
        %dma_start3A_518 = arith.constant 0 : i32
        %dma_start3A_519 = tpu.memref_slice %arg5[%dma_start3A_517, %dma_start3A_518] : memref<457x64xf32, #tpu.memory_space<vmem_shared>> -> memref<457x64xf32, #tpu.memory_space<vmem_shared>>
        tpu.enqueue_indirect_dma source(%dma_start3A_519 : memref<457x64xf32, #tpu.memory_space<vmem_shared>>) target(%dma_start3A_513 : memref<128x64xf32, #tpu.memory_space<vmem>>) offsets(%dma_start3A_516 : memref<128xi32, #tpu.memory_space<vmem>>) semaphore(%arg8 : memref<!tpu.dma_semaphore, #tpu.memory_space<semaphore_mem>>)
      } else {
      }
      %dma_wait3A_335 = arith.constant 1 : i32
      %dma_wait3A_336 = arith.constant 0 : i32
      %dma_wait3A_337 = arith.constant 1 : i32
      %dma_wait3A_338 = arith.constant 0 : i32
      %dma_wait3A_339 = arith.constant 0 : i32
      %dma_wait3A_340 = arith.constant 0 : i32
      %dma_wait3A_341 = tpu.memref_slice %arg7[%dma_wait3A_337, %dma_wait3A_338, %dma_wait3A_339, %dma_wait3A_340] : memref<2x4x128x64xf32, #tpu.memory_space<vmem>> -> memref<1x1x128x64xf32, #tpu.memory_space<vmem>>
      %dma_wait3A_342 = tpu.memref_squeeze %dma_wait3A_341 : memref<1x1x128x64xf32, #tpu.memory_space<vmem>> -> memref<128x64xf32, #tpu.memory_space<vmem>>
      %dma_wait3A_343 = arith.constant 0 : i32
      %dma_wait3A_344 = tpu.memref_slice %arg6[%dma_wait3A_335, %dma_wait3A_336, %dma_wait3A_343] : memref<2x4x128xi32, #tpu.memory_space<vmem>> -> memref<1x1x128xi32, #tpu.memory_space<vmem>>
      %dma_wait3A_345 = tpu.memref_squeeze %dma_wait3A_344 : memref<1x1x128xi32, #tpu.memory_space<vmem>> -> memref<128xi32, #tpu.memory_space<vmem>>
      %dma_wait3A_346 = arith.constant 0 : i32
      %dma_wait3A_347 = arith.constant 0 : i32
      %dma_wait3A_348 = tpu.memref_slice %arg5[%dma_wait3A_346, %dma_wait3A_347] : memref<457x64xf32, #tpu.memory_space<vmem_shared>> -> memref<457x64xf32, #tpu.memory_space<vmem_shared>>
      tpu.wait_indirect_dma semaphore(%arg9 : memref<!tpu.dma_semaphore, #tpu.memory_space<semaphore_mem>>) src(%dma_wait3A_348 : memref<457x64xf32, #tpu.memory_space<vmem_shared>>) dst(%dma_wait3A_342 : memref<128x64xf32, #tpu.memory_space<vmem>>)
      %dma_wait3A_349 = arith.constant 1 : i32
      %dma_wait3A_350 = arith.constant 1 : i32
      %dma_wait3A_351 = arith.constant 1 : i32
      %dma_wait3A_352 = arith.constant 1 : i32
      %dma_wait3A_353 = arith.constant 0 : i32
      %dma_wait3A_354 = arith.constant 0 : i32
      %dma_wait3A_355 = tpu.memref_slice %arg7[%dma_wait3A_351, %dma_wait3A_352, %dma_wait3A_353, %dma_wait3A_354] : memref<2x4x128x64xf32, #tpu.memory_space<vmem>> -> memref<1x1x128x64xf32, #tpu.memory_space<vmem>>
      %dma_wait3A_356 = tpu.memref_squeeze %dma_wait3A_355 : memref<1x1x128x64xf32, #tpu.memory_space<vmem>> -> memref<128x64xf32, #tpu.memory_space<vmem>>
      %dma_wait3A_357 = arith.constant 0 : i32
      %dma_wait3A_358 = tpu.memref_slice %arg6[%dma_wait3A_349, %dma_wait3A_350, %dma_wait3A_357] : memref<2x4x128xi32, #tpu.memory_space<vmem>> -> memref<1x1x128xi32, #tpu.memory_space<vmem>>
      %dma_wait3A_359 = tpu.memref_squeeze %dma_wait3A_358 : memref<1x1x128xi32, #tpu.memory_space<vmem>> -> memref<128xi32, #tpu.memory_space<vmem>>
      %dma_wait3A_360 = arith.constant 0 : i32
      %dma_wait3A_361 = arith.constant 0 : i32
      %dma_wait3A_362 = tpu.memref_slice %arg5[%dma_wait3A_360, %dma_wait3A_361] : memref<457x64xf32, #tpu.memory_space<vmem_shared>> -> memref<457x64xf32, #tpu.memory_space<vmem_shared>>
      tpu.wait_indirect_dma semaphore(%arg9 : memref<!tpu.dma_semaphore, #tpu.memory_space<semaphore_mem>>) src(%dma_wait3A_362 : memref<457x64xf32, #tpu.memory_space<vmem_shared>>) dst(%dma_wait3A_356 : memref<128x64xf32, #tpu.memory_space<vmem>>)
      %dma_wait3A_363 = arith.constant 1 : i32
      %dma_wait3A_364 = arith.constant 2 : i32
      %dma_wait3A_365 = arith.constant 1 : i32
      %dma_wait3A_366 = arith.constant 2 : i32
      %dma_wait3A_367 = arith.constant 0 : i32
      %dma_wait3A_368 = arith.constant 0 : i32
      %dma_wait3A_369 = tpu.memref_slice %arg7[%dma_wait3A_365, %dma_wait3A_366, %dma_wait3A_367, %dma_wait3A_368] : memref<2x4x128x64xf32, #tpu.memory_space<vmem>> -> memref<1x1x128x64xf32, #tpu.memory_space<vmem>>
      %dma_wait3A_370 = tpu.memref_squeeze %dma_wait3A_369 : memref<1x1x128x64xf32, #tpu.memory_space<vmem>> -> memref<128x64xf32, #tpu.memory_space<vmem>>
      %dma_wait3A_371 = arith.constant 0 : i32
      %dma_wait3A_372 = tpu.memref_slice %arg6[%dma_wait3A_363, %dma_wait3A_364, %dma_wait3A_371] : memref<2x4x128xi32, #tpu.memory_space<vmem>> -> memref<1x1x128xi32, #tpu.memory_space<vmem>>
      %dma_wait3A_373 = tpu.memref_squeeze %dma_wait3A_372 : memref<1x1x128xi32, #tpu.memory_space<vmem>> -> memref<128xi32, #tpu.memory_space<vmem>>
      %dma_wait3A_374 = arith.constant 0 : i32
      %dma_wait3A_375 = arith.constant 0 : i32
      %dma_wait3A_376 = tpu.memref_slice %arg5[%dma_wait3A_374, %dma_wait3A_375] : memref<457x64xf32, #tpu.memory_space<vmem_shared>> -> memref<457x64xf32, #tpu.memory_space<vmem_shared>>
      tpu.wait_indirect_dma semaphore(%arg9 : memref<!tpu.dma_semaphore, #tpu.memory_space<semaphore_mem>>) src(%dma_wait3A_376 : memref<457x64xf32, #tpu.memory_space<vmem_shared>>) dst(%dma_wait3A_370 : memref<128x64xf32, #tpu.memory_space<vmem>>)
      %dma_wait3A_377 = arith.constant 1 : i32
      %dma_wait3A_378 = arith.constant 3 : i32
      %dma_wait3A_379 = arith.constant 1 : i32
      %dma_wait3A_380 = arith.constant 3 : i32
      %dma_wait3A_381 = arith.constant 0 : i32
      %dma_wait3A_382 = arith.constant 0 : i32
      %dma_wait3A_383 = tpu.memref_slice %arg7[%dma_wait3A_379, %dma_wait3A_380, %dma_wait3A_381, %dma_wait3A_382] : memref<2x4x128x64xf32, #tpu.memory_space<vmem>> -> memref<1x1x128x64xf32, #tpu.memory_space<vmem>>
      %dma_wait3A_384 = tpu.memref_squeeze %dma_wait3A_383 : memref<1x1x128x64xf32, #tpu.memory_space<vmem>> -> memref<128x64xf32, #tpu.memory_space<vmem>>
      %dma_wait3A_385 = arith.constant 0 : i32
      %dma_wait3A_386 = tpu.memref_slice %arg6[%dma_wait3A_377, %dma_wait3A_378, %dma_wait3A_385] : memref<2x4x128xi32, #tpu.memory_space<vmem>> -> memref<1x1x128xi32, #tpu.memory_space<vmem>>
      %dma_wait3A_387 = tpu.memref_squeeze %dma_wait3A_386 : memref<1x1x128xi32, #tpu.memory_space<vmem>> -> memref<128xi32, #tpu.memory_space<vmem>>
      %dma_wait3A_388 = arith.constant 0 : i32
      %dma_wait3A_389 = arith.constant 0 : i32
      %dma_wait3A_390 = tpu.memref_slice %arg5[%dma_wait3A_388, %dma_wait3A_389] : memref<457x64xf32, #tpu.memory_space<vmem_shared>> -> memref<457x64xf32, #tpu.memory_space<vmem_shared>>
      tpu.wait_indirect_dma semaphore(%arg9 : memref<!tpu.dma_semaphore, #tpu.memory_space<semaphore_mem>>) src(%dma_wait3A_390 : memref<457x64xf32, #tpu.memory_space<vmem_shared>>) dst(%dma_wait3A_384 : memref<128x64xf32, #tpu.memory_space<vmem>>)
      %mul3A_391 = arith.constant 256 : i32
      %mul3A_392 = arith.muli %add3A_327, %mul3A_391 : i32
      %add3A_393 = arith.addi %mul3A_6, %mul3A_392 : i32
      %add3A_394 = arith.constant 128 : i32
      %add3A_395 = arith.addi %add3A_393, %add3A_394 : i32
      %add3A_396 = arith.constant 128 : i32
      %add3A_397 = arith.addi %add3A_393, %add3A_396 : i32
      %dma_start3A_398 = arith.constant 1 : i32
      %dma_start3A_399 = arith.constant 0 : i32
      %dma_start3A_400 = arith.constant 0 : i32
      %dma_start3A_401 = arith.constant 0 : i32
      %dma_start3A_402 = tpu.memref_slice %arg7[%dma_start3A_398, %dma_start3A_399, %dma_start3A_400, %dma_start3A_401] : memref<2x4x128x64xf32, #tpu.memory_space<vmem>> -> memref<1x1x128x64xf32, #tpu.memory_space<vmem>>
      %dma_start3A_403 = tpu.memref_squeeze %dma_start3A_402 : memref<1x1x128x64xf32, #tpu.memory_space<vmem>> -> memref<128x64xf32, #tpu.memory_space<vmem>>
      %dma_start3A_404 = arith.constant 0 : i32
      %dma_start3A_405 = tpu.memref_slice %arg4[%add3A_393, %dma_start3A_404] : memref<1638400x128xf32, #tpu.memory_space<hbm>> -> memref<128x64xf32, #tpu.memory_space<hbm>>
      %dma_start3A_406 = arith.constant 0 : i32
      %dma_start3A_407 = tpu.memref_slice %arg4[%add3A_393, %dma_start3A_406] : memref<1638400x128xf32, #tpu.memory_space<hbm>> -> memref<128x64xf32, #tpu.memory_space<hbm>>
      %dma_start3A_408 = arith.constant 0 : i32
      %dma_start3A_409 = arith.constant 0 : i32
      %dma_start3A_410 = tpu.memref_slice %arg7[%dma_start3A_398, %dma_start3A_399, %dma_start3A_408, %dma_start3A_409] : memref<2x4x128x64xf32, #tpu.memory_space<vmem>> -> memref<1x1x128x64xf32, #tpu.memory_space<vmem>>
      %dma_start3A_411 = tpu.memref_squeeze %dma_start3A_410 : memref<1x1x128x64xf32, #tpu.memory_space<vmem>> -> memref<128x64xf32, #tpu.memory_space<vmem>>
      tpu.enqueue_dma source(%dma_start3A_411 : memref<128x64xf32, #tpu.memory_space<vmem>>) target(%dma_start3A_407 : memref<128x64xf32, #tpu.memory_space<hbm>>) target_semaphore(%arg11 : memref<!tpu.dma_semaphore, #tpu.memory_space<semaphore_mem>>)
      %dma_start3A_412 = arith.constant 1 : i32
      %dma_start3A_413 = arith.constant 1 : i32
      %dma_start3A_414 = arith.constant 0 : i32
      %dma_start3A_415 = arith.constant 0 : i32
      %dma_start3A_416 = tpu.memref_slice %arg7[%dma_start3A_412, %dma_start3A_413, %dma_start3A_414, %dma_start3A_415] : memref<2x4x128x64xf32, #tpu.memory_space<vmem>> -> memref<1x1x128x64xf32, #tpu.memory_space<vmem>>
      %dma_start3A_417 = tpu.memref_squeeze %dma_start3A_416 : memref<1x1x128x64xf32, #tpu.memory_space<vmem>> -> memref<128x64xf32, #tpu.memory_space<vmem>>
      %dma_start3A_418 = arith.constant 0 : i32
      %dma_start3A_419 = tpu.memref_slice %arg4[%add3A_395, %dma_start3A_418] : memref<1638400x128xf32, #tpu.memory_space<hbm>> -> memref<128x64xf32, #tpu.memory_space<hbm>>
      %dma_start3A_420 = arith.constant 0 : i32
      %dma_start3A_421 = tpu.memref_slice %arg4[%add3A_395, %dma_start3A_420] : memref<1638400x128xf32, #tpu.memory_space<hbm>> -> memref<128x64xf32, #tpu.memory_space<hbm>>
      %dma_start3A_422 = arith.constant 0 : i32
      %dma_start3A_423 = arith.constant 0 : i32
      %dma_start3A_424 = tpu.memref_slice %arg7[%dma_start3A_412, %dma_start3A_413, %dma_start3A_422, %dma_start3A_423] : memref<2x4x128x64xf32, #tpu.memory_space<vmem>> -> memref<1x1x128x64xf32, #tpu.memory_space<vmem>>
      %dma_start3A_425 = tpu.memref_squeeze %dma_start3A_424 : memref<1x1x128x64xf32, #tpu.memory_space<vmem>> -> memref<128x64xf32, #tpu.memory_space<vmem>>
      tpu.enqueue_dma source(%dma_start3A_425 : memref<128x64xf32, #tpu.memory_space<vmem>>) target(%dma_start3A_421 : memref<128x64xf32, #tpu.memory_space<hbm>>) target_semaphore(%arg11 : memref<!tpu.dma_semaphore, #tpu.memory_space<semaphore_mem>>)
      %dma_start3A_426 = arith.constant 1 : i32
      %dma_start3A_427 = arith.constant 2 : i32
      %dma_start3A_428 = arith.constant 0 : i32
      %dma_start3A_429 = arith.constant 0 : i32
      %dma_start3A_430 = tpu.memref_slice %arg7[%dma_start3A_426, %dma_start3A_427, %dma_start3A_428, %dma_start3A_429] : memref<2x4x128x64xf32, #tpu.memory_space<vmem>> -> memref<1x1x128x64xf32, #tpu.memory_space<vmem>>
      %dma_start3A_431 = tpu.memref_squeeze %dma_start3A_430 : memref<1x1x128x64xf32, #tpu.memory_space<vmem>> -> memref<128x64xf32, #tpu.memory_space<vmem>>
      %dma_start3A_432 = arith.constant 64 : i32
      %dma_start3A_433 = tpu.memref_slice %arg4[%add3A_393, %dma_start3A_432] : memref<1638400x128xf32, #tpu.memory_space<hbm>> -> memref<128x64xf32, #tpu.memory_space<hbm>>
      %dma_start3A_434 = arith.constant 64 : i32
      %dma_start3A_435 = tpu.memref_slice %arg4[%add3A_393, %dma_start3A_434] : memref<1638400x128xf32, #tpu.memory_space<hbm>> -> memref<128x64xf32, #tpu.memory_space<hbm>>
      %dma_start3A_436 = arith.constant 0 : i32
      %dma_start3A_437 = arith.constant 0 : i32
      %dma_start3A_438 = tpu.memref_slice %arg7[%dma_start3A_426, %dma_start3A_427, %dma_start3A_436, %dma_start3A_437] : memref<2x4x128x64xf32, #tpu.memory_space<vmem>> -> memref<1x1x128x64xf32, #tpu.memory_space<vmem>>
      %dma_start3A_439 = tpu.memref_squeeze %dma_start3A_438 : memref<1x1x128x64xf32, #tpu.memory_space<vmem>> -> memref<128x64xf32, #tpu.memory_space<vmem>>
      tpu.enqueue_dma source(%dma_start3A_439 : memref<128x64xf32, #tpu.memory_space<vmem>>) target(%dma_start3A_435 : memref<128x64xf32, #tpu.memory_space<hbm>>) target_semaphore(%arg11 : memref<!tpu.dma_semaphore, #tpu.memory_space<semaphore_mem>>)
      %dma_start3A_440 = arith.constant 1 : i32
      %dma_start3A_441 = arith.constant 3 : i32
      %dma_start3A_442 = arith.constant 0 : i32
      %dma_start3A_443 = arith.constant 0 : i32
      %dma_start3A_444 = tpu.memref_slice %arg7[%dma_start3A_440, %dma_start3A_441, %dma_start3A_442, %dma_start3A_443] : memref<2x4x128x64xf32, #tpu.memory_space<vmem>> -> memref<1x1x128x64xf32, #tpu.memory_space<vmem>>
      %dma_start3A_445 = tpu.memref_squeeze %dma_start3A_444 : memref<1x1x128x64xf32, #tpu.memory_space<vmem>> -> memref<128x64xf32, #tpu.memory_space<vmem>>
      %dma_start3A_446 = arith.constant 64 : i32
      %dma_start3A_447 = tpu.memref_slice %arg4[%add3A_397, %dma_start3A_446] : memref<1638400x128xf32, #tpu.memory_space<hbm>> -> memref<128x64xf32, #tpu.memory_space<hbm>>
      %dma_start3A_448 = arith.constant 64 : i32
      %dma_start3A_449 = tpu.memref_slice %arg4[%add3A_397, %dma_start3A_448] : memref<1638400x128xf32, #tpu.memory_space<hbm>> -> memref<128x64xf32, #tpu.memory_space<hbm>>
      %dma_start3A_450 = arith.constant 0 : i32
      %dma_start3A_451 = arith.constant 0 : i32
      %dma_start3A_452 = tpu.memref_slice %arg7[%dma_start3A_440, %dma_start3A_441, %dma_start3A_450, %dma_start3A_451] : memref<2x4x128x64xf32, #tpu.memory_space<vmem>> -> memref<1x1x128x64xf32, #tpu.memory_space<vmem>>
      %dma_start3A_453 = tpu.memref_squeeze %dma_start3A_452 : memref<1x1x128x64xf32, #tpu.memory_space<vmem>> -> memref<128x64xf32, #tpu.memory_space<vmem>>
      tpu.enqueue_dma source(%dma_start3A_453 : memref<128x64xf32, #tpu.memory_space<vmem>>) target(%dma_start3A_449 : memref<128x64xf32, #tpu.memory_space<hbm>>) target_semaphore(%arg11 : memref<!tpu.dma_semaphore, #tpu.memory_space<semaphore_mem>>)
    }
    %scan3A_70 = arith.constant 100 : i32
    %add3A_71 = arith.constant 50944 : i32
    %add3A_72 = arith.addi %mul3A_6, %add3A_71 : i32
    %add3A_73 = arith.constant 128 : i32
    %add3A_74 = arith.addi %add3A_72, %add3A_73 : i32
    %add3A_75 = arith.constant 128 : i32
    %add3A_76 = arith.addi %add3A_72, %add3A_75 : i32
    %dma_wait3A = arith.constant 1 : i32
    %dma_wait3A_77 = arith.constant 0 : i32
    %dma_wait3A_78 = arith.constant 0 : i32
    %dma_wait3A_79 = arith.constant 0 : i32
    %dma_wait3A_80 = tpu.memref_slice %arg7[%dma_wait3A, %dma_wait3A_77, %dma_wait3A_78, %dma_wait3A_79] : memref<2x4x128x64xf32, #tpu.memory_space<vmem>> -> memref<1x1x128x64xf32, #tpu.memory_space<vmem>>
    %dma_wait3A_81 = tpu.memref_squeeze %dma_wait3A_80 : memref<1x1x128x64xf32, #tpu.memory_space<vmem>> -> memref<128x64xf32, #tpu.memory_space<vmem>>
    %dma_wait3A_82 = arith.constant 0 : i32
    %dma_wait3A_83 = tpu.memref_slice %arg4[%add3A_72, %dma_wait3A_82] : memref<1638400x128xf32, #tpu.memory_space<hbm>> -> memref<128x64xf32, #tpu.memory_space<hbm>>
    %dma_wait3A_84 = arith.constant 0 : i32
    %dma_wait3A_85 = tpu.memref_slice %arg4[%add3A_72, %dma_wait3A_84] : memref<1638400x128xf32, #tpu.memory_space<hbm>> -> memref<128x64xf32, #tpu.memory_space<hbm>>
    %dma_wait3A_86 = arith.constant 0 : i32
    %dma_wait3A_87 = arith.constant 0 : i32
    %dma_wait3A_88 = tpu.memref_slice %arg7[%dma_wait3A, %dma_wait3A_77, %dma_wait3A_86, %dma_wait3A_87] : memref<2x4x128x64xf32, #tpu.memory_space<vmem>> -> memref<1x1x128x64xf32, #tpu.memory_space<vmem>>
    %dma_wait3A_89 = tpu.memref_squeeze %dma_wait3A_88 : memref<1x1x128x64xf32, #tpu.memory_space<vmem>> -> memref<128x64xf32, #tpu.memory_space<vmem>>
    tpu.wait_dma2 semaphore(%arg11 : memref<!tpu.dma_semaphore, #tpu.memory_space<semaphore_mem>>) src(%dma_wait3A_89 : memref<128x64xf32, #tpu.memory_space<vmem>>) dst(%dma_wait3A_85 : memref<128x64xf32, #tpu.memory_space<hbm>>)
    %dma_wait3A_90 = arith.constant 1 : i32
    %dma_wait3A_91 = arith.constant 1 : i32
    %dma_wait3A_92 = arith.constant 0 : i32
    %dma_wait3A_93 = arith.constant 0 : i32
    %dma_wait3A_94 = tpu.memref_slice %arg7[%dma_wait3A_90, %dma_wait3A_91, %dma_wait3A_92, %dma_wait3A_93] : memref<2x4x128x64xf32, #tpu.memory_space<vmem>> -> memref<1x1x128x64xf32, #tpu.memory_space<vmem>>
    %dma_wait3A_95 = tpu.memref_squeeze %dma_wait3A_94 : memref<1x1x128x64xf32, #tpu.memory_space<vmem>> -> memref<128x64xf32, #tpu.memory_space<vmem>>
    %dma_wait3A_96 = arith.constant 0 : i32
    %dma_wait3A_97 = tpu.memref_slice %arg4[%add3A_74, %dma_wait3A_96] : memref<1638400x128xf32, #tpu.memory_space<hbm>> -> memref<128x64xf32, #tpu.memory_space<hbm>>
    %dma_wait3A_98 = arith.constant 0 : i32
    %dma_wait3A_99 = tpu.memref_slice %arg4[%add3A_74, %dma_wait3A_98] : memref<1638400x128xf32, #tpu.memory_space<hbm>> -> memref<128x64xf32, #tpu.memory_space<hbm>>
    %dma_wait3A_100 = arith.constant 0 : i32
    %dma_wait3A_101 = arith.constant 0 : i32
    %dma_wait3A_102 = tpu.memref_slice %arg7[%dma_wait3A_90, %dma_wait3A_91, %dma_wait3A_100, %dma_wait3A_101] : memref<2x4x128x64xf32, #tpu.memory_space<vmem>> -> memref<1x1x128x64xf32, #tpu.memory_space<vmem>>
    %dma_wait3A_103 = tpu.memref_squeeze %dma_wait3A_102 : memref<1x1x128x64xf32, #tpu.memory_space<vmem>> -> memref<128x64xf32, #tpu.memory_space<vmem>>
    tpu.wait_dma2 semaphore(%arg11 : memref<!tpu.dma_semaphore, #tpu.memory_space<semaphore_mem>>) src(%dma_wait3A_103 : memref<128x64xf32, #tpu.memory_space<vmem>>) dst(%dma_wait3A_99 : memref<128x64xf32, #tpu.memory_space<hbm>>)
    %dma_wait3A_104 = arith.constant 1 : i32
    %dma_wait3A_105 = arith.constant 2 : i32
    %dma_wait3A_106 = arith.constant 0 : i32
    %dma_wait3A_107 = arith.constant 0 : i32
    %dma_wait3A_108 = tpu.memref_slice %arg7[%dma_wait3A_104, %dma_wait3A_105, %dma_wait3A_106, %dma_wait3A_107] : memref<2x4x128x64xf32, #tpu.memory_space<vmem>> -> memref<1x1x128x64xf32, #tpu.memory_space<vmem>>
    %dma_wait3A_109 = tpu.memref_squeeze %dma_wait3A_108 : memref<1x1x128x64xf32, #tpu.memory_space<vmem>> -> memref<128x64xf32, #tpu.memory_space<vmem>>
    %dma_wait3A_110 = arith.constant 64 : i32
    %dma_wait3A_111 = tpu.memref_slice %arg4[%add3A_72, %dma_wait3A_110] : memref<1638400x128xf32, #tpu.memory_space<hbm>> -> memref<128x64xf32, #tpu.memory_space<hbm>>
    %dma_wait3A_112 = arith.constant 64 : i32
    %dma_wait3A_113 = tpu.memref_slice %arg4[%add3A_72, %dma_wait3A_112] : memref<1638400x128xf32, #tpu.memory_space<hbm>> -> memref<128x64xf32, #tpu.memory_space<hbm>>
    %dma_wait3A_114 = arith.constant 0 : i32
    %dma_wait3A_115 = arith.constant 0 : i32
    %dma_wait3A_116 = tpu.memref_slice %arg7[%dma_wait3A_104, %dma_wait3A_105, %dma_wait3A_114, %dma_wait3A_115] : memref<2x4x128x64xf32, #tpu.memory_space<vmem>> -> memref<1x1x128x64xf32, #tpu.memory_space<vmem>>
    %dma_wait3A_117 = tpu.memref_squeeze %dma_wait3A_116 : memref<1x1x128x64xf32, #tpu.memory_space<vmem>> -> memref<128x64xf32, #tpu.memory_space<vmem>>
    tpu.wait_dma2 semaphore(%arg11 : memref<!tpu.dma_semaphore, #tpu.memory_space<semaphore_mem>>) src(%dma_wait3A_117 : memref<128x64xf32, #tpu.memory_space<vmem>>) dst(%dma_wait3A_113 : memref<128x64xf32, #tpu.memory_space<hbm>>)
    %dma_wait3A_118 = arith.constant 1 : i32
    %dma_wait3A_119 = arith.constant 3 : i32
    %dma_wait3A_120 = arith.constant 0 : i32
    %dma_wait3A_121 = arith.constant 0 : i32
    %dma_wait3A_122 = tpu.memref_slice %arg7[%dma_wait3A_118, %dma_wait3A_119, %dma_wait3A_120, %dma_wait3A_121] : memref<2x4x128x64xf32, #tpu.memory_space<vmem>> -> memref<1x1x128x64xf32, #tpu.memory_space<vmem>>
    %dma_wait3A_123 = tpu.memref_squeeze %dma_wait3A_122 : memref<1x1x128x64xf32, #tpu.memory_space<vmem>> -> memref<128x64xf32, #tpu.memory_space<vmem>>
    %dma_wait3A_124 = arith.constant 64 : i32
    %dma_wait3A_125 = tpu.memref_slice %arg4[%add3A_76, %dma_wait3A_124] : memref<1638400x128xf32, #tpu.memory_space<hbm>> -> memref<128x64xf32, #tpu.memory_space<hbm>>
    %dma_wait3A_126 = arith.constant 64 : i32
    %dma_wait3A_127 = tpu.memref_slice %arg4[%add3A_76, %dma_wait3A_126] : memref<1638400x128xf32, #tpu.memory_space<hbm>> -> memref<128x64xf32, #tpu.memory_space<hbm>>
    %dma_wait3A_128 = arith.constant 0 : i32
    %dma_wait3A_129 = arith.constant 0 : i32
    %dma_wait3A_130 = tpu.memref_slice %arg7[%dma_wait3A_118, %dma_wait3A_119, %dma_wait3A_128, %dma_wait3A_129] : memref<2x4x128x64xf32, #tpu.memory_space<vmem>> -> memref<1x1x128x64xf32, #tpu.memory_space<vmem>>
    %dma_wait3A_131 = tpu.memref_squeeze %dma_wait3A_130 : memref<1x1x128x64xf32, #tpu.memory_space<vmem>> -> memref<128x64xf32, #tpu.memory_space<vmem>>
    tpu.wait_dma2 semaphore(%arg11 : memref<!tpu.dma_semaphore, #tpu.memory_space<semaphore_mem>>) src(%dma_wait3A_131 : memref<128x64xf32, #tpu.memory_space<vmem>>) dst(%dma_wait3A_127 : memref<128x64xf32, #tpu.memory_space<hbm>>)
    %add3A_132 = arith.constant 50688 : i32
    %add3A_133 = arith.addi %mul3A_6, %add3A_132 : i32
    %add3A_134 = arith.constant 128 : i32
    %add3A_135 = arith.addi %add3A_133, %add3A_134 : i32
    %add3A_136 = arith.constant 128 : i32
    %add3A_137 = arith.addi %add3A_133, %add3A_136 : i32
    %dma_wait3A_138 = arith.constant 0 : i32
    %dma_wait3A_139 = arith.constant 0 : i32
    %dma_wait3A_140 = arith.constant 0 : i32
    %dma_wait3A_141 = arith.constant 0 : i32
    %dma_wait3A_142 = tpu.memref_slice %arg7[%dma_wait3A_138, %dma_wait3A_139, %dma_wait3A_140, %dma_wait3A_141] : memref<2x4x128x64xf32, #tpu.memory_space<vmem>> -> memref<1x1x128x64xf32, #tpu.memory_space<vmem>>
    %dma_wait3A_143 = tpu.memref_squeeze %dma_wait3A_142 : memref<1x1x128x64xf32, #tpu.memory_space<vmem>> -> memref<128x64xf32, #tpu.memory_space<vmem>>
    %dma_wait3A_144 = arith.constant 0 : i32
    %dma_wait3A_145 = tpu.memref_slice %arg4[%add3A_133, %dma_wait3A_144] : memref<1638400x128xf32, #tpu.memory_space<hbm>> -> memref<128x64xf32, #tpu.memory_space<hbm>>
    %dma_wait3A_146 = arith.constant 0 : i32
    %dma_wait3A_147 = tpu.memref_slice %arg4[%add3A_133, %dma_wait3A_146] : memref<1638400x128xf32, #tpu.memory_space<hbm>> -> memref<128x64xf32, #tpu.memory_space<hbm>>
    %dma_wait3A_148 = arith.constant 0 : i32
    %dma_wait3A_149 = arith.constant 0 : i32
    %dma_wait3A_150 = tpu.memref_slice %arg7[%dma_wait3A_138, %dma_wait3A_139, %dma_wait3A_148, %dma_wait3A_149] : memref<2x4x128x64xf32, #tpu.memory_space<vmem>> -> memref<1x1x128x64xf32, #tpu.memory_space<vmem>>
    %dma_wait3A_151 = tpu.memref_squeeze %dma_wait3A_150 : memref<1x1x128x64xf32, #tpu.memory_space<vmem>> -> memref<128x64xf32, #tpu.memory_space<vmem>>
    tpu.wait_dma2 semaphore(%arg10 : memref<!tpu.dma_semaphore, #tpu.memory_space<semaphore_mem>>) src(%dma_wait3A_151 : memref<128x64xf32, #tpu.memory_space<vmem>>) dst(%dma_wait3A_147 : memref<128x64xf32, #tpu.memory_space<hbm>>)
    %dma_wait3A_152 = arith.constant 0 : i32
    %dma_wait3A_153 = arith.constant 1 : i32
    %dma_wait3A_154 = arith.constant 0 : i32
    %dma_wait3A_155 = arith.constant 0 : i32
    %dma_wait3A_156 = tpu.memref_slice %arg7[%dma_wait3A_152, %dma_wait3A_153, %dma_wait3A_154, %dma_wait3A_155] : memref<2x4x128x64xf32, #tpu.memory_space<vmem>> -> memref<1x1x128x64xf32, #tpu.memory_space<vmem>>
    %dma_wait3A_157 = tpu.memref_squeeze %dma_wait3A_156 : memref<1x1x128x64xf32, #tpu.memory_space<vmem>> -> memref<128x64xf32, #tpu.memory_space<vmem>>
    %dma_wait3A_158 = arith.constant 0 : i32
    %dma_wait3A_159 = tpu.memref_slice %arg4[%add3A_135, %dma_wait3A_158] : memref<1638400x128xf32, #tpu.memory_space<hbm>> -> memref<128x64xf32, #tpu.memory_space<hbm>>
    %dma_wait3A_160 = arith.constant 0 : i32
    %dma_wait3A_161 = tpu.memref_slice %arg4[%add3A_135, %dma_wait3A_160] : memref<1638400x128xf32, #tpu.memory_space<hbm>> -> memref<128x64xf32, #tpu.memory_space<hbm>>
    %dma_wait3A_162 = arith.constant 0 : i32
    %dma_wait3A_163 = arith.constant 0 : i32
    %dma_wait3A_164 = tpu.memref_slice %arg7[%dma_wait3A_152, %dma_wait3A_153, %dma_wait3A_162, %dma_wait3A_163] : memref<2x4x128x64xf32, #tpu.memory_space<vmem>> -> memref<1x1x128x64xf32, #tpu.memory_space<vmem>>
    %dma_wait3A_165 = tpu.memref_squeeze %dma_wait3A_164 : memref<1x1x128x64xf32, #tpu.memory_space<vmem>> -> memref<128x64xf32, #tpu.memory_space<vmem>>
    tpu.wait_dma2 semaphore(%arg10 : memref<!tpu.dma_semaphore, #tpu.memory_space<semaphore_mem>>) src(%dma_wait3A_165 : memref<128x64xf32, #tpu.memory_space<vmem>>) dst(%dma_wait3A_161 : memref<128x64xf32, #tpu.memory_space<hbm>>)
    %dma_wait3A_166 = arith.constant 0 : i32
    %dma_wait3A_167 = arith.constant 2 : i32
    %dma_wait3A_168 = arith.constant 0 : i32
    %dma_wait3A_169 = arith.constant 0 : i32
    %dma_wait3A_170 = tpu.memref_slice %arg7[%dma_wait3A_166, %dma_wait3A_167, %dma_wait3A_168, %dma_wait3A_169] : memref<2x4x128x64xf32, #tpu.memory_space<vmem>> -> memref<1x1x128x64xf32, #tpu.memory_space<vmem>>
    %dma_wait3A_171 = tpu.memref_squeeze %dma_wait3A_170 : memref<1x1x128x64xf32, #tpu.memory_space<vmem>> -> memref<128x64xf32, #tpu.memory_space<vmem>>
    %dma_wait3A_172 = arith.constant 64 : i32
    %dma_wait3A_173 = tpu.memref_slice %arg4[%add3A_133, %dma_wait3A_172] : memref<1638400x128xf32, #tpu.memory_space<hbm>> -> memref<128x64xf32, #tpu.memory_space<hbm>>
    %dma_wait3A_174 = arith.constant 64 : i32
    %dma_wait3A_175 = tpu.memref_slice %arg4[%add3A_133, %dma_wait3A_174] : memref<1638400x128xf32, #tpu.memory_space<hbm>> -> memref<128x64xf32, #tpu.memory_space<hbm>>
    %dma_wait3A_176 = arith.constant 0 : i32
    %dma_wait3A_177 = arith.constant 0 : i32
    %dma_wait3A_178 = tpu.memref_slice %arg7[%dma_wait3A_166, %dma_wait3A_167, %dma_wait3A_176, %dma_wait3A_177] : memref<2x4x128x64xf32, #tpu.memory_space<vmem>> -> memref<1x1x128x64xf32, #tpu.memory_space<vmem>>
    %dma_wait3A_179 = tpu.memref_squeeze %dma_wait3A_178 : memref<1x1x128x64xf32, #tpu.memory_space<vmem>> -> memref<128x64xf32, #tpu.memory_space<vmem>>
    tpu.wait_dma2 semaphore(%arg10 : memref<!tpu.dma_semaphore, #tpu.memory_space<semaphore_mem>>) src(%dma_wait3A_179 : memref<128x64xf32, #tpu.memory_space<vmem>>) dst(%dma_wait3A_175 : memref<128x64xf32, #tpu.memory_space<hbm>>)
    %dma_wait3A_180 = arith.constant 0 : i32
    %dma_wait3A_181 = arith.constant 3 : i32
    %dma_wait3A_182 = arith.constant 0 : i32
    %dma_wait3A_183 = arith.constant 0 : i32
    %dma_wait3A_184 = tpu.memref_slice %arg7[%dma_wait3A_180, %dma_wait3A_181, %dma_wait3A_182, %dma_wait3A_183] : memref<2x4x128x64xf32, #tpu.memory_space<vmem>> -> memref<1x1x128x64xf32, #tpu.memory_space<vmem>>
    %dma_wait3A_185 = tpu.memref_squeeze %dma_wait3A_184 : memref<1x1x128x64xf32, #tpu.memory_space<vmem>> -> memref<128x64xf32, #tpu.memory_space<vmem>>
    %dma_wait3A_186 = arith.constant 64 : i32
    %dma_wait3A_187 = tpu.memref_slice %arg4[%add3A_137, %dma_wait3A_186] : memref<1638400x128xf32, #tpu.memory_space<hbm>> -> memref<128x64xf32, #tpu.memory_space<hbm>>
    %dma_wait3A_188 = arith.constant 64 : i32
    %dma_wait3A_189 = tpu.memref_slice %arg4[%add3A_137, %dma_wait3A_188] : memref<1638400x128xf32, #tpu.memory_space<hbm>> -> memref<128x64xf32, #tpu.memory_space<hbm>>
    %dma_wait3A_190 = arith.constant 0 : i32
    %dma_wait3A_191 = arith.constant 0 : i32
    %dma_wait3A_192 = tpu.memref_slice %arg7[%dma_wait3A_180, %dma_wait3A_181, %dma_wait3A_190, %dma_wait3A_191] : memref<2x4x128x64xf32, #tpu.memory_space<vmem>> -> memref<1x1x128x64xf32, #tpu.memory_space<vmem>>
    %dma_wait3A_193 = tpu.memref_squeeze %dma_wait3A_192 : memref<1x1x128x64xf32, #tpu.memory_space<vmem>> -> memref<128x64xf32, #tpu.memory_space<vmem>>
    tpu.wait_dma2 semaphore(%arg10 : memref<!tpu.dma_semaphore, #tpu.memory_space<semaphore_mem>>) src(%dma_wait3A_193 : memref<128x64xf32, #tpu.memory_space<vmem>>) dst(%dma_wait3A_189 : memref<128x64xf32, #tpu.memory_space<hbm>>)
    return
  }
}

module attributes {stable_mosaic.version = 14 : i64} {
  func.func @body(%arg0: i32, %arg1: i32, %arg2: memref<1x4096x128xf32, #tpu.memory_space<vmem>>, %arg3: memref<128x4096xf32, #tpu.memory_space<vmem>>) attributes {dimension_semantics = [#tpu.dimension_semantics<arbitrary>, #tpu.dimension_semantics<arbitrary>], iteration_bounds = array<i64: 100, 4>, scalar_prefetch = 0 : i64, scratch_operands = 0 : i64, tpu.core_type = #tpu.core_type<tc>, window_params = [{transform_indices = @transform_0, window_bounds = array<i64: 1, 4096, 128>}, {transform_indices = @transform_1, window_bounds = array<i64: 128, 4096>}]} {
    %get3A = arith.constant 0 : index
    %get3A_0 = arith.constant 0 : index
    %get3A_1 = arith.constant 0 : index
    %get3A_2 = vector.load %arg2[%get3A, %get3A_0, %get3A_1] : memref<1x4096x128xf32, #tpu.memory_space<vmem>>, vector<1x4096x128xf32>
    %get3A_3 = vector.shape_cast %get3A_2 : vector<1x4096x128xf32> to vector<4096x128xf32>
    %transpose3A = tpu.transpose %get3A_3, [1, 0] : vector<4096x128xf32> -> vector<128x4096xf32>
    %swap3A = arith.constant 0 : index
    %swap3A_4 = arith.constant 0 : index
    %swap3A_5 = vector.load %arg3[%swap3A, %swap3A_4] : memref<128x4096xf32, #tpu.memory_space<vmem>>, vector<128x4096xf32>
    tpu.vector_store %arg3[%swap3A, %swap3A_4], %transpose3A {strides = array<i32>} : memref<128x4096xf32, #tpu.memory_space<vmem>>, vector<128x4096xf32>,
    return
  }
  func.func @transform_0(%arg0: i32, %arg1: i32) -> (i32, i32, i32) {
    %c0_i32 = arith.constant 0 : i32
    %c0_i32_0 = arith.constant 0 : i32
    return %arg0, %arg1, %c0_i32 : i32, i32, i32
  }
  func.func @transform_1(%arg0: i32, %arg1: i32) -> (i32, i32) {
    %c0_i32 = arith.constant 0 : i32
    return %arg0, %arg1 : i32, i32
  }
}

</mosaic_0001>

<sc_bundles>
// kernel: kernel.6.cloned.1.call-start
scs
__scs_entry_jumppad:
0x0: {  	(pc) =	sbr.rel $0x88, $3  }
0x1: {  	(tag) =	ssettag $0x0;
	lr =	simm.s32 $0x1  }
0x2: {  	[smem:$0x3F9D] =	sst lr;
	_ =	strace $0xD0000000  }
0x3: {  	_ = 	snop  }
0x4: {  	_ = 	snop  }
0x5: {  	_ = 	snop  }
0x6: {  	_ = 	snop  }
0x7: {  	_ = 	snop  }
__scs_overlays_trampoline_lowered:
0x8: {  	[smem:$0x3FAC] =	sst s0  }
0x9: {  	[smem:$0x3FAD] =	sst s1  }
0xa: {  	[smem:$0x3FAE] =	sst s2  }
0xb: {  	[smem:$0x3FAF] =	sst s3  }
0xc: {  	[smem:$0x3FB0] =	sst s4  }
0xd: {  	[smem:$0x3FB1] =	sst s5  }
0xe: {  	[smem:$0x3FB2] =	sst s6  }
0xf: {  	[smem:$0x3FB3] =	sst s7  }
0x10: {  	[smem:$0x3FB4] =	sst s8  }
0x11: {  	[smem:$0x3FB5] =	sst s9;
	s0 =	simm.s32 @!p0 $0x0  }
0x12: {  	s1 =	sld [smem:$0x3F9B];
	s0 =	simm.s32 @p0 $0x1  }
0x13: {  	[smem:$0x3FB6] =	sst s0;
	s0 =	simm.s32 @!p1 $0x0  }
0x14: {  	s2 =	sld [smem:$0x3F9A];
	s0 =	simm.s32 @p1 $0x1  }
0x15: {  	[smem:$0x3FB7] =	sst s0;
	s0 =	simm.s32 @!p2 $0x0  }
0x16: {  	s3 =	sld [smem:$0x3FDB];
	s0 =	simm.s32 @p2 $0x1  }
0x17: {  	s4 =	simm.s32 $0x1BF5;
	[smem:$0x3FB9] =	sst s0  }
0x18: {  	s0 =	sld [smem:$0x3F9C];
	_ =	swait.ge [sflag:s4], $0x0  }
0x19: {  	s7 =	sld [smem:$0x3F9D]  }
0x1a: {  	s8 =	sadd.s32 $0xFFFFE003, lr  }
0x1b: {  	s9 =	sadd.s32 $0xFFFFFEF7, lr;
	s5 =	simm.s32 $0xFFFFFFFF;
	p2 =	slt.u32 s8, $0xFFFFF086  }
0x1c: {  	p1 =	slt.u32 s9, $0xF7A;
	s5 =	simm.s32 @!p2 $0x0  }
0x1d: {  	s5 =	simm.s32 @p1 $0x1;
	p0 =	seq.s32 s7, s2  }
0x1e: {  	s7 =	smul.u32 @!p0 $0xF7A, s2;
	p2 =	seq.s32 @!p0 s5, $0x0  }
0x1f: {  	s9 =	smul.u32 $0xF7A, s1;
	s8 =	simm.s32 @!p0 $0x1BF5;
	p2 =	por !p2, p0  }
0x20: {  	[sflag:s8] =	ssyncset.s32 @!p0 $0xFFFFF086;
	s6 =	sadd.s32 @!p0 s3, s7;
	s7 =	simm.s32 @!p0 $0x108  }
0x21: {  	s3 =	sadd.s32 s3, s9;
	s6 =	sadd.s32 @!p0 $0x88, s6;
	s7 =	simm.s32 @p2 $0x1082  }
0x22: {  	[simem:s7], [sflag:s8] =	dma.local @!p0 [hbm:s6], $0xF7A  }
0x23: {  	s9 =	sor.u32 $0xD0000000, s2;
	s6 =	simm.s32 $0x108;
	_ =	swait.ge @!p0 [sflag:s8], $0x0  }
0x24: {  	s3 =	sadd.s32 $0x88, s3;
	s6 =	simm.s32 @!p1 $0x1082;
	[sflag:s4] =	ssyncset.s32 $0xFFFFF086  }
0x25: {  	[simem:s6], [sflag:s4] =	dma.local [hbm:s3], $0xF7A  }
0x26: {  	[smem:$0x3F9D] =	sst s1;
	(tag) =	ssettag s2;
	_ =	strace s9  }
0x27: {  	s1 =	sld [smem:$0x3FAD]  }
0x28: {  	s2 =	sld [smem:$0x3FAE]  }
0x29: {  	s4 =	sld [smem:$0x3FB0]  }
0x2a: {  	p0 =	seq.s32 s5, $0x0;
	s5 =	sld [smem:$0x3FB1]  }
0x2b: {  	s6 =	sld [smem:$0x3FB2]  }
0x2c: {  	s7 =	sld [smem:$0x3FB3]  }
0x2d: {  	s3 =	simm.s32 $0x108;
	s8 =	sld [smem:$0x3FB4]  }
0x2e: {  	s3 =	simm.s32 @!p0 $0x1082;
	s9 =	sld [smem:$0x3FB5]  }
0x2f: {  	lr =	sadd.s32 s0, s3;
	s0 =	sld [smem:$0x3FAC]  }
0x30: {  	s3 =	sld [smem:$0x3FAF]  }
0x31: {  	[smem:$0x3FB8] =	sst s10  }
0x32: {  	s10 =	sld [smem:$0x3FB6];
	_ =	sdelay $0x3  }
0x33: {  	p0 =	seq.s32 s10, $0x1;
	s10 =	sld [smem:$0x3FB8];
	_ =	sdelay $0x3  }
0x34: {  	[smem:$0x3FB8] =	sst s10  }
0x35: {  	s10 =	sld [smem:$0x3FB7];
	_ =	sdelay $0x3  }
0x36: {  	p1 =	seq.s32 s10, $0x1;
	s10 =	sld [smem:$0x3FB8];
	_ =	sdelay $0x3  }
0x37: {  	[smem:$0x3FB8] =	sst s10  }
0x38: {  	s10 =	sld [smem:$0x3FB9]  }
0x39: {  	_ = 	snop;
	(pc) =	sbr.ind lr, $3  }
0x3a: {  	_ = 	snop  }
0x3b: {  	_ = 	snop  }
0x3c: {  	p2 =	seq.s32 s10, $0x1;
	s10 =	sld [smem:$0x3FB8]  }
0x3d: {  	_ =	shalt  }
0x3e: {  	_ =	shalt  }
0x3f: {  	_ =	shalt  }
0x40: {  	_ =	shalt  }
0x41: {  	_ =	shalt  }
0x42: {  	_ =	shalt  }
0x43: {  	_ =	shalt  }
0x44: {  	_ =	shalt  }
0x45: {  	_ =	shalt  }
0x46: {  	_ =	shalt  }
0x47: {  	_ =	shalt  }
0x48: {  	_ =	shalt  }
0x49: {  	_ =	shalt  }
0x4a: {  	_ =	shalt  }
0x4b: {  	_ =	shalt  }
0x4c: {  	_ =	shalt  }
0x4d: {  	_ =	shalt  }
0x4e: {  	_ =	shalt  }
0x4f: {  	_ =	shalt  }
0x50: {  	_ =	shalt  }
0x51: {  	_ =	shalt  }
0x52: {  	_ =	shalt  }
0x53: {  	_ =	shalt  }
0x54: {  	_ =	shalt  }
0x55: {  	_ =	shalt  }
0x56: {  	_ =	shalt  }
0x57: {  	_ =	shalt  }
0x58: {  	_ =	shalt  }
0x59: {  	_ =	shalt  }
0x5a: {  	_ =	shalt  }
0x5b: {  	_ =	shalt  }
0x5c: {  	_ =	shalt  }
0x5d: {  	_ =	shalt  }
0x5e: {  	_ =	shalt  }
0x5f: {  	_ =	shalt  }
0x60: {  	_ =	shalt  }
0x61: {  	_ =	shalt  }
0x62: {  	_ =	shalt  }
0x63: {  	_ =	shalt  }
0x64: {  	_ =	shalt  }
0x65: {  	_ =	shalt  }
0x66: {  	_ =	shalt  }
0x67: {  	_ =	shalt  }
0x68: {  	_ =	shalt  }
0x69: {  	_ =	shalt  }
0x6a: {  	_ =	shalt  }
0x6b: {  	_ =	shalt  }
0x6c: {  	_ =	shalt  }
0x6d: {  	_ =	shalt  }
0x6e: {  	_ =	shalt  }
0x6f: {  	_ =	shalt  }
0x70: {  	_ =	shalt  }
0x71: {  	_ =	shalt  }
0x72: {  	_ =	shalt  }
0x73: {  	_ =	shalt  }
0x74: {  	_ =	shalt  }
0x75: {  	_ =	shalt  }
0x76: {  	_ =	shalt  }
0x77: {  	_ =	shalt  }
0x78: {  	_ =	shalt  }
0x79: {  	_ =	shalt  }
0x7a: {  	_ =	shalt  }
0x7b: {  	_ =	shalt  }
0x7c: {  	_ =	shalt  }
0x7d: {  	_ =	shalt  }
0x7e: {  	_ =	shalt  }
0x7f: {  	_ =	shalt  }
0x80: {  	_ =	shalt  }
0x81: {  	_ =	shalt  }
0x82: {  	_ =	shalt  }
0x83: {  	_ =	shalt  }
0x84: {  	_ =	shalt  }
0x85: {  	_ =	shalt  }
0x86: {  	_ =	shalt  }
0x87: {  	_ =	shalt  }
.Lfunc_end0:
.L_simem_size_0:
called_computation_lowered:
.L_overlay_start_0:
0x88: {  	s2 =	sld [smem:$0x3FD9]  }
0x89: {  	s3 =	sld [smem:$0x3FFE];
	_ =	sdelay $0x1  }
0x8a: {  	s1 =	srdreg.scid  }
0x8b: {  	s0 =	sand.u32 $0x1, s1  }
0x8c: {  	s17 =	sshll.u32 s0, $0xA;
	s2 =	sadd.s32 s3, s2  }
0x8d: {  	s2 =	sadd.s32 s2, s17  }
0x8e: {  	[smem:$0x3FC4] =	sst s2  }
0x8f: {  	_ = 	snop  }
0x90: {  	(tm) =	ssettm $0x1  }
0x91: {  	s18 =	sld [smem:$0x3FFB];
	_ =	sdelay $0x3  }
0x92: {  	_ =	strace s18  }
0x93: {  	s2 =	sld [smem:$0x3FFC];
	_ =	sdelay $0x3  }
0x94: {  	_ =	strace s2  }
0x95: {  	s2 =	sld [smem:$0x3FFD];
	_ =	sdelay $0x3  }
0x96: {  	_ =	strace s2  }
0x97: {  	_ =	strace $0x8FFFFFFF  }
0x98: {  	s19 =	sld [smem:$0x3FDB];
	_ =	sdelay $0x1  }
0x99: {  	s20 =	simm.s32 $_scs_section_size  }
0x9a: {  	s4 =	simm.s32 $_size__tile_overlayer_lowered;
	s5 =	simm.s32 $_tile_overlayer_lowered  }
0x9b: {  	s6 =	simm.s32 $0x1BFF;
	s21 =	sshll.u32 s5, $0x1;
	s3 =	sadd.s32 s20, s19  }
0x9c: {  	s22 =	simm.s32 $0x0;
	s4 =	sshll.u32 s4, $0x1;
	s5 =	sadd.s32 s21, s3  }
0x9d: {  	[timem:s22], [sflag:s6] =	dma.local [hbm:s5], s4  }
0x9e: {  	_ =	swait.ge [sflag:s6], s4  }
0x9f: {  	s4 =	ssub.s32 $0x0, s4;
	[sflag:s6] =	ssyncset.done $0x0  }
0xa0: {  	[sflag:s6] =	ssyncadd.s32 s4;
	_ =	sdelay $0x1  }
0xa1: {  	s23 =	simm.s32 $0x1B8B  }
0xa2: {  	_ =	swait.ge [sflag:s23], $0x1  }
0xa3: {  	[sflag:s23] =	ssyncset.done $0x0  }
0xa4: {  	[sflag:s23] =	ssyncadd.s32 $0xFFFFFFFF  }
0xa5: {  	s4 =	sld [smem:$0x0]  }
0xa6: {  	s5 =	sand.u32 $0xFFFFFFFE, s1  }
0xa7: {  	p0 =	sne.s32 s1, s5  }
0xa8: {  	s5 =	sshll.u32 @p0 s5, $0xE  }
0xa9: {  	s5 =	sadd.s32 @p0 $0x11B8D, s5;
	s6 =	sshll.u32 @p0 s4, $0x11  }
0xaa: {  	s5 =	sor.u32 @p0 s6, s5  }
0xab: {  	[sflag:s5] =	ssyncadd.remote.s32 @p0 $0x1;
	_ =	sdelay $0x1  }
0xac: {  	s5 =	simm.s32 @p0 $0x1B8D  }
0xad: {  	_ =	swait.eq @p0 [sflag:s5], $0x1  }
0xae: {  	[sflag:s5] =	ssyncadd.s32 @p0 $0xFFFFFFFF  }
0xaf: {  	s6 =	sshll.u32 @!p0 s1, $0xE  }
0xb0: {  	s6 =	sor.u32 @!p0 $0x4000, s6;
	s5 =	simm.s32 @!p0 $0x1B8D  }
0xb1: {  	s4 =	sshll.u32 @!p0 s4, $0x11;
	s6 =	sadd.s32 @!p0 $0x11B8D, s6;
	_ =	swait.eq @!p0 [sflag:s5], $0x1  }
0xb2: {  	s4 =	sor.u32 @!p0 s4, s6;
	[sflag:s5] =	ssyncadd.s32 @!p0 $0xFFFFFFFF  }
0xb3: {  	s25 =	simm.s32 $0x1B8E;
	s24 =	sld [smem:$0x3FFE];
	[sflag:s4] =	ssyncadd.remote.s32 @!p0 $0x1  }
0xb4: {  	s26 =	simm.s32 $execute0_lowered;
	[smem:$0x3FD2] =	sst s25  }
0xb5: {  	s5 =	sshll.u32 s26, $0x1;
	_ =	strace $0x80000049;
	[dreg:$0x1] =	wrdreg $0xFFFFFFFF  }
0xb6: {  	s28 =	simm.s32 $_size_execute0_lowered;
	s3 =	sadd.s32 s3, s5;
	[dreg:$0x0] =	wrdreg $0x0  }
0xb7: {  	s5 =	sshll.u32 s28, $0x1;
	[dreg:$0x2] =	wrdreg s3  }
0xb8: {  	[dreg:$0x3] =	wrdreg s5  }
0xb9: {  	[dreg:$0x4] =	wrdreg $0xC0  }
0xba: {  	_ =	task [dreg:s22], $0x5FFFF  }
0xbb: {  	[dreg:$0x1] =	wrdreg $0xFFFFFFFF  }
0xbc: {  	[dreg:$0x0] =	wrdreg $0x60  }
0xbd: {  	[dreg:$0x2] =	wrdreg s24  }
0xbe: {  	[dreg:$0x3] =	wrdreg $0x0  }
0xbf: {  	[dreg:$0x4] =	wrdreg $0x9  }
0xc0: {  	_ =	task.clear_ibuf [dreg:s22], $0x5FFFF;
	_ =	strace $0x90000049  }
0xc1: {  	s29 =	simm.s32 $0x9;
	_ =	strace $0x8000004B  }
0xc2: {  	_ =	swait.ge [sflag:s29], $0x1  }
0xc3: {  	[sflag:s29] =	ssyncadd.s32 $0xFFFFFFFF  }
0xc4: {  	_ =	strace $0x9000004B  }
0xc5: {  	_ =	sfence  }
0xc6: {  	s30 =	sld [smem:$0x0];
	_ =	sdelay $0x2  }
0xc7: {  	s31 =	sshll.u32 s1, $0xD;
	s1 =	sshrl.u32 s1, $0x2  }
0xc8: {  	s4 =	sand.u32 $0x4000, s31;
	s1 =	sadd.s32 s1, s30  }
0xc9: {  	s0 =	sor.u32 s4, s0;
	s1 =	sshll.u32 s1, $0x11  }
0xca: {  	s0 =	sor.u32 s1, s0  }
0xcb: {  	s0 =	sadd.s32 $0x8F2B, s0  }
0xcc: {  	[sflag:s0] =	ssyncadd.remote.s32 $0x1  }
0xcd: {  	_ =	sfence.sel $0xFFFF  }
0xce: {  	[dreg:$0x0] =	wrdreg $0xFFFFFFFF;
	(pc) =	sbr.abs _section_cstart, $3  }
0xcf: {  	[dreg:$0x1] =	wrdreg $0xFFFFFFFF  }
0xd0: {  	_ =	task.clear_ibuf [dreg:s22], $0x2FFFF;
	_ =	strace $0x9FFFFFFF  }
0xd1: {  	(tm) =	ssettm $0x7FFFFFFF  }
tec
execute0_lowered:
.L_overlay_start_1:
0x0: {  	(tag) =	ssettag $0x1  }
0x1: {  	s0 =	rddreg [dreg:$0x0]  }
0x2: {  	s1 =	rddreg [dreg:$0x1];
	s2 =	simm.s32 $0x0  }
0x3: {  	s3 =	stileid.u32;
	s5 =	srdreg.scid;
	s11 =	simm.s32 $0x80  }
0x4: {  	s12 =	simm.s32 $0xB28;
	s14 =	simm.s32 $0x2B28;
	s16 =	simm.s32 $0x4B28  }
0x5: {  	s18 =	simm.s32 $0x6B28;
	s25 =	simm.s32 $0x9A8;
	s26 =	simm.s32 $0xA28  }
0x6: {  	s31 =	simm.s32 $0xAA8;
	s28 =	simm.s32 $0x4;
	s29 =	simm.s32 $0x3  }
0x7: {  	s30 =	simm.s32 $0x0;
	[smem:$0x7FF] =	sst s2;
	s4 =	smul.u32 $0x190000, s3  }
0x8: {  	s7 =	sadd.s32 $0x3000, s0;
	s5 =	sand.u32 $0x1, s5;
	s6 =	smul.u32 $0x32000, s3  }
0x9: {  	s8 =	sadd.s32 $0x2000, s0;
	s19 =	sshll.u32 s3, $0x1;
	p0 =	sne.s32 s3, $0x0  }
0xa: {  	_ =	strace $0x8000004A;
	[dreg:$0x7] =	wrdreg s8;
	s9 =	smul.u32 $0x19000, s5  }
0xb: {  	s20 =	ssub.s32 $0x2, s5;
	s8 =	sor.u32 s5, s19;
	[dreg:$0x4] =	wrdreg s25  }
0xc: {  	s21 =	smul.u32 $0xC8000, s5;
	s19 =	simm.s32 $0x928;
	[dreg:$0x5] =	wrdreg s26  }
0xd: {  	[dreg:$0x6] =	wrdreg s31;
	s25 =	simm.s32 $0x40;
	s26 =	simm.s32 $0x2  }
0xe: {  	s0 =	sadd.s32 s4, s0;
	s10 =	sshrl.u32 s20, $0x1;
	s8 =	smul.u32 $0x3200, s8  }
0xf: {  	s9 =	sadd.s32 s9, s6;
	s4 =	ssub.s32 s20, s10;
	s0 =	sadd.s32 s21, s0  }
0x10: {  	s10 =	simm.s32 $0x5;
	s20 =	simm.s32 $0x8B28;
	s22 =	sadd.s32 s7, s8  }
0x11: {  	s21 =	simm.s32 $0xAB28;
	s4 =	smax.u32 s4, $0x1;
	[dreg:$0x8] =	wrdreg s22  }
0x12: {  	s6 =	sor.u32 $0x400, s9;
	s0 =	sadd.s32 $0x67000, s0;
	[dreg:$0x9] =	wrdreg s4  }
0x13: {  	s23 =	sshrl.u32 s6, $0x3;
	[dreg:$0x3] =	wrdreg s0;
	s0 =	sshrl.u32 @!p0 s1, $0x3  }
0x14: {  	s24 =	sor.u32 $0x200, s9;
	s4 =	sadd.s32 s23, s7;
	[dreg:$0xb] =	wrdreg s0  }
0x15: {  	s22 =	simm.s32 $0xCB28;
	[dreg:$0xa] =	wrdreg s4;
	s4 =	sshrl.u32 s24, $0x3  }
0x16: {  	s23 =	simm.s32 $0xEB28;
	s24 =	simm.s32 $0x1;
	s7 =	sadd.s32 s4, s7  }
.LBB2_1:
0x17: {  	s3 =	rddreg [dreg:$0x7]  }
0x18: {  	s0 =	simm.s32 @!p0 $0x1C05;
	s4 =	rddreg [dreg:$0xb]  }
0x19: {  	[spmem:s4], [sflag:s0] =	dma.local @!p0 [hbm:s3], $0xE48  }
0x1a: {  	s0 =	simm.s32 @!p0 $0x5  }
0x1b: {  	_ =	swait.ge @!p0 [sflag:s0], $0xE48  }
0x1c: {  	[sflag:s0] =	ssyncset.done @!p0 $0x0  }
0x1d: {  	[sflag:s0] =	ssyncadd.s32 @!p0 $0xFFFFF1B8  }
0x1e: {  	[bflag:$0x0] =	sbarrier.arrive $0xFFFF  }
0x1f: {  	s6 =	simm.s32 $0x728;
	s5 =	rddreg [dreg:$0x8]  }
0x20: {  	[tilespmem:s6], [sflag:$0x5] =	stream.linear.gather [hbm4b:s5+s2], $0x200, $0x38;
	[tilespmem:$0x10B28] =	vst v63  }
0x21: {  	_ =	swait.ge [sflag:s10], $0x200  }
0x22: {  	[sflag:s10] =	ssyncset.done $0x0  }
0x23: {  	[sflag:s10] =	ssyncadd.s32 $0xFFFFFE00  }
0x24: {  	[tilespmem:s12], [sflag:$0x1] =	stream.indirect.gather [spmem:s1], $0x40, s6, s11, $0xb8;
	[tilespmem:$0x10B28] =	vst v63  }
0x25: {  	s8 =	simm.s32 $0x7A8;
	p1 =	por $0x1, $0x1  }
0x26: {  	[tilespmem:s14], [sflag:$0x1] =	stream.indirect.gather [spmem:s1], $0x40, s8, s11, $0xb8;
	[tilespmem:$0x10B28] =	vst v63  }
0x27: {  	s9 =	simm.s32 $0x828;
	p1 =	por p1, p1  }
0x28: {  	[tilespmem:s16], [sflag:$0x1] =	stream.indirect.gather [spmem:s1], $0x40, s9, s11, $0xb8;
	[tilespmem:$0x10B28] =	vst v63  }
0x29: {  	s13 =	simm.s32 $0x8A8;
	s0 =	simm.s32 @!p1 $0x4  }
0x2a: {  	[tilespmem:s18], [sflag:$0x1] =	stream.indirect.gather [spmem:s1], $0x40, s13, s11, $0xb8;
	[tilespmem:$0x10B28] =	vst v63  }
0x2b: {  	_ =	swait.ge @!p1 [sflag:s0], $0x2000  }
0x2c: {  	[sflag:s0] =	ssyncset.done @!p1 $0x0  }
0x2d: {  	[sflag:s0] =	ssyncadd.s32 @!p1 $0xFFFFE000  }
0x2e: {  	_ =	swait.ge @!p1 [sflag:s0], $0x2000  }
0x2f: {  	[sflag:s0] =	ssyncset.done @!p1 $0x0  }
0x30: {  	[sflag:s0] =	ssyncadd.s32 @!p1 $0xFFFFE000  }
0x31: {  	_ =	swait.ge @!p1 [sflag:s0], $0x2000  }
0x32: {  	[sflag:s0] =	ssyncset.done @!p1 $0x0  }
0x33: {  	[sflag:s0] =	ssyncadd.s32 @!p1 $0xFFFFE000  }
0x34: {  	_ =	swait.ge @!p1 [sflag:s0], $0x2000  }
0x35: {  	[sflag:s0] =	ssyncset.done @!p1 $0x0  }
0x36: {  	[sflag:s0] =	ssyncadd.s32 @!p1 $0xFFFFE000  }
0x37: {  	[tilespmem:s19], [sflag:$0x5] =	stream.linear.gather [hbm4b:s7+s2], $0x200, $0x38;
	[tilespmem:$0x10B28] =	vst v63  }
0x38: {  	_ =	swait.ge [sflag:s10], $0x200  }
0x39: {  	[sflag:s10] =	ssyncset.done $0x0  }
0x3a: {  	[sflag:s10] =	ssyncadd.s32 $0xFFFFFE00  }
0x3b: {  	[tilespmem:s20], [sflag:$0x2] =	stream.indirect.gather [spmem:s1], $0x40, s19, s11, $0xb8;
	[tilespmem:$0x10B28] =	vst v63  }
0x3c: {  	s15 =	rddreg [dreg:$0x4]  }
0x3d: {  	[tilespmem:s21], [sflag:$0x2] =	stream.indirect.gather [spmem:s1], $0x40, s15, s11, $0xb8;
	[tilespmem:$0x10B28] =	vst v63  }
0x3e: {  	s17 =	rddreg [dreg:$0x5]  }
0x3f: {  	[tilespmem:s22], [sflag:$0x2] =	stream.indirect.gather [spmem:s1], $0x40, s17, s11, $0xb8;
	[tilespmem:$0x10B28] =	vst v63  }
0x40: {  	s4 =	rddreg [dreg:$0x6]  }
0x41: {  	[tilespmem:s23], [sflag:$0x2] =	stream.indirect.gather [spmem:s1], $0x40, s4, s11, $0xb8;
	[tilespmem:$0x10B28] =	vst v63  }
0x42: {  	_ =	swait.ge [sflag:s24], $0x2000  }
0x43: {  	[sflag:s24] =	ssyncset.done $0x0  }
0x44: {  	[sflag:s24] =	ssyncadd.s32 $0xFFFFE000  }
0x45: {  	_ =	swait.ge [sflag:s24], $0x2000  }
0x46: {  	[sflag:s24] =	ssyncset.done $0x0  }
0x47: {  	[sflag:s24] =	ssyncadd.s32 $0xFFFFE000  }
0x48: {  	_ =	swait.ge [sflag:s24], $0x2000  }
0x49: {  	[sflag:s24] =	ssyncset.done $0x0  }
0x4a: {  	[sflag:s24] =	ssyncadd.s32 $0xFFFFE000  }
0x4b: {  	_ =	swait.ge [sflag:s24], $0x2000  }
0x4c: {  	s5 =	rddreg [dreg:$0x3];
	[sflag:s24] =	ssyncset.done $0x0  }
0x4d: {  	[sflag:s24] =	ssyncadd.s32 $0xFFFFE000;
	s6 =	sadd.s32 $0x0, s5  }
0x4e: {  	[hbm4b:s6+s25] =	stream.strided.scatter [tilespmem:s12], [sflag:$0x3], $0x2000, s11, s25, $0x38;
	[tilespmem:$0x10B28] =	vst v63  }
0x4f: {  	s0 =	sadd.s32 $0x800, s6  }
0x50: {  	[hbm4b:s0+s25] =	stream.strided.scatter [tilespmem:s14], [sflag:$0x3], $0x2000, s11, s25, $0x38;
	[tilespmem:$0x10B28] =	vst v63  }
0x51: {  	p1 =	por $0x0, $0x0;
	s8 =	sadd.s32 $0x8, s6  }
0x52: {  	[hbm4b:s8+s25] =	stream.strided.scatter [tilespmem:s16], [sflag:$0x3], $0x2000, s11, s25, $0x38;
	[tilespmem:$0x10B28] =	vst v63  }
0x53: {  	s9 =	sadd.s32 $0x808, s6;
	s0 =	simm.s32 @!p1 $0x3  }
0x54: {  	[hbm4b:s9+s25] =	stream.strided.scatter [tilespmem:s18], [sflag:$0x3], $0x2000, s11, s25, $0x38;
	[tilespmem:$0x10B28] =	vst v63  }
0x55: {  	_ =	swait.ge @!p1 [sflag:s0], $0x2000  }
0x56: {  	[sflag:s0] =	ssyncset.done @!p1 $0x0  }
0x57: {  	[sflag:s0] =	ssyncadd.s32 @!p1 $0xFFFFE000  }
0x58: {  	_ =	swait.ge @!p1 [sflag:s0], $0x2000  }
0x59: {  	[sflag:s0] =	ssyncset.done @!p1 $0x0  }
0x5a: {  	[sflag:s0] =	ssyncadd.s32 @!p1 $0xFFFFE000  }
0x5b: {  	_ =	swait.ge @!p1 [sflag:s0], $0x2000  }
0x5c: {  	[sflag:s0] =	ssyncset.done @!p1 $0x0  }
0x5d: {  	[sflag:s0] =	ssyncadd.s32 @!p1 $0xFFFFE000  }
0x5e: {  	_ =	swait.ge @!p1 [sflag:s0], $0x2000  }
0x5f: {  	s13 =	simm.s32 @!p1 $0x728;
	s4 =	simm.s32 @!p1 $0x0;
	[sflag:s0] =	ssyncset.done @!p1 $0x0  }
0x60: {  	s5 =	rddreg [dreg:$0xa];
	[sflag:s0] =	ssyncadd.s32 @!p1 $0xFFFFE000;
	s0 =	simm.s32 @!p1 $0x5  }
0x61: {  	[tilespmem:s13], [sflag:$0x5] =	stream.linear.gather @!p1 [hbm4b:s5+s4], $0x200, $0x38;
	[tilespmem:$0x10B28] =	vst v63  }
0x62: {  	_ =	swait.ge @!p1 [sflag:s0], $0x200  }
0x63: {  	[sflag:s0] =	ssyncset.done @!p1 $0x0  }
0x64: {  	s15 =	simm.s32 @!p1 $0xB28;
	s4 =	simm.s32 @!p1 $0x80;
	[sflag:s0] =	ssyncadd.s32 @!p1 $0xFFFFFE00  }
0x65: {  	[tilespmem:s15], [sflag:$0x1] =	stream.indirect.gather @!p1 [spmem:s1], $0x40, s13, s4, $0xb8;
	[tilespmem:$0x10B28] =	vst v63  }
0x66: {  	s0 =	simm.s32 @!p1 $0x7A8;
	s13 =	simm.s32 @!p1 $0x2B28  }
0x67: {  	[tilespmem:s13], [sflag:$0x1] =	stream.indirect.gather @!p1 [spmem:s1], $0x40, s0, s4, $0xb8;
	[tilespmem:$0x10B28] =	vst v63  }
0x68: {  	s0 =	simm.s32 @!p1 $0x828;
	s13 =	simm.s32 @!p1 $0x4B28  }
0x69: {  	[tilespmem:s13], [sflag:$0x1] =	stream.indirect.gather @!p1 [spmem:s1], $0x40, s0, s4, $0xb8;
	[tilespmem:$0x10B28] =	vst v63  }
0x6a: {  	s0 =	simm.s32 @!p1 $0x8A8;
	s13 =	simm.s32 @!p1 $0x6B28  }
0x6b: {  	[tilespmem:s13], [sflag:$0x1] =	stream.indirect.gather @!p1 [spmem:s1], $0x40, s0, s4, $0xb8;
	[tilespmem:$0x10B28] =	vst v63  }
0x6c: {  	_ =	swait.ge [sflag:s26], $0x2000  }
0x6d: {  	[sflag:s26] =	ssyncset.done $0x0  }
0x6e: {  	[sflag:s26] =	ssyncadd.s32 $0xFFFFE000  }
0x6f: {  	_ =	swait.ge [sflag:s26], $0x2000  }
0x70: {  	[sflag:s26] =	ssyncset.done $0x0  }
0x71: {  	[sflag:s26] =	ssyncadd.s32 $0xFFFFE000  }
0x72: {  	_ =	swait.ge [sflag:s26], $0x2000  }
0x73: {  	[sflag:s26] =	ssyncset.done $0x0  }
0x74: {  	[sflag:s26] =	ssyncadd.s32 $0xFFFFE000  }
0x75: {  	_ =	swait.ge [sflag:s26], $0x2000  }
0x76: {  	[sflag:s26] =	ssyncset.done $0x0  }
0x77: {  	s13 =	sadd.s32 $0x1000, s6;
	[sflag:s26] =	ssyncadd.s32 $0xFFFFE000  }
0x78: {  	[hbm4b:s13+s25] =	stream.strided.scatter [tilespmem:s20], [sflag:$0x4], $0x2000, s11, s25, $0x38;
	[tilespmem:$0x10B28] =	vst v63  }
0x79: {  	p6 =	por $0x0, $0x0;
	s17 =	sadd.s32 $0x1008, s6;
	s15 =	sadd.s32 $0x1800, s6  }
0x7a: {  	[hbm4b:s15+s25] =	stream.strided.scatter [tilespmem:s21], [sflag:$0x4], $0x2000, s11, s25, $0x38;
	[tilespmem:$0x10B28] =	vst v63  }
0x7b: {  	s31 =	sadd.s32 $0x80, s5;
	s0 =	simm.s32 $0x2000;
	p1 =	por p6, p6  }
0x7c: {  	[hbm4b:s17+s25] =	stream.strided.scatter [tilespmem:s22], [sflag:$0x4], $0x2000, s11, s25, $0x38;
	[tilespmem:$0x10B28] =	vst v63  }
0x7d: {  	s13 =	sadd.s32 $0x80, s7;
	s15 =	simm.s32 $0x4000;
	s17 =	sadd.s32 $0x1808, s6  }
.LBB2_2:
0x7e: {  	s3 =	simm.s32 @!p1 $0x4  }
0x7f: {  	[hbm4b:s17+s25] =	stream.strided.scatter [tilespmem:s23], [sflag:$0x4], $0x2000, s11, s25, $0x38;
	[tilespmem:$0x10B28] =	vst v63  }
0x80: {  	_ =	swait.ge @!p1 [sflag:s3], $0x2000  }
0x81: {  	[sflag:s3] =	ssyncset.done @!p1 $0x0  }
0x82: {  	[sflag:s3] =	ssyncadd.s32 @!p1 $0xFFFFE000  }
0x83: {  	_ =	swait.ge @!p1 [sflag:s3], $0x2000  }
0x84: {  	[sflag:s3] =	ssyncset.done @!p1 $0x0  }
0x85: {  	[sflag:s3] =	ssyncadd.s32 @!p1 $0xFFFFE000  }
0x86: {  	_ =	swait.ge @!p1 [sflag:s3], $0x2000  }
0x87: {  	[sflag:s3] =	ssyncset.done @!p1 $0x0  }
0x88: {  	[sflag:s3] =	ssyncadd.s32 @!p1 $0xFFFFE000  }
0x89: {  	_ =	swait.ge @!p1 [sflag:s3], $0x2000  }
0x8a: {  	[sflag:s3] =	ssyncset.done @!p1 $0x0  }
0x8b: {  	[sflag:s3] =	ssyncadd.s32 @!p1 $0xFFFFE000  }
0x8c: {  	[tilespmem:s19], [sflag:$0x5] =	stream.linear.gather [hbm4b:s13+s2], $0x200, $0x38;
	[tilespmem:$0x10B28] =	vst v63  }
0x8d: {  	_ =	swait.ge [sflag:s10], $0x200  }
0x8e: {  	[sflag:s10] =	ssyncset.done $0x0  }
0x8f: {  	[sflag:s10] =	ssyncadd.s32 $0xFFFFFE00  }
0x90: {  	[tilespmem:s20], [sflag:$0x2] =	stream.indirect.gather [spmem:s1], $0x40, s19, s11, $0xb8;
	[tilespmem:$0x10B28] =	vst v63  }
0x91: {  	s17 =	rddreg [dreg:$0x4]  }
0x92: {  	[tilespmem:s21], [sflag:$0x2] =	stream.indirect.gather [spmem:s1], $0x40, s17, s11, $0xb8;
	[tilespmem:$0x10B28] =	vst v63  }
0x93: {  	s5 =	rddreg [dreg:$0x5]  }
0x94: {  	[tilespmem:s22], [sflag:$0x2] =	stream.indirect.gather [spmem:s1], $0x40, s5, s11, $0xb8;
	[tilespmem:$0x10B28] =	vst v63  }
0x95: {  	s6 =	rddreg [dreg:$0x6]  }
0x96: {  	[tilespmem:s23], [sflag:$0x2] =	stream.indirect.gather [spmem:s1], $0x40, s6, s11, $0xb8;
	[tilespmem:$0x10B28] =	vst v63  }
0x97: {  	_ =	swait.ge [sflag:s24], $0x2000  }
0x98: {  	[sflag:s24] =	ssyncset.done $0x0  }
0x99: {  	[sflag:s24] =	ssyncadd.s32 $0xFFFFE000  }
0x9a: {  	_ =	swait.ge [sflag:s24], $0x2000  }
0x9b: {  	[sflag:s24] =	ssyncset.done $0x0  }
0x9c: {  	[sflag:s24] =	ssyncadd.s32 $0xFFFFE000  }
0x9d: {  	_ =	swait.ge [sflag:s24], $0x2000  }
0x9e: {  	[sflag:s24] =	ssyncset.done $0x0  }
0x9f: {  	[sflag:s24] =	ssyncadd.s32 $0xFFFFE000  }
0xa0: {  	_ =	swait.ge [sflag:s24], $0x2000  }
0xa1: {  	s8 =	rddreg [dreg:$0x3];
	[sflag:s24] =	ssyncset.done $0x0  }
0xa2: {  	[sflag:s24] =	ssyncadd.s32 $0xFFFFE000;
	s3 =	sadd.s32 s0, s8  }
0xa3: {  	[hbm4b:s3+s25] =	stream.strided.scatter [tilespmem:s12], [sflag:$0x3], $0x2000, s11, s25, $0x38;
	[tilespmem:$0x10B28] =	vst v63  }
0xa4: {  	p3 =	seq.s32 s15, $0x0;
	s4 =	smov.u32 s15;
	s5 =	sadd.s32 $0x800, s3  }
0xa5: {  	[hbm4b:s5+s25] =	stream.strided.scatter [tilespmem:s14], [sflag:$0x3], $0x2000, s11, s25, $0x38;
	[tilespmem:$0x10B28] =	vst v63  }
0xa6: {  	p1 =	por p3, p3;
	p3 =	seq.s32 s0, $0xC6000;
	s9 =	sadd.s32 $0x8, s3  }
0xa7: {  	[hbm4b:s9+s25] =	stream.strided.scatter [tilespmem:s16], [sflag:$0x3], $0x2000, s11, s25, $0x38;
	[tilespmem:$0x10B28] =	vst v63  }
0xa8: {  	s0 =	smov.u32 s4;
	s4 =	simm.s32 @!p3 $0x3;
	s6 =	sadd.s32 $0x808, s3  }
0xa9: {  	[hbm4b:s6+s25] =	stream.strided.scatter [tilespmem:s18], [sflag:$0x3], $0x2000, s11, s25, $0x38;
	[tilespmem:$0x10B28] =	vst v63  }
0xaa: {  	_ =	swait.ge @!p3 [sflag:s4], $0x2000  }
0xab: {  	[sflag:s4] =	ssyncset.done @!p3 $0x0  }
0xac: {  	[sflag:s4] =	ssyncadd.s32 @!p3 $0xFFFFE000  }
0xad: {  	_ =	swait.ge @!p3 [sflag:s4], $0x2000  }
0xae: {  	[sflag:s4] =	ssyncset.done @!p3 $0x0  }
0xaf: {  	[sflag:s4] =	ssyncadd.s32 @!p3 $0xFFFFE000  }
0xb0: {  	_ =	swait.ge @!p3 [sflag:s4], $0x2000  }
0xb1: {  	[sflag:s4] =	ssyncset.done @!p3 $0x0  }
0xb2: {  	[sflag:s4] =	ssyncadd.s32 @!p3 $0xFFFFE000  }
0xb3: {  	_ =	swait.ge @!p3 [sflag:s4], $0x2000  }
0xb4: {  	s5 =	simm.s32 @!p3 $0x0;
	[sflag:s4] =	ssyncset.done @!p3 $0x0  }
0xb5: {  	s9 =	simm.s32 @!p3 $0x728;
	[sflag:s4] =	ssyncadd.s32 @!p3 $0xFFFFE000;
	s4 =	simm.s32 @!p3 $0x5  }
0xb6: {  	[tilespmem:s9], [sflag:$0x5] =	stream.linear.gather @!p3 [hbm4b:s31+s5], $0x200, $0x38;
	[tilespmem:$0x10B28] =	vst v63  }
0xb7: {  	_ =	swait.ge @!p3 [sflag:s4], $0x200  }
0xb8: {  	[sflag:s4] =	ssyncset.done @!p3 $0x0  }
0xb9: {  	s8 =	simm.s32 @!p3 $0xB28;
	s5 =	simm.s32 @!p3 $0x80;
	[sflag:s4] =	ssyncadd.s32 @!p3 $0xFFFFFE00  }
0xba: {  	[tilespmem:s8], [sflag:$0x1] =	stream.indirect.gather @!p3 [spmem:s1], $0x40, s9, s5, $0xb8;
	[tilespmem:$0x10B28] =	vst v63  }
0xbb: {  	s6 =	simm.s32 @!p3 $0x2B28;
	s4 =	simm.s32 @!p3 $0x7A8  }
0xbc: {  	[tilespmem:s6], [sflag:$0x1] =	stream.indirect.gather @!p3 [spmem:s1], $0x40, s4, s5, $0xb8;
	[tilespmem:$0x10B28] =	vst v63  }
0xbd: {  	s8 =	simm.s32 @!p3 $0x828;
	s9 =	simm.s32 @!p3 $0x4B28  }
0xbe: {  	[tilespmem:s9], [sflag:$0x1] =	stream.indirect.gather @!p3 [spmem:s1], $0x40, s8, s5, $0xb8;
	[tilespmem:$0x10B28] =	vst v63  }
0xbf: {  	s4 =	simm.s32 @!p3 $0x8A8;
	s6 =	simm.s32 @!p3 $0x6B28  }
0xc0: {  	[tilespmem:s6], [sflag:$0x1] =	stream.indirect.gather @!p3 [spmem:s1], $0x40, s4, s5, $0xb8;
	[tilespmem:$0x10B28] =	vst v63  }
0xc1: {  	_ =	swait.ge [sflag:s26], $0x2000  }
0xc2: {  	[sflag:s26] =	ssyncset.done $0x0  }
0xc3: {  	[sflag:s26] =	ssyncadd.s32 $0xFFFFE000  }
0xc4: {  	_ =	swait.ge [sflag:s26], $0x2000  }
0xc5: {  	[sflag:s26] =	ssyncset.done $0x0  }
0xc6: {  	[sflag:s26] =	ssyncadd.s32 $0xFFFFE000  }
0xc7: {  	_ =	swait.ge [sflag:s26], $0x2000  }
0xc8: {  	[sflag:s26] =	ssyncset.done $0x0  }
0xc9: {  	[sflag:s26] =	ssyncadd.s32 $0xFFFFE000  }
0xca: {  	_ =	swait.ge [sflag:s26], $0x2000  }
0xcb: {  	s15 =	sadd.s32 $0x2000, s15;
	[sflag:s26] =	ssyncset.done $0x0  }
0xcc: {  	p2 =	sne.s32 s15, $0xC8000;
	s8 =	sadd.s32 $0x1000, s3;
	[sflag:s26] =	ssyncadd.s32 $0xFFFFE000  }
0xcd: {  	[hbm4b:s8+s25] =	stream.strided.scatter [tilespmem:s20], [sflag:$0x4], $0x2000, s11, s25, $0x38;
	[tilespmem:$0x10B28] =	vst v63  }
.Ltmp0:
0xce: {  	_ = 	snop;
	(pc) =	sbr.rel @p2 .LBB2_2-.Ltmp0, $4  }
0xcf: {  	s13 =	sadd.s32 $0x80, s13;
	s9 =	sadd.s32 $0x1800, s3  }
0xd0: {  	[hbm4b:s9+s25] =	stream.strided.scatter [tilespmem:s21], [sflag:$0x4], $0x2000, s11, s25, $0x38;
	[tilespmem:$0x10B28] =	vst v63  }
0xd1: {  	s17 =	sadd.s32 $0x1808, s3;
	s31 =	sadd.s32 $0x80, s31;
	s3 =	sadd.s32 $0x1008, s3  }
0xd2: {  	[hbm4b:s3+s25] =	stream.strided.scatter [tilespmem:s22], [sflag:$0x4], $0x2000, s11, s25, $0x38;
	[tilespmem:$0x10B28] =	vst v63  }
0xd3: {  	[hbm4b:s17+s25] =	stream.strided.scatter [tilespmem:s23], [sflag:$0x4], $0x2000, s11, s25, $0x38;
	[tilespmem:$0x10B28] =	vst v63  }
0xd4: {  	s3 =	simm.s32 @!p1 $0x4  }
0xd5: {  	_ =	swait.ge @!p1 [sflag:s3], $0x2000  }
0xd6: {  	[sflag:s3] =	ssyncset.done @!p1 $0x0  }
0xd7: {  	[sflag:s3] =	ssyncadd.s32 @!p1 $0xFFFFE000  }
0xd8: {  	_ =	swait.ge @!p1 [sflag:s3], $0x2000  }
0xd9: {  	[sflag:s3] =	ssyncset.done @!p1 $0x0  }
0xda: {  	[sflag:s3] =	ssyncadd.s32 @!p1 $0xFFFFE000  }
0xdb: {  	_ =	swait.ge @!p1 [sflag:s3], $0x2000  }
0xdc: {  	[sflag:s3] =	ssyncset.done @!p1 $0x0  }
0xdd: {  	[sflag:s3] =	ssyncadd.s32 @!p1 $0xFFFFE000  }
0xde: {  	_ =	swait.ge @!p1 [sflag:s3], $0x2000  }
0xdf: {  	[sflag:s3] =	ssyncset.done @!p1 $0x0  }
0xe0: {  	[sflag:s3] =	ssyncadd.s32 @!p1 $0xFFFFE000  }
0xe1: {  	[tilespmem:s19], [sflag:$0x5] =	stream.linear.gather [hbm4b:s13+s2], $0x200, $0x38;
	[tilespmem:$0x10B28] =	vst v63  }
0xe2: {  	_ =	swait.ge [sflag:s10], $0x200  }
0xe3: {  	[sflag:s10] =	ssyncset.done $0x0  }
0xe4: {  	[sflag:s10] =	ssyncadd.s32 $0xFFFFFE00  }
0xe5: {  	[tilespmem:s20], [sflag:$0x2] =	stream.indirect.gather [spmem:s1], $0x40, s19, s11, $0xb8;
	[tilespmem:$0x10B28] =	vst v63  }
0xe6: {  	s15 =	rddreg [dreg:$0x4]  }
0xe7: {  	[tilespmem:s21], [sflag:$0x2] =	stream.indirect.gather [spmem:s1], $0x40, s15, s11, $0xb8;
	[tilespmem:$0x10B28] =	vst v63  }
0xe8: {  	s4 =	rddreg [dreg:$0x5]  }
0xe9: {  	[tilespmem:s22], [sflag:$0x2] =	stream.indirect.gather [spmem:s1], $0x40, s4, s11, $0xb8;
	[tilespmem:$0x10B28] =	vst v63  }
0xea: {  	s17 =	rddreg [dreg:$0x6]  }
0xeb: {  	[tilespmem:s23], [sflag:$0x2] =	stream.indirect.gather [spmem:s1], $0x40, s17, s11, $0xb8;
	[tilespmem:$0x10B28] =	vst v63  }
0xec: {  	_ =	swait.ge [sflag:s24], $0x2000  }
0xed: {  	[sflag:s24] =	ssyncset.done $0x0  }
0xee: {  	[sflag:s24] =	ssyncadd.s32 $0xFFFFE000  }
0xef: {  	_ =	swait.ge [sflag:s24], $0x2000  }
0xf0: {  	[sflag:s24] =	ssyncset.done $0x0  }
0xf1: {  	[sflag:s24] =	ssyncadd.s32 $0xFFFFE000  }
0xf2: {  	_ =	swait.ge [sflag:s24], $0x2000  }
0xf3: {  	[sflag:s24] =	ssyncset.done $0x0  }
0xf4: {  	[sflag:s24] =	ssyncadd.s32 $0xFFFFE000  }
0xf5: {  	_ =	swait.ge [sflag:s24], $0x2000  }
0xf6: {  	s4 =	rddreg [dreg:$0x3];
	[sflag:s24] =	ssyncset.done $0x0  }
0xf7: {  	[sflag:s24] =	ssyncadd.s32 $0xFFFFE000;
	s3 =	sadd.s32 s0, s4  }
0xf8: {  	[hbm4b:s3+s25] =	stream.strided.scatter [tilespmem:s12], [sflag:$0x3], $0x2000, s11, s25, $0x38;
	[tilespmem:$0x10B28] =	vst v63  }
0xf9: {  	s5 =	sadd.s32 $0x800, s3  }
0xfa: {  	[hbm4b:s5+s25] =	stream.strided.scatter [tilespmem:s14], [sflag:$0x3], $0x2000, s11, s25, $0x38;
	[tilespmem:$0x10B28] =	vst v63  }
0xfb: {  	p1 =	seq.s32 s0, $0xC6000;
	s6 =	sadd.s32 $0x8, s3  }
0xfc: {  	[hbm4b:s6+s25] =	stream.strided.scatter [tilespmem:s16], [sflag:$0x3], $0x2000, s11, s25, $0x38;
	[tilespmem:$0x10B28] =	vst v63  }
0xfd: {  	s0 =	simm.s32 @!p1 $0x3;
	s8 =	sadd.s32 $0x808, s3  }
0xfe: {  	[hbm4b:s8+s25] =	stream.strided.scatter [tilespmem:s18], [sflag:$0x3], $0x2000, s11, s25, $0x38;
	[tilespmem:$0x10B28] =	vst v63  }
0xff: {  	_ =	swait.ge @!p1 [sflag:s0], $0x2000  }
0x100: {  	[sflag:s0] =	ssyncset.done @!p1 $0x0  }
0x101: {  	[sflag:s0] =	ssyncadd.s32 @!p1 $0xFFFFE000  }
0x102: {  	_ =	swait.ge @!p1 [sflag:s0], $0x2000  }
0x103: {  	[sflag:s0] =	ssyncset.done @!p1 $0x0  }
0x104: {  	[sflag:s0] =	ssyncadd.s32 @!p1 $0xFFFFE000  }
0x105: {  	_ =	swait.ge @!p1 [sflag:s0], $0x2000  }
0x106: {  	[sflag:s0] =	ssyncset.done @!p1 $0x0  }
0x107: {  	[sflag:s0] =	ssyncadd.s32 @!p1 $0xFFFFE000  }
0x108: {  	_ =	swait.ge @!p1 [sflag:s0], $0x2000  }
0x109: {  	[sflag:s0] =	ssyncset.done @!p1 $0x0  }
0x10a: {  	s4 =	simm.s32 @!p1 $0x0;
	[sflag:s0] =	ssyncadd.s32 @!p1 $0xFFFFE000;
	s0 =	simm.s32 @!p1 $0x728  }
0x10b: {  	[tilespmem:s0], [sflag:$0x5] =	stream.linear.gather @!p1 [hbm4b:s31+s4], $0x200, $0x38;
	[tilespmem:$0x10B28] =	vst v63  }
0x10c: {  	s4 =	simm.s32 @!p1 $0x5  }
0x10d: {  	_ =	swait.ge @!p1 [sflag:s4], $0x200  }
0x10e: {  	[sflag:s4] =	ssyncset.done @!p1 $0x0  }
0x10f: {  	s5 =	simm.s32 @!p1 $0x80;
	[sflag:s4] =	ssyncadd.s32 @!p1 $0xFFFFFE00;
	s4 =	simm.s32 @!p1 $0xB28  }
0x110: {  	[tilespmem:s4], [sflag:$0x1] =	stream.indirect.gather @!p1 [spmem:s1], $0x40, s0, s5, $0xb8;
	[tilespmem:$0x10B28] =	vst v63  }
0x111: {  	s0 =	simm.s32 @!p1 $0x7A8;
	s4 =	simm.s32 @!p1 $0x2B28  }
0x112: {  	[tilespmem:s4], [sflag:$0x1] =	stream.indirect.gather @!p1 [spmem:s1], $0x40, s0, s5, $0xb8;
	[tilespmem:$0x10B28] =	vst v63  }
0x113: {  	s0 =	simm.s32 @!p1 $0x828;
	s4 =	simm.s32 @!p1 $0x4B28  }
0x114: {  	[tilespmem:s4], [sflag:$0x1] =	stream.indirect.gather @!p1 [spmem:s1], $0x40, s0, s5, $0xb8;
	[tilespmem:$0x10B28] =	vst v63  }
0x115: {  	s0 =	simm.s32 @!p1 $0x8A8;
	s4 =	simm.s32 @!p1 $0x6B28  }
0x116: {  	[tilespmem:s4], [sflag:$0x1] =	stream.indirect.gather @!p1 [spmem:s1], $0x40, s0, s5, $0xb8;
	[tilespmem:$0x10B28] =	vst v63  }
0x117: {  	_ =	swait.ge [sflag:s26], $0x2000  }
0x118: {  	[sflag:s26] =	ssyncset.done $0x0  }
0x119: {  	[sflag:s26] =	ssyncadd.s32 $0xFFFFE000  }
0x11a: {  	_ =	swait.ge [sflag:s26], $0x2000  }
0x11b: {  	[sflag:s26] =	ssyncset.done $0x0  }
0x11c: {  	[sflag:s26] =	ssyncadd.s32 $0xFFFFE000  }
0x11d: {  	_ =	swait.ge [sflag:s26], $0x2000  }
0x11e: {  	[sflag:s26] =	ssyncset.done $0x0  }
0x11f: {  	[sflag:s26] =	ssyncadd.s32 $0xFFFFE000  }
0x120: {  	_ =	swait.ge [sflag:s26], $0x2000  }
0x121: {  	[sflag:s26] =	ssyncset.done $0x0  }
0x122: {  	s9 =	sadd.s32 $0x1000, s3;
	[sflag:s26] =	ssyncadd.s32 $0xFFFFE000  }
0x123: {  	[hbm4b:s9+s25] =	stream.strided.scatter [tilespmem:s20], [sflag:$0x4], $0x2000, s11, s25, $0x38;
	[tilespmem:$0x10B28] =	vst v63  }
0x124: {  	s13 =	sadd.s32 $0x1800, s3  }
0x125: {  	[hbm4b:s13+s25] =	stream.strided.scatter [tilespmem:s21], [sflag:$0x4], $0x2000, s11, s25, $0x38;
	[tilespmem:$0x10B28] =	vst v63  }
0x126: {  	s15 =	sadd.s32 $0x1008, s3  }
0x127: {  	[hbm4b:s15+s25] =	stream.strided.scatter [tilespmem:s22], [sflag:$0x4], $0x2000, s11, s25, $0x38;
	[tilespmem:$0x10B28] =	vst v63  }
0x128: {  	s17 =	sadd.s32 $0x1808, s3  }
0x129: {  	[hbm4b:s17+s25] =	stream.strided.scatter [tilespmem:s23], [sflag:$0x4], $0x2000, s11, s25, $0x38;
	[tilespmem:$0x10B28] =	vst v63  }
0x12a: {  	_ =	swait.ge [sflag:s28], $0x2000  }
0x12b: {  	[sflag:s28] =	ssyncset.done $0x0  }
0x12c: {  	[sflag:s28] =	ssyncadd.s32 $0xFFFFE000  }
0x12d: {  	_ =	swait.ge [sflag:s28], $0x2000  }
0x12e: {  	[sflag:s28] =	ssyncset.done $0x0  }
0x12f: {  	[sflag:s28] =	ssyncadd.s32 $0xFFFFE000  }
0x130: {  	_ =	swait.ge [sflag:s28], $0x2000  }
0x131: {  	[sflag:s28] =	ssyncset.done $0x0  }
0x132: {  	[sflag:s28] =	ssyncadd.s32 $0xFFFFE000  }
0x133: {  	_ =	swait.ge [sflag:s28], $0x2000  }
0x134: {  	[sflag:s28] =	ssyncset.done $0x0  }
0x135: {  	[sflag:s28] =	ssyncadd.s32 $0xFFFFE000  }
0x136: {  	_ =	swait.ge [sflag:s29], $0x2000  }
0x137: {  	[sflag:s29] =	ssyncset.done $0x0  }
0x138: {  	[sflag:s29] =	ssyncadd.s32 $0xFFFFE000  }
0x139: {  	_ =	swait.ge [sflag:s29], $0x2000  }
0x13a: {  	[sflag:s29] =	ssyncset.done $0x0  }
0x13b: {  	[sflag:s29] =	ssyncadd.s32 $0xFFFFE000  }
0x13c: {  	_ =	swait.ge [sflag:s29], $0x2000  }
0x13d: {  	[sflag:s29] =	ssyncset.done $0x0  }
0x13e: {  	[sflag:s29] =	ssyncadd.s32 $0xFFFFE000  }
0x13f: {  	_ =	swait.ge [sflag:s29], $0x2000  }
0x140: {  	s30 =	sadd.s32 $0x1, s30;
	s31 =	rddreg [dreg:$0x9]  }
0x141: {  	p1 =	sne.s32 s30, s31  }
.Ltmp1:
0x142: {  	_ = 	snop;
	(pc) =	sbr.rel @p1 .LBB2_1-.Ltmp1, $3  }
0x143: {  	_ =	sdelay $0x1  }
0x144: {  	[sflag:s29] =	ssyncset.done $0x0  }
0x145: {  	[sflag:s29] =	ssyncadd.s32 $0xFFFFE000  }
0x146: {  	_ =	sfence.sel $0x180000  }
0x147: {  	[bflag:$0x0] =	sbarrier.arrive $0xFFFF  }
0x148: {  	_ =	strace $0x9000004A  }
0x149: {  	[bflag:$0x2] =	sbarrier.arrive $0xFFFF  }
0x14a: {  	s0 =	rddreg [dreg:$0x2]  }
0x14b: {  	s0 =	sadd.s32 @!p0 $0x100000, s0  }
0x14c: {  	[sflag:s0] =	ssyncadd.tile.s32 @!p0 $0x1;
	_ =	shalt  }
.Lfunc_end2:
_tile_overlayer_lowered:
.L_overlay_start_2:
0x14d: {  	(tag) =	ssettag $0x2  }
0x14e: {  	s0 =	rddreg [dreg:$0x0];
	s2 =	stileid.u32  }
0x14f: {  	s1 =	rddreg [dreg:$0x1];
	p0 =	sne.s32 s2, $0x0  }
0x150: {  	s3 =	rddreg [dreg:$0x2];
	[bflag:$0x3] =	sbarrier.arrive $0xFFFF;
	s2 =	simm.s32 @!p0 $0x1C05  }
0x151: {  	[timem:s3], [sflag:s2] =	dma.local @!p0 [hbm:s0], s1  }
0x152: {  	s0 =	simm.s32 @!p0 $0x5  }
0x153: {  	_ =	swait.ge @!p0 [sflag:s0], s1  }
0x154: {  	s1 =	ssub.s32 @!p0 $0x0, s1;
	[sflag:s0] =	ssyncset.done @!p0 $0x0  }
0x155: {  	[sflag:s0] =	ssyncadd.s32 @!p0 s1  }
0x156: {  	[bflag:$0x3] =	sbarrier.arrive $0xFFFF  }
0x157: {  	_ =	shalt  }

// kernel: kernel.9.cloned.1.call-start
scs
__scs_entry_jumppad:
0x0: {  	(pc) =	sbr.rel $0x88, $3  }
0x1: {  	(tag) =	ssettag $0x0;
	lr =	simm.s32 $0x1  }
0x2: {  	[smem:$0x3F9D] =	sst lr;
	_ =	strace $0xD0000000  }
0x3: {  	_ = 	snop  }
0x4: {  	_ = 	snop  }
0x5: {  	_ = 	snop  }
0x6: {  	_ = 	snop  }
0x7: {  	_ = 	snop  }
__scs_overlays_trampoline_lowered:
0x8: {  	[smem:$0x3FAC] =	sst s0  }
0x9: {  	[smem:$0x3FAD] =	sst s1  }
0xa: {  	[smem:$0x3FAE] =	sst s2  }
0xb: {  	[smem:$0x3FAF] =	sst s3  }
0xc: {  	[smem:$0x3FB0] =	sst s4  }
0xd: {  	[smem:$0x3FB1] =	sst s5  }
0xe: {  	[smem:$0x3FB2] =	sst s6  }
0xf: {  	[smem:$0x3FB3] =	sst s7  }
0x10: {  	[smem:$0x3FB4] =	sst s8  }
0x11: {  	[smem:$0x3FB5] =	sst s9;
	s0 =	simm.s32 @!p0 $0x0  }
0x12: {  	s1 =	sld [smem:$0x3F9B];
	s0 =	simm.s32 @p0 $0x1  }
0x13: {  	[smem:$0x3FB6] =	sst s0;
	s0 =	simm.s32 @!p1 $0x0  }
0x14: {  	s2 =	sld [smem:$0x3F9A];
	s0 =	simm.s32 @p1 $0x1  }
0x15: {  	[smem:$0x3FB7] =	sst s0;
	s0 =	simm.s32 @!p2 $0x0  }
0x16: {  	s3 =	sld [smem:$0x3FDB];
	s0 =	simm.s32 @p2 $0x1  }
0x17: {  	s4 =	simm.s32 $0x1BF5;
	[smem:$0x3FB9] =	sst s0  }
0x18: {  	s0 =	sld [smem:$0x3F9C];
	_ =	swait.ge [sflag:s4], $0x0  }
0x19: {  	s7 =	sld [smem:$0x3F9D]  }
0x1a: {  	s8 =	sadd.s32 $0xFFFFE003, lr  }
0x1b: {  	s9 =	sadd.s32 $0xFFFFFEF7, lr;
	s5 =	simm.s32 $0xFFFFFFFF;
	p2 =	slt.u32 s8, $0xFFFFF086  }
0x1c: {  	p1 =	slt.u32 s9, $0xF7A;
	s5 =	simm.s32 @!p2 $0x0  }
0x1d: {  	s5 =	simm.s32 @p1 $0x1;
	p0 =	seq.s32 s7, s2  }
0x1e: {  	s7 =	smul.u32 @!p0 $0xF7A, s2;
	p2 =	seq.s32 @!p0 s5, $0x0  }
0x1f: {  	s9 =	smul.u32 $0xF7A, s1;
	s8 =	simm.s32 @!p0 $0x1BF5;
	p2 =	por !p2, p0  }
0x20: {  	[sflag:s8] =	ssyncset.s32 @!p0 $0xFFFFF086;
	s6 =	sadd.s32 @!p0 s3, s7;
	s7 =	simm.s32 @!p0 $0x108  }
0x21: {  	s3 =	sadd.s32 s3, s9;
	s6 =	sadd.s32 @!p0 $0x88, s6;
	s7 =	simm.s32 @p2 $0x1082  }
0x22: {  	[simem:s7], [sflag:s8] =	dma.local @!p0 [hbm:s6], $0xF7A  }
0x23: {  	s9 =	sor.u32 $0xD0000000, s2;
	s6 =	simm.s32 $0x108;
	_ =	swait.ge @!p0 [sflag:s8], $0x0  }
0x24: {  	s3 =	sadd.s32 $0x88, s3;
	s6 =	simm.s32 @!p1 $0x1082;
	[sflag:s4] =	ssyncset.s32 $0xFFFFF086  }
0x25: {  	[simem:s6], [sflag:s4] =	dma.local [hbm:s3], $0xF7A  }
0x26: {  	[smem:$0x3F9D] =	sst s1;
	(tag) =	ssettag s2;
	_ =	strace s9  }
0x27: {  	s1 =	sld [smem:$0x3FAD]  }
0x28: {  	s2 =	sld [smem:$0x3FAE]  }
0x29: {  	s4 =	sld [smem:$0x3FB0]  }
0x2a: {  	p0 =	seq.s32 s5, $0x0;
	s5 =	sld [smem:$0x3FB1]  }
0x2b: {  	s6 =	sld [smem:$0x3FB2]  }
0x2c: {  	s7 =	sld [smem:$0x3FB3]  }
0x2d: {  	s3 =	simm.s32 $0x108;
	s8 =	sld [smem:$0x3FB4]  }
0x2e: {  	s3 =	simm.s32 @!p0 $0x1082;
	s9 =	sld [smem:$0x3FB5]  }
0x2f: {  	lr =	sadd.s32 s0, s3;
	s0 =	sld [smem:$0x3FAC]  }
0x30: {  	s3 =	sld [smem:$0x3FAF]  }
0x31: {  	[smem:$0x3FB8] =	sst s10  }
0x32: {  	s10 =	sld [smem:$0x3FB6];
	_ =	sdelay $0x3  }
0x33: {  	p0 =	seq.s32 s10, $0x1;
	s10 =	sld [smem:$0x3FB8];
	_ =	sdelay $0x3  }
0x34: {  	[smem:$0x3FB8] =	sst s10  }
0x35: {  	s10 =	sld [smem:$0x3FB7];
	_ =	sdelay $0x3  }
0x36: {  	p1 =	seq.s32 s10, $0x1;
	s10 =	sld [smem:$0x3FB8];
	_ =	sdelay $0x3  }
0x37: {  	[smem:$0x3FB8] =	sst s10  }
0x38: {  	s10 =	sld [smem:$0x3FB9]  }
0x39: {  	_ = 	snop;
	(pc) =	sbr.ind lr, $3  }
0x3a: {  	_ = 	snop  }
0x3b: {  	_ = 	snop  }
0x3c: {  	p2 =	seq.s32 s10, $0x1;
	s10 =	sld [smem:$0x3FB8]  }
0x3d: {  	_ =	shalt  }
0x3e: {  	_ =	shalt  }
0x3f: {  	_ =	shalt  }
0x40: {  	_ =	shalt  }
0x41: {  	_ =	shalt  }
0x42: {  	_ =	shalt  }
0x43: {  	_ =	shalt  }
0x44: {  	_ =	shalt  }
0x45: {  	_ =	shalt  }
0x46: {  	_ =	shalt  }
0x47: {  	_ =	shalt  }
0x48: {  	_ =	shalt  }
0x49: {  	_ =	shalt  }
0x4a: {  	_ =	shalt  }
0x4b: {  	_ =	shalt  }
0x4c: {  	_ =	shalt  }
0x4d: {  	_ =	shalt  }
0x4e: {  	_ =	shalt  }
0x4f: {  	_ =	shalt  }
0x50: {  	_ =	shalt  }
0x51: {  	_ =	shalt  }
0x52: {  	_ =	shalt  }
0x53: {  	_ =	shalt  }
0x54: {  	_ =	shalt  }
0x55: {  	_ =	shalt  }
0x56: {  	_ =	shalt  }
0x57: {  	_ =	shalt  }
0x58: {  	_ =	shalt  }
0x59: {  	_ =	shalt  }
0x5a: {  	_ =	shalt  }
0x5b: {  	_ =	shalt  }
0x5c: {  	_ =	shalt  }
0x5d: {  	_ =	shalt  }
0x5e: {  	_ =	shalt  }
0x5f: {  	_ =	shalt  }
0x60: {  	_ =	shalt  }
0x61: {  	_ =	shalt  }
0x62: {  	_ =	shalt  }
0x63: {  	_ =	shalt  }
0x64: {  	_ =	shalt  }
0x65: {  	_ =	shalt  }
0x66: {  	_ =	shalt  }
0x67: {  	_ =	shalt  }
0x68: {  	_ =	shalt  }
0x69: {  	_ =	shalt  }
0x6a: {  	_ =	shalt  }
0x6b: {  	_ =	shalt  }
0x6c: {  	_ =	shalt  }
0x6d: {  	_ =	shalt  }
0x6e: {  	_ =	shalt  }
0x6f: {  	_ =	shalt  }
0x70: {  	_ =	shalt  }
0x71: {  	_ =	shalt  }
0x72: {  	_ =	shalt  }
0x73: {  	_ =	shalt  }
0x74: {  	_ =	shalt  }
0x75: {  	_ =	shalt  }
0x76: {  	_ =	shalt  }
0x77: {  	_ =	shalt  }
0x78: {  	_ =	shalt  }
0x79: {  	_ =	shalt  }
0x7a: {  	_ =	shalt  }
0x7b: {  	_ =	shalt  }
0x7c: {  	_ =	shalt  }
0x7d: {  	_ =	shalt  }
0x7e: {  	_ =	shalt  }
0x7f: {  	_ =	shalt  }
0x80: {  	_ =	shalt  }
0x81: {  	_ =	shalt  }
0x82: {  	_ =	shalt  }
0x83: {  	_ =	shalt  }
0x84: {  	_ =	shalt  }
0x85: {  	_ =	shalt  }
0x86: {  	_ =	shalt  }
0x87: {  	_ =	shalt  }
.Lfunc_end0:
.L_simem_size_0:
called_computation.1_lowered:
.L_overlay_start_0:
0x88: {  	s2 =	sld [smem:$0x3FD9]  }
0x89: {  	s3 =	sld [smem:$0x3FFE];
	_ =	sdelay $0x1  }
0x8a: {  	s1 =	srdreg.scid  }
0x8b: {  	s0 =	sand.u32 $0x1, s1  }
0x8c: {  	s14 =	sshll.u32 s0, $0xA;
	s2 =	sadd.s32 s3, s2  }
0x8d: {  	s2 =	sadd.s32 s2, s14  }
0x8e: {  	[smem:$0x3FC4] =	sst s2  }
0x8f: {  	_ = 	snop  }
0x90: {  	s2 =	sld [smem:$0x3FD0];
	_ =	sdelay $0x2  }
0x91: {  	s15 =	simm.s32 $0xB;
	s4 =	simm.s32 $0x10  }
0x92: {  	[smem:s4], [sflag:s15] =	dma.local [hbm:s2], $0x1  }
0x93: {  	_ =	swait.eq [sflag:s15], $0x1  }
0x94: {  	[sflag:s15] =	ssyncset.done $0x0  }
0x95: {  	s16 =	sld [smem:$0x10];
	[sflag:s15] =	ssyncadd.s32 $0xFFFFFFFF  }
0x96: {  	s17 =	sld [smem:$0x11];
	(tm) =	ssettm $0x1  }
0x97: {  	s18 =	sld [smem:$0x3FFB];
	_ =	sdelay $0x3  }
0x98: {  	_ =	strace s18  }
0x99: {  	s4 =	sld [smem:$0x3FFC];
	_ =	sdelay $0x3  }
0x9a: {  	_ =	strace s4  }
0x9b: {  	s4 =	sld [smem:$0x3FFD];
	_ =	sdelay $0x3  }
0x9c: {  	_ =	strace s4  }
0x9d: {  	_ =	strace $0x8FFFFFFF  }
0x9e: {  	s19 =	sld [smem:$0x3FDB];
	_ =	sdelay $0x1  }
0x9f: {  	s5 =	simm.s32 $_scs_section_size  }
0xa0: {  	s6 =	simm.s32 $_size__tile_overlayer_lowered;
	s7 =	simm.s32 $_tile_overlayer_lowered  }
0xa1: {  	s22 =	simm.s32 $0x1BFF;
	s21 =	sshll.u32 s7, $0x1;
	s4 =	sadd.s32 s5, s19  }
0xa2: {  	s8 =	simm.s32 $0x0;
	s20 =	sshll.u32 s6, $0x1;
	s6 =	sadd.s32 s21, s4  }
0xa3: {  	[timem:s8], [sflag:s22] =	dma.local [hbm:s6], s20  }
0xa4: {  	_ =	swait.ge [sflag:s22], s20  }
0xa5: {  	s5 =	ssub.s32 $0x0, s20;
	[sflag:s22] =	ssyncset.done $0x0  }
0xa6: {  	[sflag:s22] =	ssyncadd.s32 s5;
	_ =	sdelay $0x1  }
0xa7: {  	s23 =	simm.s32 $0x1B8B  }
0xa8: {  	_ =	swait.ge [sflag:s23], $0x1  }
0xa9: {  	[sflag:s23] =	ssyncset.done $0x0  }
0xaa: {  	s25 =	simm.s32 $0x1B8E;
	s24 =	sld [smem:$0x3FFE];
	[sflag:s23] =	ssyncadd.s32 $0xFFFFFFFF  }
0xab: {  	s26 =	simm.s32 $execute0_lowered;
	[smem:$0x3FD2] =	sst s25  }
0xac: {  	s6 =	sshll.u32 s26, $0x1;
	_ =	strace $0x80000046;
	[dreg:$0x1] =	wrdreg $0xFFFFFFFF  }
0xad: {  	s28 =	simm.s32 $_size_execute0_lowered;
	s4 =	sadd.s32 s4, s6;
	[dreg:$0x0] =	wrdreg $0x0  }
0xae: {  	s6 =	sshll.u32 s28, $0x1;
	[dreg:$0x2] =	wrdreg s4  }
0xaf: {  	[dreg:$0x3] =	wrdreg s6  }
0xb0: {  	[dreg:$0x4] =	wrdreg $0xC0  }
0xb1: {  	_ =	task [dreg:s8], $0x5FFFF  }
0xb2: {  	[dreg:$0x1] =	wrdreg $0xFFFFFFFF  }
0xb3: {  	[dreg:$0x0] =	wrdreg $0x60  }
0xb4: {  	[dreg:$0x2] =	wrdreg s17  }
0xb5: {  	[dreg:$0x3] =	wrdreg s24  }
0xb6: {  	[dreg:$0x4] =	wrdreg s16  }
0xb7: {  	[dreg:$0x5] =	wrdreg $0x0  }
0xb8: {  	[dreg:$0x6] =	wrdreg $0xA  }
0xb9: {  	_ =	task.clear_ibuf [dreg:s8], $0x7FFFF;
	_ =	strace $0x90000046  }
0xba: {  	s29 =	simm.s32 $0xA;
	_ =	strace $0x80000048  }
0xbb: {  	_ =	swait.ge [sflag:s29], $0x1  }
0xbc: {  	[sflag:s29] =	ssyncadd.s32 $0xFFFFFFFF  }
0xbd: {  	_ =	strace $0x90000048  }
0xbe: {  	_ =	sfence  }
0xbf: {  	s30 =	sld [smem:$0x0];
	_ =	sdelay $0x2  }
0xc0: {  	s31 =	sshll.u32 s1, $0xD;
	s1 =	sshrl.u32 s1, $0x2  }
0xc1: {  	s3 =	sand.u32 $0x4000, s31;
	s1 =	sadd.s32 s1, s30  }
0xc2: {  	s0 =	sor.u32 s3, s0;
	s1 =	sshll.u32 s1, $0x11  }
0xc3: {  	s0 =	sor.u32 s1, s0  }
0xc4: {  	s0 =	sadd.s32 $0x8F2B, s0  }
0xc5: {  	[sflag:s0] =	ssyncadd.remote.s32 $0x1  }
0xc6: {  	_ =	sfence.sel $0xFFFF  }
0xc7: {  	[dreg:$0x0] =	wrdreg $0xFFFFFFFF;
	(pc) =	sbr.abs _section_cstart, $3  }
0xc8: {  	[dreg:$0x1] =	wrdreg $0xFFFFFFFF  }
0xc9: {  	_ =	task.clear_ibuf [dreg:s8], $0x2FFFF;
	_ =	strace $0x9FFFFFFF  }
0xca: {  	(tm) =	ssettm $0x7FFFFFFF  }
0xcb: {  	_ =	shalt  }
tec
execute0_lowered:
.L_overlay_start_1:
0x0: {  	(tag) =	ssettag $0x1  }
0x1: {  	s0 =	rddreg [dreg:$0x0]  }
0x2: {  	s3 =	rddreg [dreg:$0x1]  }
0x3: {  	s4 =	rddreg [dreg:$0x2]  }
0x4: {  	s1 =	rddreg [dreg:$0x3];
	s2 =	simm.s32 $0x0;
	s5 =	srdreg.scid  }
0x5: {  	s7 =	stileid.u32;
	s12 =	simm.s32 $0xB28;
	s14 =	simm.s32 $0x2B28  }
0x6: {  	s16 =	simm.s32 $0x4B28;
	s25 =	simm.s32 $0x9A8;
	s26 =	simm.s32 $0xA28  }
0x7: {  	s31 =	simm.s32 $0xAA8;
	s28 =	simm.s32 $0x4;
	s29 =	simm.s32 $0x3  }
0x8: {  	s30 =	simm.s32 $0x0;
	[smem:$0x7FF] =	sst s2;
	s6 =	sand.u32 $0x1, s5  }
0x9: {  	s18 =	sshll.u32 s7, $0x1;
	s8 =	smul.u32 $0x32000, s7;
	s3 =	sadd.s32 $0x1000, s3  }
0xa: {  	s21 =	smul.u32 $0x190000, s7;
	_ =	strace $0x80000047;
	[dreg:$0x9] =	wrdreg s3  }
0xb: {  	p0 =	sne.s32 s7, $0x0;
	s9 =	ssub.s32 $0x2, s6;
	[dreg:$0x6] =	wrdreg s25  }
0xc: {  	s5 =	sor.u32 s6, s18;
	s10 =	smul.u32 $0x19000, s6;
	[dreg:$0x7] =	wrdreg s26  }
0xd: {  	s23 =	smul.u32 $0xC8000, s6;
	s18 =	simm.s32 $0x6B28;
	[dreg:$0x8] =	wrdreg s31  }
0xe: {  	s25 =	simm.s32 $0x40;
	s26 =	simm.s32 $0x2;
	s11 =	sshrl.u32 s9, $0x1  }
0xf: {  	s5 =	smul.u32 $0x3200, s5;
	s4 =	sadd.s32 s21, s4;
	s21 =	simm.s32 $0xAB28  }
0x10: {  	s19 =	ssub.s32 s9, s11;
	s8 =	sadd.s32 s10, s8;
	s4 =	sadd.s32 s23, s4  }
0x11: {  	s10 =	simm.s32 $0x5;
	s11 =	simm.s32 $0x80;
	s23 =	simm.s32 $0xEB28  }
0x12: {  	s5 =	sadd.s32 s0, s5;
	s20 =	sor.u32 $0x400, s8;
	[dreg:$0x5] =	wrdreg s4  }
0x13: {  	s3 =	smax.u32 s19, $0x1;
	[dreg:$0xa] =	wrdreg s5;
	s22 =	sshrl.u32 s20, $0x3  }
0x14: {  	s24 =	sor.u32 $0x200, s8;
	[dreg:$0xb] =	wrdreg s3;
	s3 =	sadd.s32 s22, s0  }
0x15: {  	s19 =	simm.s32 $0x928;
	[dreg:$0xc] =	wrdreg s3;
	s3 =	sshrl.u32 s24, $0x3  }
0x16: {  	s20 =	simm.s32 $0x8B28;
	s7 =	sadd.s32 s3, s0;
	s0 =	sshrl.u32 @!p0 s1, $0x3  }
0x17: {  	s22 =	simm.s32 $0xCB28;
	s24 =	simm.s32 $0x1;
	[dreg:$0xd] =	wrdreg s0  }
.LBB2_1:
0x18: {  	s3 =	rddreg [dreg:$0x9]  }
0x19: {  	s0 =	simm.s32 @!p0 $0x1C05;
	s4 =	rddreg [dreg:$0xd]  }
0x1a: {  	[spmem:s4], [sflag:s0] =	dma.local @!p0 [hbm:s3], $0xE48  }
0x1b: {  	s0 =	simm.s32 @!p0 $0x5  }
0x1c: {  	_ =	swait.ge @!p0 [sflag:s0], $0xE48  }
0x1d: {  	[sflag:s0] =	ssyncset.done @!p0 $0x0  }
0x1e: {  	[sflag:s0] =	ssyncadd.s32 @!p0 $0xFFFFF1B8  }
0x1f: {  	[bflag:$0x0] =	sbarrier.arrive $0xFFFF  }
0x20: {  	s6 =	simm.s32 $0x728;
	s5 =	rddreg [dreg:$0xa]  }
0x21: {  	[tilespmem:s6], [sflag:$0x5] =	stream.linear.gather [hbm4b:s5+s2], $0x200, $0x38;
	[tilespmem:$0x10B28] =	vst v63  }
0x22: {  	_ =	swait.ge [sflag:s10], $0x200  }
0x23: {  	[sflag:s10] =	ssyncset.done $0x0  }
0x24: {  	[sflag:s10] =	ssyncadd.s32 $0xFFFFFE00  }
0x25: {  	[tilespmem:s12], [sflag:$0x1] =	stream.indirect.gather [spmem:s1], $0x40, s6, s11, $0xb8;
	[tilespmem:$0x10B28] =	vst v63  }
0x26: {  	s8 =	simm.s32 $0x7A8;
	p1 =	por $0x1, $0x1  }
0x27: {  	[tilespmem:s14], [sflag:$0x1] =	stream.indirect.gather [spmem:s1], $0x40, s8, s11, $0xb8;
	[tilespmem:$0x10B28] =	vst v63  }
0x28: {  	s9 =	simm.s32 $0x828;
	p1 =	por p1, p1  }
0x29: {  	[tilespmem:s16], [sflag:$0x1] =	stream.indirect.gather [spmem:s1], $0x40, s9, s11, $0xb8;
	[tilespmem:$0x10B28] =	vst v63  }
0x2a: {  	s13 =	simm.s32 $0x8A8;
	s0 =	simm.s32 @!p1 $0x4  }
0x2b: {  	[tilespmem:s18], [sflag:$0x1] =	stream.indirect.gather [spmem:s1], $0x40, s13, s11, $0xb8;
	[tilespmem:$0x10B28] =	vst v63  }
0x2c: {  	_ =	swait.ge @!p1 [sflag:s0], $0x2000  }
0x2d: {  	[sflag:s0] =	ssyncset.done @!p1 $0x0  }
0x2e: {  	[sflag:s0] =	ssyncadd.s32 @!p1 $0xFFFFE000  }
0x2f: {  	_ =	swait.ge @!p1 [sflag:s0], $0x2000  }
0x30: {  	[sflag:s0] =	ssyncset.done @!p1 $0x0  }
0x31: {  	[sflag:s0] =	ssyncadd.s32 @!p1 $0xFFFFE000  }
0x32: {  	_ =	swait.ge @!p1 [sflag:s0], $0x2000  }
0x33: {  	[sflag:s0] =	ssyncset.done @!p1 $0x0  }
0x34: {  	[sflag:s0] =	ssyncadd.s32 @!p1 $0xFFFFE000  }
0x35: {  	_ =	swait.ge @!p1 [sflag:s0], $0x2000  }
0x36: {  	[sflag:s0] =	ssyncset.done @!p1 $0x0  }
0x37: {  	[sflag:s0] =	ssyncadd.s32 @!p1 $0xFFFFE000  }
0x38: {  	[tilespmem:s19], [sflag:$0x5] =	stream.linear.gather [hbm4b:s7+s2], $0x200, $0x38;
	[tilespmem:$0x10B28] =	vst v63  }
0x39: {  	_ =	swait.ge [sflag:s10], $0x200  }
0x3a: {  	[sflag:s10] =	ssyncset.done $0x0  }
0x3b: {  	[sflag:s10] =	ssyncadd.s32 $0xFFFFFE00  }
0x3c: {  	[tilespmem:s20], [sflag:$0x2] =	stream.indirect.gather [spmem:s1], $0x40, s19, s11, $0xb8;
	[tilespmem:$0x10B28] =	vst v63  }
0x3d: {  	s15 =	rddreg [dreg:$0x6]  }
0x3e: {  	[tilespmem:s21], [sflag:$0x2] =	stream.indirect.gather [spmem:s1], $0x40, s15, s11, $0xb8;
	[tilespmem:$0x10B28] =	vst v63  }
0x3f: {  	s17 =	rddreg [dreg:$0x7]  }
0x40: {  	[tilespmem:s22], [sflag:$0x2] =	stream.indirect.gather [spmem:s1], $0x40, s17, s11, $0xb8;
	[tilespmem:$0x10B28] =	vst v63  }
0x41: {  	s4 =	rddreg [dreg:$0x8]  }
0x42: {  	[tilespmem:s23], [sflag:$0x2] =	stream.indirect.gather [spmem:s1], $0x40, s4, s11, $0xb8;
	[tilespmem:$0x10B28] =	vst v63  }
0x43: {  	_ =	swait.ge [sflag:s24], $0x2000  }
0x44: {  	[sflag:s24] =	ssyncset.done $0x0  }
0x45: {  	[sflag:s24] =	ssyncadd.s32 $0xFFFFE000  }
0x46: {  	_ =	swait.ge [sflag:s24], $0x2000  }
0x47: {  	[sflag:s24] =	ssyncset.done $0x0  }
0x48: {  	[sflag:s24] =	ssyncadd.s32 $0xFFFFE000  }
0x49: {  	_ =	swait.ge [sflag:s24], $0x2000  }
0x4a: {  	[sflag:s24] =	ssyncset.done $0x0  }
0x4b: {  	[sflag:s24] =	ssyncadd.s32 $0xFFFFE000  }
0x4c: {  	_ =	swait.ge [sflag:s24], $0x2000  }
0x4d: {  	s5 =	rddreg [dreg:$0x5];
	[sflag:s24] =	ssyncset.done $0x0  }
0x4e: {  	[sflag:s24] =	ssyncadd.s32 $0xFFFFE000;
	s6 =	sadd.s32 $0x0, s5  }
0x4f: {  	[hbm4b:s6+s25] =	stream.strided.scatter [tilespmem:s12], [sflag:$0x3], $0x2000, s11, s25, $0x38;
	[tilespmem:$0x10B28] =	vst v63  }
0x50: {  	s0 =	sadd.s32 $0x800, s6  }
0x51: {  	[hbm4b:s0+s25] =	stream.strided.scatter [tilespmem:s14], [sflag:$0x3], $0x2000, s11, s25, $0x38;
	[tilespmem:$0x10B28] =	vst v63  }
0x52: {  	p1 =	por $0x0, $0x0;
	s8 =	sadd.s32 $0x8, s6  }
0x53: {  	[hbm4b:s8+s25] =	stream.strided.scatter [tilespmem:s16], [sflag:$0x3], $0x2000, s11, s25, $0x38;
	[tilespmem:$0x10B28] =	vst v63  }
0x54: {  	s9 =	sadd.s32 $0x808, s6;
	s0 =	simm.s32 @!p1 $0x3  }
0x55: {  	[hbm4b:s9+s25] =	stream.strided.scatter [tilespmem:s18], [sflag:$0x3], $0x2000, s11, s25, $0x38;
	[tilespmem:$0x10B28] =	vst v63  }
0x56: {  	_ =	swait.ge @!p1 [sflag:s0], $0x2000  }
0x57: {  	[sflag:s0] =	ssyncset.done @!p1 $0x0  }
0x58: {  	[sflag:s0] =	ssyncadd.s32 @!p1 $0xFFFFE000  }
0x59: {  	_ =	swait.ge @!p1 [sflag:s0], $0x2000  }
0x5a: {  	[sflag:s0] =	ssyncset.done @!p1 $0x0  }
0x5b: {  	[sflag:s0] =	ssyncadd.s32 @!p1 $0xFFFFE000  }
0x5c: {  	_ =	swait.ge @!p1 [sflag:s0], $0x2000  }
0x5d: {  	[sflag:s0] =	ssyncset.done @!p1 $0x0  }
0x5e: {  	[sflag:s0] =	ssyncadd.s32 @!p1 $0xFFFFE000  }
0x5f: {  	_ =	swait.ge @!p1 [sflag:s0], $0x2000  }
0x60: {  	s13 =	simm.s32 @!p1 $0x728;
	s4 =	simm.s32 @!p1 $0x0;
	[sflag:s0] =	ssyncset.done @!p1 $0x0  }
0x61: {  	s5 =	rddreg [dreg:$0xc];
	[sflag:s0] =	ssyncadd.s32 @!p1 $0xFFFFE000;
	s0 =	simm.s32 @!p1 $0x5  }
0x62: {  	[tilespmem:s13], [sflag:$0x5] =	stream.linear.gather @!p1 [hbm4b:s5+s4], $0x200, $0x38;
	[tilespmem:$0x10B28] =	vst v63  }
0x63: {  	_ =	swait.ge @!p1 [sflag:s0], $0x200  }
0x64: {  	[sflag:s0] =	ssyncset.done @!p1 $0x0  }
0x65: {  	s15 =	simm.s32 @!p1 $0xB28;
	s4 =	simm.s32 @!p1 $0x80;
	[sflag:s0] =	ssyncadd.s32 @!p1 $0xFFFFFE00  }
0x66: {  	[tilespmem:s15], [sflag:$0x1] =	stream.indirect.gather @!p1 [spmem:s1], $0x40, s13, s4, $0xb8;
	[tilespmem:$0x10B28] =	vst v63  }
0x67: {  	s0 =	simm.s32 @!p1 $0x7A8;
	s13 =	simm.s32 @!p1 $0x2B28  }
0x68: {  	[tilespmem:s13], [sflag:$0x1] =	stream.indirect.gather @!p1 [spmem:s1], $0x40, s0, s4, $0xb8;
	[tilespmem:$0x10B28] =	vst v63  }
0x69: {  	s0 =	simm.s32 @!p1 $0x828;
	s13 =	simm.s32 @!p1 $0x4B28  }
0x6a: {  	[tilespmem:s13], [sflag:$0x1] =	stream.indirect.gather @!p1 [spmem:s1], $0x40, s0, s4, $0xb8;
	[tilespmem:$0x10B28] =	vst v63  }
0x6b: {  	s0 =	simm.s32 @!p1 $0x8A8;
	s13 =	simm.s32 @!p1 $0x6B28  }
0x6c: {  	[tilespmem:s13], [sflag:$0x1] =	stream.indirect.gather @!p1 [spmem:s1], $0x40, s0, s4, $0xb8;
	[tilespmem:$0x10B28] =	vst v63  }
0x6d: {  	_ =	swait.ge [sflag:s26], $0x2000  }
0x6e: {  	[sflag:s26] =	ssyncset.done $0x0  }
0x6f: {  	[sflag:s26] =	ssyncadd.s32 $0xFFFFE000  }
0x70: {  	_ =	swait.ge [sflag:s26], $0x2000  }
0x71: {  	[sflag:s26] =	ssyncset.done $0x0  }
0x72: {  	[sflag:s26] =	ssyncadd.s32 $0xFFFFE000  }
0x73: {  	_ =	swait.ge [sflag:s26], $0x2000  }
0x74: {  	[sflag:s26] =	ssyncset.done $0x0  }
0x75: {  	[sflag:s26] =	ssyncadd.s32 $0xFFFFE000  }
0x76: {  	_ =	swait.ge [sflag:s26], $0x2000  }
0x77: {  	[sflag:s26] =	ssyncset.done $0x0  }
0x78: {  	s13 =	sadd.s32 $0x1000, s6;
	[sflag:s26] =	ssyncadd.s32 $0xFFFFE000  }
0x79: {  	[hbm4b:s13+s25] =	stream.strided.scatter [tilespmem:s20], [sflag:$0x4], $0x2000, s11, s25, $0x38;
	[tilespmem:$0x10B28] =	vst v63  }
0x7a: {  	p6 =	por $0x0, $0x0;
	s17 =	sadd.s32 $0x1008, s6;
	s15 =	sadd.s32 $0x1800, s6  }
0x7b: {  	[hbm4b:s15+s25] =	stream.strided.scatter [tilespmem:s21], [sflag:$0x4], $0x2000, s11, s25, $0x38;
	[tilespmem:$0x10B28] =	vst v63  }
0x7c: {  	s31 =	sadd.s32 $0x80, s5;
	s0 =	simm.s32 $0x2000;
	p1 =	por p6, p6  }
0x7d: {  	[hbm4b:s17+s25] =	stream.strided.scatter [tilespmem:s22], [sflag:$0x4], $0x2000, s11, s25, $0x38;
	[tilespmem:$0x10B28] =	vst v63  }
0x7e: {  	s13 =	sadd.s32 $0x80, s7;
	s15 =	simm.s32 $0x4000;
	s17 =	sadd.s32 $0x1808, s6  }
.LBB2_2:
0x7f: {  	s3 =	simm.s32 @!p1 $0x4  }
0x80: {  	[hbm4b:s17+s25] =	stream.strided.scatter [tilespmem:s23], [sflag:$0x4], $0x2000, s11, s25, $0x38;
	[tilespmem:$0x10B28] =	vst v63  }
0x81: {  	_ =	swait.ge @!p1 [sflag:s3], $0x2000  }
0x82: {  	[sflag:s3] =	ssyncset.done @!p1 $0x0  }
0x83: {  	[sflag:s3] =	ssyncadd.s32 @!p1 $0xFFFFE000  }
0x84: {  	_ =	swait.ge @!p1 [sflag:s3], $0x2000  }
0x85: {  	[sflag:s3] =	ssyncset.done @!p1 $0x0  }
0x86: {  	[sflag:s3] =	ssyncadd.s32 @!p1 $0xFFFFE000  }
0x87: {  	_ =	swait.ge @!p1 [sflag:s3], $0x2000  }
0x88: {  	[sflag:s3] =	ssyncset.done @!p1 $0x0  }
0x89: {  	[sflag:s3] =	ssyncadd.s32 @!p1 $0xFFFFE000  }
0x8a: {  	_ =	swait.ge @!p1 [sflag:s3], $0x2000  }
0x8b: {  	[sflag:s3] =	ssyncset.done @!p1 $0x0  }
0x8c: {  	[sflag:s3] =	ssyncadd.s32 @!p1 $0xFFFFE000  }
0x8d: {  	[tilespmem:s19], [sflag:$0x5] =	stream.linear.gather [hbm4b:s13+s2], $0x200, $0x38;
	[tilespmem:$0x10B28] =	vst v63  }
0x8e: {  	_ =	swait.ge [sflag:s10], $0x200  }
0x8f: {  	[sflag:s10] =	ssyncset.done $0x0  }
0x90: {  	[sflag:s10] =	ssyncadd.s32 $0xFFFFFE00  }
0x91: {  	[tilespmem:s20], [sflag:$0x2] =	stream.indirect.gather [spmem:s1], $0x40, s19, s11, $0xb8;
	[tilespmem:$0x10B28] =	vst v63  }
0x92: {  	s17 =	rddreg [dreg:$0x6]  }
0x93: {  	[tilespmem:s21], [sflag:$0x2] =	stream.indirect.gather [spmem:s1], $0x40, s17, s11, $0xb8;
	[tilespmem:$0x10B28] =	vst v63  }
0x94: {  	s5 =	rddreg [dreg:$0x7]  }
0x95: {  	[tilespmem:s22], [sflag:$0x2] =	stream.indirect.gather [spmem:s1], $0x40, s5, s11, $0xb8;
	[tilespmem:$0x10B28] =	vst v63  }
0x96: {  	s6 =	rddreg [dreg:$0x8]  }
0x97: {  	[tilespmem:s23], [sflag:$0x2] =	stream.indirect.gather [spmem:s1], $0x40, s6, s11, $0xb8;
	[tilespmem:$0x10B28] =	vst v63  }
0x98: {  	_ =	swait.ge [sflag:s24], $0x2000  }
0x99: {  	[sflag:s24] =	ssyncset.done $0x0  }
0x9a: {  	[sflag:s24] =	ssyncadd.s32 $0xFFFFE000  }
0x9b: {  	_ =	swait.ge [sflag:s24], $0x2000  }
0x9c: {  	[sflag:s24] =	ssyncset.done $0x0  }
0x9d: {  	[sflag:s24] =	ssyncadd.s32 $0xFFFFE000  }
0x9e: {  	_ =	swait.ge [sflag:s24], $0x2000  }
0x9f: {  	[sflag:s24] =	ssyncset.done $0x0  }
0xa0: {  	[sflag:s24] =	ssyncadd.s32 $0xFFFFE000  }
0xa1: {  	_ =	swait.ge [sflag:s24], $0x2000  }
0xa2: {  	s8 =	rddreg [dreg:$0x5];
	[sflag:s24] =	ssyncset.done $0x0  }
0xa3: {  	[sflag:s24] =	ssyncadd.s32 $0xFFFFE000;
	s3 =	sadd.s32 s0, s8  }
0xa4: {  	[hbm4b:s3+s25] =	stream.strided.scatter [tilespmem:s12], [sflag:$0x3], $0x2000, s11, s25, $0x38;
	[tilespmem:$0x10B28] =	vst v63  }
0xa5: {  	p3 =	seq.s32 s15, $0x0;
	s4 =	smov.u32 s15;
	s5 =	sadd.s32 $0x800, s3  }
0xa6: {  	[hbm4b:s5+s25] =	stream.strided.scatter [tilespmem:s14], [sflag:$0x3], $0x2000, s11, s25, $0x38;
	[tilespmem:$0x10B28] =	vst v63  }
0xa7: {  	p1 =	por p3, p3;
	p3 =	seq.s32 s0, $0xC6000;
	s9 =	sadd.s32 $0x8, s3  }
0xa8: {  	[hbm4b:s9+s25] =	stream.strided.scatter [tilespmem:s16], [sflag:$0x3], $0x2000, s11, s25, $0x38;
	[tilespmem:$0x10B28] =	vst v63  }
0xa9: {  	s0 =	smov.u32 s4;
	s4 =	simm.s32 @!p3 $0x3;
	s6 =	sadd.s32 $0x808, s3  }
0xaa: {  	[hbm4b:s6+s25] =	stream.strided.scatter [tilespmem:s18], [sflag:$0x3], $0x2000, s11, s25, $0x38;
	[tilespmem:$0x10B28] =	vst v63  }
0xab: {  	_ =	swait.ge @!p3 [sflag:s4], $0x2000  }
0xac: {  	[sflag:s4] =	ssyncset.done @!p3 $0x0  }
0xad: {  	[sflag:s4] =	ssyncadd.s32 @!p3 $0xFFFFE000  }
0xae: {  	_ =	swait.ge @!p3 [sflag:s4], $0x2000  }
0xaf: {  	[sflag:s4] =	ssyncset.done @!p3 $0x0  }
0xb0: {  	[sflag:s4] =	ssyncadd.s32 @!p3 $0xFFFFE000  }
0xb1: {  	_ =	swait.ge @!p3 [sflag:s4], $0x2000  }
0xb2: {  	[sflag:s4] =	ssyncset.done @!p3 $0x0  }
0xb3: {  	[sflag:s4] =	ssyncadd.s32 @!p3 $0xFFFFE000  }
0xb4: {  	_ =	swait.ge @!p3 [sflag:s4], $0x2000  }
0xb5: {  	s5 =	simm.s32 @!p3 $0x0;
	[sflag:s4] =	ssyncset.done @!p3 $0x0  }
0xb6: {  	s9 =	simm.s32 @!p3 $0x728;
	[sflag:s4] =	ssyncadd.s32 @!p3 $0xFFFFE000;
	s4 =	simm.s32 @!p3 $0x5  }
0xb7: {  	[tilespmem:s9], [sflag:$0x5] =	stream.linear.gather @!p3 [hbm4b:s31+s5], $0x200, $0x38;
	[tilespmem:$0x10B28] =	vst v63  }
0xb8: {  	_ =	swait.ge @!p3 [sflag:s4], $0x200  }
0xb9: {  	[sflag:s4] =	ssyncset.done @!p3 $0x0  }
0xba: {  	s8 =	simm.s32 @!p3 $0xB28;
	s5 =	simm.s32 @!p3 $0x80;
	[sflag:s4] =	ssyncadd.s32 @!p3 $0xFFFFFE00  }
0xbb: {  	[tilespmem:s8], [sflag:$0x1] =	stream.indirect.gather @!p3 [spmem:s1], $0x40, s9, s5, $0xb8;
	[tilespmem:$0x10B28] =	vst v63  }
0xbc: {  	s6 =	simm.s32 @!p3 $0x2B28;
	s4 =	simm.s32 @!p3 $0x7A8  }
0xbd: {  	[tilespmem:s6], [sflag:$0x1] =	stream.indirect.gather @!p3 [spmem:s1], $0x40, s4, s5, $0xb8;
	[tilespmem:$0x10B28] =	vst v63  }
0xbe: {  	s8 =	simm.s32 @!p3 $0x828;
	s9 =	simm.s32 @!p3 $0x4B28  }
0xbf: {  	[tilespmem:s9], [sflag:$0x1] =	stream.indirect.gather @!p3 [spmem:s1], $0x40, s8, s5, $0xb8;
	[tilespmem:$0x10B28] =	vst v63  }
0xc0: {  	s4 =	simm.s32 @!p3 $0x8A8;
	s6 =	simm.s32 @!p3 $0x6B28  }
0xc1: {  	[tilespmem:s6], [sflag:$0x1] =	stream.indirect.gather @!p3 [spmem:s1], $0x40, s4, s5, $0xb8;
	[tilespmem:$0x10B28] =	vst v63  }
0xc2: {  	_ =	swait.ge [sflag:s26], $0x2000  }
0xc3: {  	[sflag:s26] =	ssyncset.done $0x0  }
0xc4: {  	[sflag:s26] =	ssyncadd.s32 $0xFFFFE000  }
0xc5: {  	_ =	swait.ge [sflag:s26], $0x2000  }
0xc6: {  	[sflag:s26] =	ssyncset.done $0x0  }
0xc7: {  	[sflag:s26] =	ssyncadd.s32 $0xFFFFE000  }
0xc8: {  	_ =	swait.ge [sflag:s26], $0x2000  }
0xc9: {  	[sflag:s26] =	ssyncset.done $0x0  }
0xca: {  	[sflag:s26] =	ssyncadd.s32 $0xFFFFE000  }
0xcb: {  	_ =	swait.ge [sflag:s26], $0x2000  }
0xcc: {  	s15 =	sadd.s32 $0x2000, s15;
	[sflag:s26] =	ssyncset.done $0x0  }
0xcd: {  	p2 =	sne.s32 s15, $0xC8000;
	s8 =	sadd.s32 $0x1000, s3;
	[sflag:s26] =	ssyncadd.s32 $0xFFFFE000  }
0xce: {  	[hbm4b:s8+s25] =	stream.strided.scatter [tilespmem:s20], [sflag:$0x4], $0x2000, s11, s25, $0x38;
	[tilespmem:$0x10B28] =	vst v63  }
.Ltmp0:
0xcf: {  	_ = 	snop;
	(pc) =	sbr.rel @p2 .LBB2_2-.Ltmp0, $4  }
0xd0: {  	s13 =	sadd.s32 $0x80, s13;
	s9 =	sadd.s32 $0x1800, s3  }
0xd1: {  	[hbm4b:s9+s25] =	stream.strided.scatter [tilespmem:s21], [sflag:$0x4], $0x2000, s11, s25, $0x38;
	[tilespmem:$0x10B28] =	vst v63  }
0xd2: {  	s17 =	sadd.s32 $0x1808, s3;
	s31 =	sadd.s32 $0x80, s31;
	s3 =	sadd.s32 $0x1008, s3  }
0xd3: {  	[hbm4b:s3+s25] =	stream.strided.scatter [tilespmem:s22], [sflag:$0x4], $0x2000, s11, s25, $0x38;
	[tilespmem:$0x10B28] =	vst v63  }
0xd4: {  	[hbm4b:s17+s25] =	stream.strided.scatter [tilespmem:s23], [sflag:$0x4], $0x2000, s11, s25, $0x38;
	[tilespmem:$0x10B28] =	vst v63  }
0xd5: {  	s3 =	simm.s32 @!p1 $0x4  }
0xd6: {  	_ =	swait.ge @!p1 [sflag:s3], $0x2000  }
0xd7: {  	[sflag:s3] =	ssyncset.done @!p1 $0x0  }
0xd8: {  	[sflag:s3] =	ssyncadd.s32 @!p1 $0xFFFFE000  }
0xd9: {  	_ =	swait.ge @!p1 [sflag:s3], $0x2000  }
0xda: {  	[sflag:s3] =	ssyncset.done @!p1 $0x0  }
0xdb: {  	[sflag:s3] =	ssyncadd.s32 @!p1 $0xFFFFE000  }
0xdc: {  	_ =	swait.ge @!p1 [sflag:s3], $0x2000  }
0xdd: {  	[sflag:s3] =	ssyncset.done @!p1 $0x0  }
0xde: {  	[sflag:s3] =	ssyncadd.s32 @!p1 $0xFFFFE000  }
0xdf: {  	_ =	swait.ge @!p1 [sflag:s3], $0x2000  }
0xe0: {  	[sflag:s3] =	ssyncset.done @!p1 $0x0  }
0xe1: {  	[sflag:s3] =	ssyncadd.s32 @!p1 $0xFFFFE000  }
0xe2: {  	[tilespmem:s19], [sflag:$0x5] =	stream.linear.gather [hbm4b:s13+s2], $0x200, $0x38;
	[tilespmem:$0x10B28] =	vst v63  }
0xe3: {  	_ =	swait.ge [sflag:s10], $0x200  }
0xe4: {  	[sflag:s10] =	ssyncset.done $0x0  }
0xe5: {  	[sflag:s10] =	ssyncadd.s32 $0xFFFFFE00  }
0xe6: {  	[tilespmem:s20], [sflag:$0x2] =	stream.indirect.gather [spmem:s1], $0x40, s19, s11, $0xb8;
	[tilespmem:$0x10B28] =	vst v63  }
0xe7: {  	s15 =	rddreg [dreg:$0x6]  }
0xe8: {  	[tilespmem:s21], [sflag:$0x2] =	stream.indirect.gather [spmem:s1], $0x40, s15, s11, $0xb8;
	[tilespmem:$0x10B28] =	vst v63  }
0xe9: {  	s4 =	rddreg [dreg:$0x7]  }
0xea: {  	[tilespmem:s22], [sflag:$0x2] =	stream.indirect.gather [spmem:s1], $0x40, s4, s11, $0xb8;
	[tilespmem:$0x10B28] =	vst v63  }
0xeb: {  	s17 =	rddreg [dreg:$0x8]  }
0xec: {  	[tilespmem:s23], [sflag:$0x2] =	stream.indirect.gather [spmem:s1], $0x40, s17, s11, $0xb8;
	[tilespmem:$0x10B28] =	vst v63  }
0xed: {  	_ =	swait.ge [sflag:s24], $0x2000  }
0xee: {  	[sflag:s24] =	ssyncset.done $0x0  }
0xef: {  	[sflag:s24] =	ssyncadd.s32 $0xFFFFE000  }
0xf0: {  	_ =	swait.ge [sflag:s24], $0x2000  }
0xf1: {  	[sflag:s24] =	ssyncset.done $0x0  }
0xf2: {  	[sflag:s24] =	ssyncadd.s32 $0xFFFFE000  }
0xf3: {  	_ =	swait.ge [sflag:s24], $0x2000  }
0xf4: {  	[sflag:s24] =	ssyncset.done $0x0  }
0xf5: {  	[sflag:s24] =	ssyncadd.s32 $0xFFFFE000  }
0xf6: {  	_ =	swait.ge [sflag:s24], $0x2000  }
0xf7: {  	s4 =	rddreg [dreg:$0x5];
	[sflag:s24] =	ssyncset.done $0x0  }
0xf8: {  	[sflag:s24] =	ssyncadd.s32 $0xFFFFE000;
	s3 =	sadd.s32 s0, s4  }
0xf9: {  	[hbm4b:s3+s25] =	stream.strided.scatter [tilespmem:s12], [sflag:$0x3], $0x2000, s11, s25, $0x38;
	[tilespmem:$0x10B28] =	vst v63  }
0xfa: {  	s5 =	sadd.s32 $0x800, s3  }
0xfb: {  	[hbm4b:s5+s25] =	stream.strided.scatter [tilespmem:s14], [sflag:$0x3], $0x2000, s11, s25, $0x38;
	[tilespmem:$0x10B28] =	vst v63  }
0xfc: {  	p1 =	seq.s32 s0, $0xC6000;
	s6 =	sadd.s32 $0x8, s3  }
0xfd: {  	[hbm4b:s6+s25] =	stream.strided.scatter [tilespmem:s16], [sflag:$0x3], $0x2000, s11, s25, $0x38;
	[tilespmem:$0x10B28] =	vst v63  }
0xfe: {  	s0 =	simm.s32 @!p1 $0x3;
	s8 =	sadd.s32 $0x808, s3  }
0xff: {  	[hbm4b:s8+s25] =	stream.strided.scatter [tilespmem:s18], [sflag:$0x3], $0x2000, s11, s25, $0x38;
	[tilespmem:$0x10B28] =	vst v63  }
0x100: {  	_ =	swait.ge @!p1 [sflag:s0], $0x2000  }
0x101: {  	[sflag:s0] =	ssyncset.done @!p1 $0x0  }
0x102: {  	[sflag:s0] =	ssyncadd.s32 @!p1 $0xFFFFE000  }
0x103: {  	_ =	swait.ge @!p1 [sflag:s0], $0x2000  }
0x104: {  	[sflag:s0] =	ssyncset.done @!p1 $0x0  }
0x105: {  	[sflag:s0] =	ssyncadd.s32 @!p1 $0xFFFFE000  }
0x106: {  	_ =	swait.ge @!p1 [sflag:s0], $0x2000  }
0x107: {  	[sflag:s0] =	ssyncset.done @!p1 $0x0  }
0x108: {  	[sflag:s0] =	ssyncadd.s32 @!p1 $0xFFFFE000  }
0x109: {  	_ =	swait.ge @!p1 [sflag:s0], $0x2000  }
0x10a: {  	[sflag:s0] =	ssyncset.done @!p1 $0x0  }
0x10b: {  	s4 =	simm.s32 @!p1 $0x0;
	[sflag:s0] =	ssyncadd.s32 @!p1 $0xFFFFE000;
	s0 =	simm.s32 @!p1 $0x728  }
0x10c: {  	[tilespmem:s0], [sflag:$0x5] =	stream.linear.gather @!p1 [hbm4b:s31+s4], $0x200, $0x38;
	[tilespmem:$0x10B28] =	vst v63  }
0x10d: {  	s4 =	simm.s32 @!p1 $0x5  }
0x10e: {  	_ =	swait.ge @!p1 [sflag:s4], $0x200  }
0x10f: {  	[sflag:s4] =	ssyncset.done @!p1 $0x0  }
0x110: {  	s5 =	simm.s32 @!p1 $0x80;
	[sflag:s4] =	ssyncadd.s32 @!p1 $0xFFFFFE00;
	s4 =	simm.s32 @!p1 $0xB28  }
0x111: {  	[tilespmem:s4], [sflag:$0x1] =	stream.indirect.gather @!p1 [spmem:s1], $0x40, s0, s5, $0xb8;
	[tilespmem:$0x10B28] =	vst v63  }
0x112: {  	s0 =	simm.s32 @!p1 $0x7A8;
	s4 =	simm.s32 @!p1 $0x2B28  }
0x113: {  	[tilespmem:s4], [sflag:$0x1] =	stream.indirect.gather @!p1 [spmem:s1], $0x40, s0, s5, $0xb8;
	[tilespmem:$0x10B28] =	vst v63  }
0x114: {  	s0 =	simm.s32 @!p1 $0x828;
	s4 =	simm.s32 @!p1 $0x4B28  }
0x115: {  	[tilespmem:s4], [sflag:$0x1] =	stream.indirect.gather @!p1 [spmem:s1], $0x40, s0, s5, $0xb8;
	[tilespmem:$0x10B28] =	vst v63  }
0x116: {  	s0 =	simm.s32 @!p1 $0x8A8;
	s4 =	simm.s32 @!p1 $0x6B28  }
0x117: {  	[tilespmem:s4], [sflag:$0x1] =	stream.indirect.gather @!p1 [spmem:s1], $0x40, s0, s5, $0xb8;
	[tilespmem:$0x10B28] =	vst v63  }
0x118: {  	_ =	swait.ge [sflag:s26], $0x2000  }
0x119: {  	[sflag:s26] =	ssyncset.done $0x0  }
0x11a: {  	[sflag:s26] =	ssyncadd.s32 $0xFFFFE000  }
0x11b: {  	_ =	swait.ge [sflag:s26], $0x2000  }
0x11c: {  	[sflag:s26] =	ssyncset.done $0x0  }
0x11d: {  	[sflag:s26] =	ssyncadd.s32 $0xFFFFE000  }
0x11e: {  	_ =	swait.ge [sflag:s26], $0x2000  }
0x11f: {  	[sflag:s26] =	ssyncset.done $0x0  }
0x120: {  	[sflag:s26] =	ssyncadd.s32 $0xFFFFE000  }
0x121: {  	_ =	swait.ge [sflag:s26], $0x2000  }
0x122: {  	[sflag:s26] =	ssyncset.done $0x0  }
0x123: {  	s9 =	sadd.s32 $0x1000, s3;
	[sflag:s26] =	ssyncadd.s32 $0xFFFFE000  }
0x124: {  	[hbm4b:s9+s25] =	stream.strided.scatter [tilespmem:s20], [sflag:$0x4], $0x2000, s11, s25, $0x38;
	[tilespmem:$0x10B28] =	vst v63  }
0x125: {  	s13 =	sadd.s32 $0x1800, s3  }
0x126: {  	[hbm4b:s13+s25] =	stream.strided.scatter [tilespmem:s21], [sflag:$0x4], $0x2000, s11, s25, $0x38;
	[tilespmem:$0x10B28] =	vst v63  }
0x127: {  	s15 =	sadd.s32 $0x1008, s3  }
0x128: {  	[hbm4b:s15+s25] =	stream.strided.scatter [tilespmem:s22], [sflag:$0x4], $0x2000, s11, s25, $0x38;
	[tilespmem:$0x10B28] =	vst v63  }
0x129: {  	s17 =	sadd.s32 $0x1808, s3  }
0x12a: {  	[hbm4b:s17+s25] =	stream.strided.scatter [tilespmem:s23], [sflag:$0x4], $0x2000, s11, s25, $0x38;
	[tilespmem:$0x10B28] =	vst v63  }
0x12b: {  	_ =	swait.ge [sflag:s28], $0x2000  }
0x12c: {  	[sflag:s28] =	ssyncset.done $0x0  }
0x12d: {  	[sflag:s28] =	ssyncadd.s32 $0xFFFFE000  }
0x12e: {  	_ =	swait.ge [sflag:s28], $0x2000  }
0x12f: {  	[sflag:s28] =	ssyncset.done $0x0  }
0x130: {  	[sflag:s28] =	ssyncadd.s32 $0xFFFFE000  }
0x131: {  	_ =	swait.ge [sflag:s28], $0x2000  }
0x132: {  	[sflag:s28] =	ssyncset.done $0x0  }
0x133: {  	[sflag:s28] =	ssyncadd.s32 $0xFFFFE000  }
0x134: {  	_ =	swait.ge [sflag:s28], $0x2000  }
0x135: {  	[sflag:s28] =	ssyncset.done $0x0  }
0x136: {  	[sflag:s28] =	ssyncadd.s32 $0xFFFFE000  }
0x137: {  	_ =	swait.ge [sflag:s29], $0x2000  }
0x138: {  	[sflag:s29] =	ssyncset.done $0x0  }
0x139: {  	[sflag:s29] =	ssyncadd.s32 $0xFFFFE000  }
0x13a: {  	_ =	swait.ge [sflag:s29], $0x2000  }
0x13b: {  	[sflag:s29] =	ssyncset.done $0x0  }
0x13c: {  	[sflag:s29] =	ssyncadd.s32 $0xFFFFE000  }
0x13d: {  	_ =	swait.ge [sflag:s29], $0x2000  }
0x13e: {  	[sflag:s29] =	ssyncset.done $0x0  }
0x13f: {  	[sflag:s29] =	ssyncadd.s32 $0xFFFFE000  }
0x140: {  	_ =	swait.ge [sflag:s29], $0x2000  }
0x141: {  	s30 =	sadd.s32 $0x1, s30;
	s31 =	rddreg [dreg:$0xb]  }
0x142: {  	p1 =	sne.s32 s30, s31  }
.Ltmp1:
0x143: {  	_ = 	snop;
	(pc) =	sbr.rel @p1 .LBB2_1-.Ltmp1, $3  }
0x144: {  	_ =	sdelay $0x1  }
0x145: {  	[sflag:s29] =	ssyncset.done $0x0  }
0x146: {  	[sflag:s29] =	ssyncadd.s32 $0xFFFFE000  }
0x147: {  	_ =	sfence.sel $0x180000  }
0x148: {  	[bflag:$0x0] =	sbarrier.arrive $0xFFFF  }
0x149: {  	_ =	strace $0x90000047  }
0x14a: {  	[bflag:$0x2] =	sbarrier.arrive $0xFFFF  }
0x14b: {  	s0 =	rddreg [dreg:$0x4]  }
0x14c: {  	s0 =	sadd.s32 @!p0 $0x100000, s0  }
0x14d: {  	[sflag:s0] =	ssyncadd.tile.s32 @!p0 $0x1;
	_ =	shalt  }
.Lfunc_end2:
_tile_overlayer_lowered:
.L_overlay_start_2:
0x14e: {  	(tag) =	ssettag $0x2  }
0x14f: {  	s0 =	rddreg [dreg:$0x0];
	s2 =	stileid.u32  }
0x150: {  	s1 =	rddreg [dreg:$0x1];
	p0 =	sne.s32 s2, $0x0  }
0x151: {  	s3 =	rddreg [dreg:$0x2];
	[bflag:$0x3] =	sbarrier.arrive $0xFFFF;
	s2 =	simm.s32 @!p0 $0x1C05  }
0x152: {  	[timem:s3], [sflag:s2] =	dma.local @!p0 [hbm:s0], s1  }
0x153: {  	s0 =	simm.s32 @!p0 $0x5  }
0x154: {  	_ =	swait.ge @!p0 [sflag:s0], s1  }
0x155: {  	s1 =	ssub.s32 @!p0 $0x0, s1;
	[sflag:s0] =	ssyncset.done @!p0 $0x0  }
0x156: {  	[sflag:s0] =	ssyncadd.s32 @!p0 s1  }
0x157: {  	[bflag:$0x3] =	sbarrier.arrive $0xFFFF  }
0x158: {  	_ =	shalt  }

</sc_bundles>
